<compile_context>
chip_gen: v7x
topology: tpu7x:2x2x1
jax: 0.10.2.dev20260603
libtpu: 0.0.44.dev20260713+nightly
codegen_flags: <defaults>
</compile_context>

<pallas_src>
import functools

import jax
import jax.numpy as jnp
from jax import lax
from jax.experimental import pallas as pl
from jax.experimental.pallas import tpu as pltpu
from jax.experimental.pallas import tpu_sc as plsc

D1, D2, D3 = 300, 64, 32
DOUT = D1 + D2 + D3
NPOS = 101
B = 16384
NC, NS = 2, 16
NW = NC * NS
BPW = B // NW
C = 64
NCHUNK = BPW // C
G = 8
NG = C // G


def _body(words_hbm, pre_hbm, lrn_hbm, pos_hbm, out_hbm,
          idx_v, pos_v, r1a, r1b, r2a, r2b, comb_v, sub_s,
          sem1a, sem1b, sem2a, sem2b):
    cid = lax.axis_index("c")
    sid = lax.axis_index("s")
    wid = sid * NC + cid
    base = wid * BPW

    pltpu.sync_copy(words_hbm.at[pl.ds(base, BPW)], idx_v.at[pl.ds(0, BPW)])
    pltpu.sync_copy(pos_hbm, pos_v)

    lanes = lax.iota(jnp.int32, 16)
    tail_mask = lanes >= 4

    def fetch(g, r1, r2, s1, s2, buf):
        vec = idx_v[pl.ds(g * G, 16)]
        for k in range(G):
            w = vec[k]
            sub_s[buf, k] = w % 8
            blk = pl.multiple_of((w // 8) * 8, 8)
            pltpu.async_copy(
                pre_hbm.at[pl.ds(blk, 8)], r1.at[pl.ds(k * 8, 8)], s1)
            pltpu.async_copy(
                lrn_hbm.at[pl.ds(blk, 8)], r2.at[pl.ds(k * 8, 8)], s2)

    def wait(r1, r2, s1, s2):
        pltpu.make_async_copy(pre_hbm.at[pl.ds(0, G * 8)], r1, s1).wait()
        pltpu.make_async_copy(lrn_hbm.at[pl.ds(0, G * 8)], r2, s2).wait()

    def extract(g, row0, r1, r2, buf):
        @pl.loop(0, G)
        def _asm(k):
            s = k * 8 + sub_s[buf, k]
            i = (g % NG) * G + k
            for off in range(0, 288, 16):
                comb_v[i, pl.ds(off, 16)] = r1[s, pl.ds(off, 16)]
            irow = jnp.full((16,), i, jnp.int32)
            srow = jnp.full((16,), s, jnp.int32)
            t = plsc.load_gather(r1, [srow, (D1 - 16) + lanes])
            plsc.store_scatter(
                comb_v, [irow, (D1 - 16) + lanes], t, mask=tail_mask)
            for off in range(0, D2, 16):
                t2 = r2[s, pl.ds(off, 16)]
                plsc.store_scatter(comb_v, [irow, (D1 + off) + lanes], t2)
            pidx = jnp.minimum(row0 + (g % NG) * G + k, NPOS - 1)
            prow = jnp.full((16,), pidx, jnp.int32)
            for off in range(0, D3, 16):
                t3 = plsc.load_gather(pos_v, [prow, off + lanes])
                plsc.store_scatter(
                    comb_v, [irow, (D1 + D2 + off) + lanes], t3)

    fetch(0, r1a, r2a, sem1a, sem2a, 0)

    @pl.loop(0, NCHUNK)
    def _chunk(c):
        row0 = base + c * C

        @pl.loop(0, NG // 2)
        def _pair(h):
            g = c * NG + 2 * h
            wait(r1a, r2a, sem1a, sem2a)
            fetch(g + 1, r1b, r2b, sem1b, sem2b, 1)
            extract(g, row0, r1a, r2a, 0)
            wait(r1b, r2b, sem1b, sem2b)

            @pl.when(g + 2 < NCHUNK * NG)
            def _():
                fetch(g + 2, r1a, r2a, sem1a, sem2a, 0)

            extract(g + 1, row0, r1b, r2b, 1)

        pltpu.sync_copy(
            comb_v, out_hbm.at[pl.ds(pl.multiple_of(row0, 8), C)])


@jax.jit
def _embed(words, pretrained, learned, pos_table):
    mesh = plsc.VectorSubcoreMesh(core_axis_name="c", subcore_axis_name="s")
    f = functools.partial(
        pl.kernel,
        mesh=mesh,
        compiler_params=pltpu.CompilerParams(needs_layout_passes=False),
        out_type=jax.ShapeDtypeStruct((B, DOUT), jnp.float32),
        scratch_types=[
            pltpu.VMEM((BPW + 16,), jnp.int32),
            pltpu.VMEM((NPOS, D3), jnp.float32),
            pltpu.VMEM((G * 8, D1), jnp.float32),
            pltpu.VMEM((G * 8, D1), jnp.float32),
            pltpu.VMEM((G * 8, D2), jnp.float32),
            pltpu.VMEM((G * 8, D2), jnp.float32),
            pltpu.VMEM((C, DOUT), jnp.float32),
            pltpu.SMEM((2, G), jnp.int32),
            pltpu.SemaphoreType.DMA,
            pltpu.SemaphoreType.DMA,
            pltpu.SemaphoreType.DMA,
            pltpu.SemaphoreType.DMA,
        ],
    )(_body)
    return f(words, pretrained, learned, pos_table)


def kernel(words, pretrained, learned, pos_table):
    return _embed(words.astype(jnp.int32), pretrained, learned, pos_table)

# --- scband reference (transcript-rebuilt; emitter-appended) ---
"""Pipeline reference for scband-embedding-layer-22780506538753 (READ-ONLY COPY).

The authoritative reference and input builder live on the scoring server;
editing this copy changes nothing except your own understanding.
"""

import jax, jax.numpy as jnp
import numpy as np

VOCAB = 100000
PRETRAINED_DIM = 300
LEARNED_DIM = 64
POS_DIM = 32
N_TOKENS = 16384


def setup_inputs(seed: int = 0) -> dict:
    key = jax.random.key(seed)
    k1, k2, k3, k4 = jax.random.split(key, 4)
    words = jax.random.randint(k1, (N_TOKENS,), 0, VOCAB)
    pretrained = jax.random.normal(k2, (VOCAB, PRETRAINED_DIM), dtype=jnp.float32)
    learned = jax.random.normal(k3, (VOCAB, LEARNED_DIM), dtype=jnp.float32)
    pos_table = jax.random.normal(k4, (101, POS_DIM), dtype=jnp.float32)
    return {"words": words, "pretrained": pretrained, "learned": learned, "pos_table": pos_table}


def reference(words, pretrained, learned, pos_table):
    # pr_embedding lookup (frozen pretrained table)
    word_embeds1 = jnp.take(pretrained, words, axis=0)
    # wd_embedding lookup (learned table)
    word_embeds2 = jnp.take(learned, words, axis=0)
    # tags=None, nes=None, headPositions=None -> tag/ner/dist/pred parts skipped
    # ps_embedding: position index i clamped at 100
    pos_idx = jnp.minimum(jnp.arange(words.shape[0]), 100)
    pos_embed = jnp.take(pos_table, pos_idx, axis=0)
    embed = jnp.concatenate([word_embeds1, word_embeds2, pos_embed], axis=1)
    # dropout p=0.0 -> identity
    return embed

if __name__ == "__main__":
    import jax
    _d = setup_inputs()
    print(jax.jit(kernel)(*tuple(_d.values())))

</pallas_src>

<mosaic_0001>
#map = affine_map<(d0, d1) -> (0)>
#map1 = affine_map<(d0, d1) -> (0, 0)>
module attributes {stable_mosaic.version = 14 : i64} {
  func.func @_body(%arg0: i32, %arg1: i32, %arg2: memref<16384xi32, #tpu.memory_space<hbm>>, %arg3: memref<100000x300xf32, #tpu.memory_space<hbm>>, %arg4: memref<100000x64xf32, #tpu.memory_space<hbm>>, %arg5: memref<101x32xf32, #tpu.memory_space<hbm>>, %arg6: memref<16384x396xf32, #tpu.memory_space<hbm>>, %arg7: memref<528xi32, #tpu.memory_space<vmem>>, %arg8: memref<101x32xf32, #tpu.memory_space<vmem>>, %arg9: memref<64x300xf32, #tpu.memory_space<vmem>>, %arg10: memref<64x300xf32, #tpu.memory_space<vmem>>, %arg11: memref<64x64xf32, #tpu.memory_space<vmem>>, %arg12: memref<64x64xf32, #tpu.memory_space<vmem>>, %arg13: memref<64x396xf32, #tpu.memory_space<vmem>>, %arg14: memref<2x8xi32, #tpu.memory_space<smem>>, %arg15: memref<!tpu.dma_semaphore, #tpu.memory_space<semaphore_mem>>, %arg16: memref<!tpu.dma_semaphore, #tpu.memory_space<semaphore_mem>>, %arg17: memref<!tpu.dma_semaphore, #tpu.memory_space<semaphore_mem>>, %arg18: memref<!tpu.dma_semaphore, #tpu.memory_space<semaphore_mem>>) attributes {dimension_semantics = [#tpu.dimension_semantics<core_parallel>, #tpu.dimension_semantics<subcore_parallel>], iteration_bounds = array<i64: 2, 16>, scalar_prefetch = 0 : i64, scratch_operands = 12 : i64, tpu.core_type = #tpu.core_type<sc_vector_subcore>, window_params = [{transform_indices = #map}, {transform_indices = #map1}, {transform_indices = #map1}, {transform_indices = #map1}, {transform_indices = #map1}]} {
    %mul3A = arith.constant 2 : i32
    %mul3A_0 = arith.muli %arg1, %mul3A : i32
    %add3A = arith.addi %mul3A_0, %arg0 : i32
    %mul3A_1 = arith.constant 512 : i32
    %mul3A_2 = arith.muli %add3A, %mul3A_1 : i32
    "tpu.region"() ({
      %run_scoped3A = tpu.sem_alloc : memref<!tpu.dma_semaphore, #tpu.memory_space<semaphore_mem>>
      %dma_start3A_555 = arith.constant 0 : i32
      %dma_start3A_556 = tpu.memref_slice %arg7[%dma_start3A_555] : memref<528xi32, #tpu.memory_space<vmem>> -> memref<512xi32, #tpu.memory_space<vmem>>
      %dma_start3A_557 = tpu.memref_slice %arg2[%mul3A_2] : memref<16384xi32, #tpu.memory_space<hbm>> -> memref<512xi32, #tpu.memory_space<hbm>>
      %dma_start3A_558 = arith.constant 0 : i32
      %dma_start3A_559 = tpu.memref_slice %arg7[%dma_start3A_558] : memref<528xi32, #tpu.memory_space<vmem>> -> memref<512xi32, #tpu.memory_space<vmem>>
      %dma_start3A_560 = tpu.memref_slice %arg2[%mul3A_2] : memref<16384xi32, #tpu.memory_space<hbm>> -> memref<512xi32, #tpu.memory_space<hbm>>
      tpu.enqueue_dma source(%dma_start3A_560 : memref<512xi32, #tpu.memory_space<hbm>>) target(%dma_start3A_559 : memref<512xi32, #tpu.memory_space<vmem>>) target_semaphore(%run_scoped3A : memref<!tpu.dma_semaphore, #tpu.memory_space<semaphore_mem>>)
      %dma_wait3A = arith.constant 0 : i32
      %dma_wait3A_561 = tpu.memref_slice %arg7[%dma_wait3A] : memref<528xi32, #tpu.memory_space<vmem>> -> memref<512xi32, #tpu.memory_space<vmem>>
      %dma_wait3A_562 = tpu.memref_slice %arg2[%mul3A_2] : memref<16384xi32, #tpu.memory_space<hbm>> -> memref<512xi32, #tpu.memory_space<hbm>>
      %dma_wait3A_563 = arith.constant 0 : i32
      %dma_wait3A_564 = tpu.memref_slice %arg7[%dma_wait3A_563] : memref<528xi32, #tpu.memory_space<vmem>> -> memref<512xi32, #tpu.memory_space<vmem>>
      %dma_wait3A_565 = tpu.memref_slice %arg2[%mul3A_2] : memref<16384xi32, #tpu.memory_space<hbm>> -> memref<512xi32, #tpu.memory_space<hbm>>
      tpu.wait_dma2 semaphore(%run_scoped3A : memref<!tpu.dma_semaphore, #tpu.memory_space<semaphore_mem>>) src(%dma_wait3A_565 : memref<512xi32, #tpu.memory_space<hbm>>) dst(%dma_wait3A_564 : memref<512xi32, #tpu.memory_space<vmem>>)
      tpu.yield
    }) : () -> ()
    "tpu.region"() ({
      %run_scoped3A = tpu.sem_alloc : memref<!tpu.dma_semaphore, #tpu.memory_space<semaphore_mem>>
      tpu.enqueue_dma source(%arg5 : memref<101x32xf32, #tpu.memory_space<hbm>>) target(%arg8 : memref<101x32xf32, #tpu.memory_space<vmem>>) target_semaphore(%run_scoped3A : memref<!tpu.dma_semaphore, #tpu.memory_space<semaphore_mem>>)
      tpu.wait_dma2 semaphore(%run_scoped3A : memref<!tpu.dma_semaphore, #tpu.memory_space<semaphore_mem>>) src(%arg5 : memref<101x32xf32, #tpu.memory_space<hbm>>) dst(%arg8 : memref<101x32xf32, #tpu.memory_space<vmem>>)
      tpu.yield
    }) : () -> ()
    %iota3A = tpu.iota {dimensions = array<i32: 0>} : vector<16xi32>
    %ge3A = arith.constant 4 : i32
    %ge3A_3 = vector.broadcast %ge3A : i32 to vector<16xi32>
    %ge3A_4 = arith.cmpi sge, %iota3A, %ge3A_3 : vector<16xi32>
    %get3A = arith.constant 0 : index
    %get3A_5 = tpu.vector_load %arg7[%get3A] {strides = array<i32>} : memref<528xi32, #tpu.memory_space<vmem>>, vector<16xi32>,
    %slice3A = vector.extract_strided_slice %get3A_5 {offsets = [0], sizes = [1], strides = [1]} : vector<16xi32> to vector<1xi32>
    %squeeze3A = vector.extract %slice3A[0] : i32 from vector<1xi32>
    %jit3A = arith.constant 8 : i32
    %eq3A = arith.constant 0 : i32
    %eq3A_6 = arith.cmpi eq, %jit3A, %eq3A : i32
    %jit3A_7 = arith.constant 1 : i32
    %select_n3A = arith.select %eq3A_6, %jit3A_7, %jit3A : i32
    %rem3A = arith.remsi %squeeze3A, %select_n3A : i32
    %ne3A = arith.constant 0 : i32
    %ne3A_8 = arith.cmpi ne, %rem3A, %ne3A : i32
    %lt3A = arith.constant 0 : i32
    %lt3A_9 = arith.cmpi slt, %rem3A, %lt3A : i32
    %lt3A_10 = arith.constant 0 : i32
    %lt3A_11 = arith.cmpi slt, %select_n3A, %lt3A_10 : i32
    %ne3A_12 = arith.xori %lt3A_9, %lt3A_11 : i1
    %and3A = arith.andi %ne3A_12, %ne3A_8 : i1
    %add3A_13 = arith.addi %rem3A, %select_n3A : i32
    %select_n3A_14 = arith.select %and3A, %add3A_13, %rem3A : i32
    %swap3A = arith.constant 0 : i32
    %swap3A_15 = arith.constant 0 : i32
    %swap3A_16 = arith.index_cast %swap3A : i32 to index
    %swap3A_17 = arith.index_cast %swap3A_15 : i32 to index
    %swap3A_18 = memref.load %arg14[%swap3A_16, %swap3A_17] : memref<2x8xi32, #tpu.memory_space<smem>>
    memref.store %select_n3A_14, %arg14[%swap3A_16, %swap3A_17] : memref<2x8xi32, #tpu.memory_space<smem>>
    %jit3A_19 = arith.constant 8 : i32
    %div3A = arith.divsi %squeeze3A, %jit3A_19 : i32
    %sign3A = arith.constant 0 : i32
    %sign3A_20 = arith.cmpi sgt, %squeeze3A, %sign3A : i32
    %sign3A_21 = arith.extui %sign3A_20 : i1 to i32
    %sign3A_22 = arith.constant 0 : i32
    %sign3A_23 = arith.cmpi slt, %squeeze3A, %sign3A_22 : i32
    %sign3A_24 = arith.extui %sign3A_23 : i1 to i32
    %sign3A_25 = arith.subi %sign3A_21, %sign3A_24 : i32
    %sign3A_26 = arith.constant 0 : i32
    %sign3A_27 = arith.cmpi sgt, %jit3A_19, %sign3A_26 : i32
    %sign3A_28 = arith.extui %sign3A_27 : i1 to i32
    %sign3A_29 = arith.constant 0 : i32
    %sign3A_30 = arith.cmpi slt, %jit3A_19, %sign3A_29 : i32
    %sign3A_31 = arith.extui %sign3A_30 : i1 to i32
    %sign3A_32 = arith.subi %sign3A_28, %sign3A_31 : i32
    %ne3A_33 = arith.cmpi ne, %sign3A_25, %sign3A_32 : i32
    %rem3A_34 = arith.remsi %squeeze3A, %jit3A_19 : i32
    %ne3A_35 = arith.constant 0 : i32
    %ne3A_36 = arith.cmpi ne, %rem3A_34, %ne3A_35 : i32
    %and3A_37 = arith.andi %ne3A_33, %ne3A_36 : i1
    %sub3A = arith.constant 1 : i32
    %sub3A_38 = arith.subi %div3A, %sub3A : i32
    %select_n3A_39 = arith.select %and3A_37, %sub3A_38, %div3A : i32
    %mul3A_40 = arith.constant 8 : i32
    %mul3A_41 = arith.muli %select_n3A_39, %mul3A_40 : i32
    %multiple_of3A = tpu.assume_multiple %mul3A_41, 8 : i32
    %dma_start3A = arith.constant 0 : i32
    %dma_start3A_42 = arith.constant 0 : i32
    %dma_start3A_43 = tpu.memref_slice %arg9[%dma_start3A, %dma_start3A_42] : memref<64x300xf32, #tpu.memory_space<vmem>> -> memref<8x300xf32, #tpu.memory_space<vmem>>
    %dma_start3A_44 = arith.constant 0 : i32
    %dma_start3A_45 = tpu.memref_slice %arg3[%multiple_of3A, %dma_start3A_44] : memref<100000x300xf32, #tpu.memory_space<hbm>> -> memref<8x300xf32, #tpu.memory_space<hbm>>
    %dma_start3A_46 = arith.constant 0 : i32
    %dma_start3A_47 = arith.constant 0 : i32
    %dma_start3A_48 = tpu.memref_slice %arg9[%dma_start3A_46, %dma_start3A_47] : memref<64x300xf32, #tpu.memory_space<vmem>> -> memref<8x300xf32, #tpu.memory_space<vmem>>
    %dma_start3A_49 = arith.constant 0 : i32
    %dma_start3A_50 = tpu.memref_slice %arg3[%multiple_of3A, %dma_start3A_49] : memref<100000x300xf32, #tpu.memory_space<hbm>> -> memref<8x300xf32, #tpu.memory_space<hbm>>
    tpu.enqueue_dma source(%dma_start3A_50 : memref<8x300xf32, #tpu.memory_space<hbm>>) target(%dma_start3A_48 : memref<8x300xf32, #tpu.memory_space<vmem>>) target_semaphore(%arg15 : memref<!tpu.dma_semaphore, #tpu.memory_space<semaphore_mem>>)
    %dma_start3A_51 = arith.constant 0 : i32
    %dma_start3A_52 = arith.constant 0 : i32
    %dma_start3A_53 = tpu.memref_slice %arg11[%dma_start3A_51, %dma_start3A_52] : memref<64x64xf32, #tpu.memory_space<vmem>> -> memref<8x64xf32, #tpu.memory_space<vmem>>
    %dma_start3A_54 = arith.constant 0 : i32
    %dma_start3A_55 = tpu.memref_slice %arg4[%multiple_of3A, %dma_start3A_54] : memref<100000x64xf32, #tpu.memory_space<hbm>> -> memref<8x64xf32, #tpu.memory_space<hbm>>
    %dma_start3A_56 = arith.constant 0 : i32
    %dma_start3A_57 = arith.constant 0 : i32
    %dma_start3A_58 = tpu.memref_slice %arg11[%dma_start3A_56, %dma_start3A_57] : memref<64x64xf32, #tpu.memory_space<vmem>> -> memref<8x64xf32, #tpu.memory_space<vmem>>
    %dma_start3A_59 = arith.constant 0 : i32
    %dma_start3A_60 = tpu.memref_slice %arg4[%multiple_of3A, %dma_start3A_59] : memref<100000x64xf32, #tpu.memory_space<hbm>> -> memref<8x64xf32, #tpu.memory_space<hbm>>
    tpu.enqueue_dma source(%dma_start3A_60 : memref<8x64xf32, #tpu.memory_space<hbm>>) target(%dma_start3A_58 : memref<8x64xf32, #tpu.memory_space<vmem>>) target_semaphore(%arg17 : memref<!tpu.dma_semaphore, #tpu.memory_space<semaphore_mem>>)
    %slice3A_61 = vector.extract_strided_slice %get3A_5 {offsets = [1], sizes = [1], strides = [1]} : vector<16xi32> to vector<1xi32>
    %squeeze3A_62 = vector.extract %slice3A_61[0] : i32 from vector<1xi32>
    %jit3A_63 = arith.constant 8 : i32
    %eq3A_64 = arith.constant 0 : i32
    %eq3A_65 = arith.cmpi eq, %jit3A_63, %eq3A_64 : i32
    %jit3A_66 = arith.constant 1 : i32
    %select_n3A_67 = arith.select %eq3A_65, %jit3A_66, %jit3A_63 : i32
    %rem3A_68 = arith.remsi %squeeze3A_62, %select_n3A_67 : i32
    %ne3A_69 = arith.constant 0 : i32
    %ne3A_70 = arith.cmpi ne, %rem3A_68, %ne3A_69 : i32
    %lt3A_71 = arith.constant 0 : i32
    %lt3A_72 = arith.cmpi slt, %rem3A_68, %lt3A_71 : i32
    %lt3A_73 = arith.constant 0 : i32
    %lt3A_74 = arith.cmpi slt, %select_n3A_67, %lt3A_73 : i32
    %ne3A_75 = arith.xori %lt3A_72, %lt3A_74 : i1
    %and3A_76 = arith.andi %ne3A_75, %ne3A_70 : i1
    %add3A_77 = arith.addi %rem3A_68, %select_n3A_67 : i32
    %select_n3A_78 = arith.select %and3A_76, %add3A_77, %rem3A_68 : i32
    %swap3A_79 = arith.constant 0 : i32
    %swap3A_80 = arith.constant 1 : i32
    %swap3A_81 = arith.index_cast %swap3A_79 : i32 to index
    %swap3A_82 = arith.index_cast %swap3A_80 : i32 to index
    %swap3A_83 = memref.load %arg14[%swap3A_81, %swap3A_82] : memref<2x8xi32, #tpu.memory_space<smem>>
    memref.store %select_n3A_78, %arg14[%swap3A_81, %swap3A_82] : memref<2x8xi32, #tpu.memory_space<smem>>
    %jit3A_84 = arith.constant 8 : i32
    %div3A_85 = arith.divsi %squeeze3A_62, %jit3A_84 : i32
    %sign3A_86 = arith.constant 0 : i32
    %sign3A_87 = arith.cmpi sgt, %squeeze3A_62, %sign3A_86 : i32
    %sign3A_88 = arith.extui %sign3A_87 : i1 to i32
    %sign3A_89 = arith.constant 0 : i32
    %sign3A_90 = arith.cmpi slt, %squeeze3A_62, %sign3A_89 : i32
    %sign3A_91 = arith.extui %sign3A_90 : i1 to i32
    %sign3A_92 = arith.subi %sign3A_88, %sign3A_91 : i32
    %sign3A_93 = arith.constant 0 : i32
    %sign3A_94 = arith.cmpi sgt, %jit3A_84, %sign3A_93 : i32
    %sign3A_95 = arith.extui %sign3A_94 : i1 to i32
    %sign3A_96 = arith.constant 0 : i32
    %sign3A_97 = arith.cmpi slt, %jit3A_84, %sign3A_96 : i32
    %sign3A_98 = arith.extui %sign3A_97 : i1 to i32
    %sign3A_99 = arith.subi %sign3A_95, %sign3A_98 : i32
    %ne3A_100 = arith.cmpi ne, %sign3A_92, %sign3A_99 : i32
    %rem3A_101 = arith.remsi %squeeze3A_62, %jit3A_84 : i32
    %ne3A_102 = arith.constant 0 : i32
    %ne3A_103 = arith.cmpi ne, %rem3A_101, %ne3A_102 : i32
    %and3A_104 = arith.andi %ne3A_100, %ne3A_103 : i1
    %sub3A_105 = arith.constant 1 : i32
    %sub3A_106 = arith.subi %div3A_85, %sub3A_105 : i32
    %select_n3A_107 = arith.select %and3A_104, %sub3A_106, %div3A_85 : i32
    %mul3A_108 = arith.constant 8 : i32
    %mul3A_109 = arith.muli %select_n3A_107, %mul3A_108 : i32
    %multiple_of3A_110 = tpu.assume_multiple %mul3A_109, 8 : i32
    %dma_start3A_111 = arith.constant 8 : i32
    %dma_start3A_112 = arith.constant 0 : i32
    %dma_start3A_113 = tpu.memref_slice %arg9[%dma_start3A_111, %dma_start3A_112] : memref<64x300xf32, #tpu.memory_space<vmem>> -> memref<8x300xf32, #tpu.memory_space<vmem>>
    %dma_start3A_114 = arith.constant 0 : i32
    %dma_start3A_115 = tpu.memref_slice %arg3[%multiple_of3A_110, %dma_start3A_114] : memref<100000x300xf32, #tpu.memory_space<hbm>> -> memref<8x300xf32, #tpu.memory_space<hbm>>
    %dma_start3A_116 = arith.constant 8 : i32
    %dma_start3A_117 = arith.constant 0 : i32
    %dma_start3A_118 = tpu.memref_slice %arg9[%dma_start3A_116, %dma_start3A_117] : memref<64x300xf32, #tpu.memory_space<vmem>> -> memref<8x300xf32, #tpu.memory_space<vmem>>
    %dma_start3A_119 = arith.constant 0 : i32
    %dma_start3A_120 = tpu.memref_slice %arg3[%multiple_of3A_110, %dma_start3A_119] : memref<100000x300xf32, #tpu.memory_space<hbm>> -> memref<8x300xf32, #tpu.memory_space<hbm>>
    tpu.enqueue_dma source(%dma_start3A_120 : memref<8x300xf32, #tpu.memory_space<hbm>>) target(%dma_start3A_118 : memref<8x300xf32, #tpu.memory_space<vmem>>) target_semaphore(%arg15 : memref<!tpu.dma_semaphore, #tpu.memory_space<semaphore_mem>>)
    %dma_start3A_121 = arith.constant 8 : i32
    %dma_start3A_122 = arith.constant 0 : i32
    %dma_start3A_123 = tpu.memref_slice %arg11[%dma_start3A_121, %dma_start3A_122] : memref<64x64xf32, #tpu.memory_space<vmem>> -> memref<8x64xf32, #tpu.memory_space<vmem>>
    %dma_start3A_124 = arith.constant 0 : i32
    %dma_start3A_125 = tpu.memref_slice %arg4[%multiple_of3A_110, %dma_start3A_124] : memref<100000x64xf32, #tpu.memory_space<hbm>> -> memref<8x64xf32, #tpu.memory_space<hbm>>
    %dma_start3A_126 = arith.constant 8 : i32
    %dma_start3A_127 = arith.constant 0 : i32
    %dma_start3A_128 = tpu.memref_slice %arg11[%dma_start3A_126, %dma_start3A_127] : memref<64x64xf32, #tpu.memory_space<vmem>> -> memref<8x64xf32, #tpu.memory_space<vmem>>
    %dma_start3A_129 = arith.constant 0 : i32
    %dma_start3A_130 = tpu.memref_slice %arg4[%multiple_of3A_110, %dma_start3A_129] : memref<100000x64xf32, #tpu.memory_space<hbm>> -> memref<8x64xf32, #tpu.memory_space<hbm>>
    tpu.enqueue_dma source(%dma_start3A_130 : memref<8x64xf32, #tpu.memory_space<hbm>>) target(%dma_start3A_128 : memref<8x64xf32, #tpu.memory_space<vmem>>) target_semaphore(%arg17 : memref<!tpu.dma_semaphore, #tpu.memory_space<semaphore_mem>>)
    %slice3A_131 = vector.extract_strided_slice %get3A_5 {offsets = [2], sizes = [1], strides = [1]} : vector<16xi32> to vector<1xi32>
    %squeeze3A_132 = vector.extract %slice3A_131[0] : i32 from vector<1xi32>
    %jit3A_133 = arith.constant 8 : i32
    %eq3A_134 = arith.constant 0 : i32
    %eq3A_135 = arith.cmpi eq, %jit3A_133, %eq3A_134 : i32
    %jit3A_136 = arith.constant 1 : i32
    %select_n3A_137 = arith.select %eq3A_135, %jit3A_136, %jit3A_133 : i32
    %rem3A_138 = arith.remsi %squeeze3A_132, %select_n3A_137 : i32
    %ne3A_139 = arith.constant 0 : i32
    %ne3A_140 = arith.cmpi ne, %rem3A_138, %ne3A_139 : i32
    %lt3A_141 = arith.constant 0 : i32
    %lt3A_142 = arith.cmpi slt, %rem3A_138, %lt3A_141 : i32
    %lt3A_143 = arith.constant 0 : i32
    %lt3A_144 = arith.cmpi slt, %select_n3A_137, %lt3A_143 : i32
    %ne3A_145 = arith.xori %lt3A_142, %lt3A_144 : i1
    %and3A_146 = arith.andi %ne3A_145, %ne3A_140 : i1
    %add3A_147 = arith.addi %rem3A_138, %select_n3A_137 : i32
    %select_n3A_148 = arith.select %and3A_146, %add3A_147, %rem3A_138 : i32
    %swap3A_149 = arith.constant 0 : i32
    %swap3A_150 = arith.constant 2 : i32
    %swap3A_151 = arith.index_cast %swap3A_149 : i32 to index
    %swap3A_152 = arith.index_cast %swap3A_150 : i32 to index
    %swap3A_153 = memref.load %arg14[%swap3A_151, %swap3A_152] : memref<2x8xi32, #tpu.memory_space<smem>>
    memref.store %select_n3A_148, %arg14[%swap3A_151, %swap3A_152] : memref<2x8xi32, #tpu.memory_space<smem>>
    %jit3A_154 = arith.constant 8 : i32
    %div3A_155 = arith.divsi %squeeze3A_132, %jit3A_154 : i32
    %sign3A_156 = arith.constant 0 : i32
    %sign3A_157 = arith.cmpi sgt, %squeeze3A_132, %sign3A_156 : i32
    %sign3A_158 = arith.extui %sign3A_157 : i1 to i32
    %sign3A_159 = arith.constant 0 : i32
    %sign3A_160 = arith.cmpi slt, %squeeze3A_132, %sign3A_159 : i32
    %sign3A_161 = arith.extui %sign3A_160 : i1 to i32
    %sign3A_162 = arith.subi %sign3A_158, %sign3A_161 : i32
    %sign3A_163 = arith.constant 0 : i32
    %sign3A_164 = arith.cmpi sgt, %jit3A_154, %sign3A_163 : i32
    %sign3A_165 = arith.extui %sign3A_164 : i1 to i32
    %sign3A_166 = arith.constant 0 : i32
    %sign3A_167 = arith.cmpi slt, %jit3A_154, %sign3A_166 : i32
    %sign3A_168 = arith.extui %sign3A_167 : i1 to i32
    %sign3A_169 = arith.subi %sign3A_165, %sign3A_168 : i32
    %ne3A_170 = arith.cmpi ne, %sign3A_162, %sign3A_169 : i32
    %rem3A_171 = arith.remsi %squeeze3A_132, %jit3A_154 : i32
    %ne3A_172 = arith.constant 0 : i32
    %ne3A_173 = arith.cmpi ne, %rem3A_171, %ne3A_172 : i32
    %and3A_174 = arith.andi %ne3A_170, %ne3A_173 : i1
    %sub3A_175 = arith.constant 1 : i32
    %sub3A_176 = arith.subi %div3A_155, %sub3A_175 : i32
    %select_n3A_177 = arith.select %and3A_174, %sub3A_176, %div3A_155 : i32
    %mul3A_178 = arith.constant 8 : i32
    %mul3A_179 = arith.muli %select_n3A_177, %mul3A_178 : i32
    %multiple_of3A_180 = tpu.assume_multiple %mul3A_179, 8 : i32
    %dma_start3A_181 = arith.constant 16 : i32
    %dma_start3A_182 = arith.constant 0 : i32
    %dma_start3A_183 = tpu.memref_slice %arg9[%dma_start3A_181, %dma_start3A_182] : memref<64x300xf32, #tpu.memory_space<vmem>> -> memref<8x300xf32, #tpu.memory_space<vmem>>
    %dma_start3A_184 = arith.constant 0 : i32
    %dma_start3A_185 = tpu.memref_slice %arg3[%multiple_of3A_180, %dma_start3A_184] : memref<100000x300xf32, #tpu.memory_space<hbm>> -> memref<8x300xf32, #tpu.memory_space<hbm>>
    %dma_start3A_186 = arith.constant 16 : i32
    %dma_start3A_187 = arith.constant 0 : i32
    %dma_start3A_188 = tpu.memref_slice %arg9[%dma_start3A_186, %dma_start3A_187] : memref<64x300xf32, #tpu.memory_space<vmem>> -> memref<8x300xf32, #tpu.memory_space<vmem>>
    %dma_start3A_189 = arith.constant 0 : i32
    %dma_start3A_190 = tpu.memref_slice %arg3[%multiple_of3A_180, %dma_start3A_189] : memref<100000x300xf32, #tpu.memory_space<hbm>> -> memref<8x300xf32, #tpu.memory_space<hbm>>
    tpu.enqueue_dma source(%dma_start3A_190 : memref<8x300xf32, #tpu.memory_space<hbm>>) target(%dma_start3A_188 : memref<8x300xf32, #tpu.memory_space<vmem>>) target_semaphore(%arg15 : memref<!tpu.dma_semaphore, #tpu.memory_space<semaphore_mem>>)
    %dma_start3A_191 = arith.constant 16 : i32
    %dma_start3A_192 = arith.constant 0 : i32
    %dma_start3A_193 = tpu.memref_slice %arg11[%dma_start3A_191, %dma_start3A_192] : memref<64x64xf32, #tpu.memory_space<vmem>> -> memref<8x64xf32, #tpu.memory_space<vmem>>
    %dma_start3A_194 = arith.constant 0 : i32
    %dma_start3A_195 = tpu.memref_slice %arg4[%multiple_of3A_180, %dma_start3A_194] : memref<100000x64xf32, #tpu.memory_space<hbm>> -> memref<8x64xf32, #tpu.memory_space<hbm>>
    %dma_start3A_196 = arith.constant 16 : i32
    %dma_start3A_197 = arith.constant 0 : i32
    %dma_start3A_198 = tpu.memref_slice %arg11[%dma_start3A_196, %dma_start3A_197] : memref<64x64xf32, #tpu.memory_space<vmem>> -> memref<8x64xf32, #tpu.memory_space<vmem>>
    %dma_start3A_199 = arith.constant 0 : i32
    %dma_start3A_200 = tpu.memref_slice %arg4[%multiple_of3A_180, %dma_start3A_199] : memref<100000x64xf32, #tpu.memory_space<hbm>> -> memref<8x64xf32, #tpu.memory_space<hbm>>
    tpu.enqueue_dma source(%dma_start3A_200 : memref<8x64xf32, #tpu.memory_space<hbm>>) target(%dma_start3A_198 : memref<8x64xf32, #tpu.memory_space<vmem>>) target_semaphore(%arg17 : memref<!tpu.dma_semaphore, #tpu.memory_space<semaphore_mem>>)
    %slice3A_201 = vector.extract_strided_slice %get3A_5 {offsets = [3], sizes = [1], strides = [1]} : vector<16xi32> to vector<1xi32>
    %squeeze3A_202 = vector.extract %slice3A_201[0] : i32 from vector<1xi32>
    %jit3A_203 = arith.constant 8 : i32
    %eq3A_204 = arith.constant 0 : i32
    %eq3A_205 = arith.cmpi eq, %jit3A_203, %eq3A_204 : i32
    %jit3A_206 = arith.constant 1 : i32
    %select_n3A_207 = arith.select %eq3A_205, %jit3A_206, %jit3A_203 : i32
    %rem3A_208 = arith.remsi %squeeze3A_202, %select_n3A_207 : i32
    %ne3A_209 = arith.constant 0 : i32
    %ne3A_210 = arith.cmpi ne, %rem3A_208, %ne3A_209 : i32
    %lt3A_211 = arith.constant 0 : i32
    %lt3A_212 = arith.cmpi slt, %rem3A_208, %lt3A_211 : i32
    %lt3A_213 = arith.constant 0 : i32
    %lt3A_214 = arith.cmpi slt, %select_n3A_207, %lt3A_213 : i32
    %ne3A_215 = arith.xori %lt3A_212, %lt3A_214 : i1
    %and3A_216 = arith.andi %ne3A_215, %ne3A_210 : i1
    %add3A_217 = arith.addi %rem3A_208, %select_n3A_207 : i32
    %select_n3A_218 = arith.select %and3A_216, %add3A_217, %rem3A_208 : i32
    %swap3A_219 = arith.constant 0 : i32
    %swap3A_220 = arith.constant 3 : i32
    %swap3A_221 = arith.index_cast %swap3A_219 : i32 to index
    %swap3A_222 = arith.index_cast %swap3A_220 : i32 to index
    %swap3A_223 = memref.load %arg14[%swap3A_221, %swap3A_222] : memref<2x8xi32, #tpu.memory_space<smem>>
    memref.store %select_n3A_218, %arg14[%swap3A_221, %swap3A_222] : memref<2x8xi32, #tpu.memory_space<smem>>
    %jit3A_224 = arith.constant 8 : i32
    %div3A_225 = arith.divsi %squeeze3A_202, %jit3A_224 : i32
    %sign3A_226 = arith.constant 0 : i32
    %sign3A_227 = arith.cmpi sgt, %squeeze3A_202, %sign3A_226 : i32
    %sign3A_228 = arith.extui %sign3A_227 : i1 to i32
    %sign3A_229 = arith.constant 0 : i32
    %sign3A_230 = arith.cmpi slt, %squeeze3A_202, %sign3A_229 : i32
    %sign3A_231 = arith.extui %sign3A_230 : i1 to i32
    %sign3A_232 = arith.subi %sign3A_228, %sign3A_231 : i32
    %sign3A_233 = arith.constant 0 : i32
    %sign3A_234 = arith.cmpi sgt, %jit3A_224, %sign3A_233 : i32
    %sign3A_235 = arith.extui %sign3A_234 : i1 to i32
    %sign3A_236 = arith.constant 0 : i32
    %sign3A_237 = arith.cmpi slt, %jit3A_224, %sign3A_236 : i32
    %sign3A_238 = arith.extui %sign3A_237 : i1 to i32
    %sign3A_239 = arith.subi %sign3A_235, %sign3A_238 : i32
    %ne3A_240 = arith.cmpi ne, %sign3A_232, %sign3A_239 : i32
    %rem3A_241 = arith.remsi %squeeze3A_202, %jit3A_224 : i32
    %ne3A_242 = arith.constant 0 : i32
    %ne3A_243 = arith.cmpi ne, %rem3A_241, %ne3A_242 : i32
    %and3A_244 = arith.andi %ne3A_240, %ne3A_243 : i1
    %sub3A_245 = arith.constant 1 : i32
    %sub3A_246 = arith.subi %div3A_225, %sub3A_245 : i32
    %select_n3A_247 = arith.select %and3A_244, %sub3A_246, %div3A_225 : i32
    %mul3A_248 = arith.constant 8 : i32
    %mul3A_249 = arith.muli %select_n3A_247, %mul3A_248 : i32
    %multiple_of3A_250 = tpu.assume_multiple %mul3A_249, 8 : i32
    %dma_start3A_251 = arith.constant 24 : i32
    %dma_start3A_252 = arith.constant 0 : i32
    %dma_start3A_253 = tpu.memref_slice %arg9[%dma_start3A_251, %dma_start3A_252] : memref<64x300xf32, #tpu.memory_space<vmem>> -> memref<8x300xf32, #tpu.memory_space<vmem>>
    %dma_start3A_254 = arith.constant 0 : i32
    %dma_start3A_255 = tpu.memref_slice %arg3[%multiple_of3A_250, %dma_start3A_254] : memref<100000x300xf32, #tpu.memory_space<hbm>> -> memref<8x300xf32, #tpu.memory_space<hbm>>
    %dma_start3A_256 = arith.constant 24 : i32
    %dma_start3A_257 = arith.constant 0 : i32
    %dma_start3A_258 = tpu.memref_slice %arg9[%dma_start3A_256, %dma_start3A_257] : memref<64x300xf32, #tpu.memory_space<vmem>> -> memref<8x300xf32, #tpu.memory_space<vmem>>
    %dma_start3A_259 = arith.constant 0 : i32
    %dma_start3A_260 = tpu.memref_slice %arg3[%multiple_of3A_250, %dma_start3A_259] : memref<100000x300xf32, #tpu.memory_space<hbm>> -> memref<8x300xf32, #tpu.memory_space<hbm>>
    tpu.enqueue_dma source(%dma_start3A_260 : memref<8x300xf32, #tpu.memory_space<hbm>>) target(%dma_start3A_258 : memref<8x300xf32, #tpu.memory_space<vmem>>) target_semaphore(%arg15 : memref<!tpu.dma_semaphore, #tpu.memory_space<semaphore_mem>>)
    %dma_start3A_261 = arith.constant 24 : i32
    %dma_start3A_262 = arith.constant 0 : i32
    %dma_start3A_263 = tpu.memref_slice %arg11[%dma_start3A_261, %dma_start3A_262] : memref<64x64xf32, #tpu.memory_space<vmem>> -> memref<8x64xf32, #tpu.memory_space<vmem>>
    %dma_start3A_264 = arith.constant 0 : i32
    %dma_start3A_265 = tpu.memref_slice %arg4[%multiple_of3A_250, %dma_start3A_264] : memref<100000x64xf32, #tpu.memory_space<hbm>> -> memref<8x64xf32, #tpu.memory_space<hbm>>
    %dma_start3A_266 = arith.constant 24 : i32
    %dma_start3A_267 = arith.constant 0 : i32
    %dma_start3A_268 = tpu.memref_slice %arg11[%dma_start3A_266, %dma_start3A_267] : memref<64x64xf32, #tpu.memory_space<vmem>> -> memref<8x64xf32, #tpu.memory_space<vmem>>
    %dma_start3A_269 = arith.constant 0 : i32
    %dma_start3A_270 = tpu.memref_slice %arg4[%multiple_of3A_250, %dma_start3A_269] : memref<100000x64xf32, #tpu.memory_space<hbm>> -> memref<8x64xf32, #tpu.memory_space<hbm>>
    tpu.enqueue_dma source(%dma_start3A_270 : memref<8x64xf32, #tpu.memory_space<hbm>>) target(%dma_start3A_268 : memref<8x64xf32, #tpu.memory_space<vmem>>) target_semaphore(%arg17 : memref<!tpu.dma_semaphore, #tpu.memory_space<semaphore_mem>>)
    %slice3A_271 = vector.extract_strided_slice %get3A_5 {offsets = [4], sizes = [1], strides = [1]} : vector<16xi32> to vector<1xi32>
    %squeeze3A_272 = vector.extract %slice3A_271[0] : i32 from vector<1xi32>
    %jit3A_273 = arith.constant 8 : i32
    %eq3A_274 = arith.constant 0 : i32
    %eq3A_275 = arith.cmpi eq, %jit3A_273, %eq3A_274 : i32
    %jit3A_276 = arith.constant 1 : i32
    %select_n3A_277 = arith.select %eq3A_275, %jit3A_276, %jit3A_273 : i32
    %rem3A_278 = arith.remsi %squeeze3A_272, %select_n3A_277 : i32
    %ne3A_279 = arith.constant 0 : i32
    %ne3A_280 = arith.cmpi ne, %rem3A_278, %ne3A_279 : i32
    %lt3A_281 = arith.constant 0 : i32
    %lt3A_282 = arith.cmpi slt, %rem3A_278, %lt3A_281 : i32
    %lt3A_283 = arith.constant 0 : i32
    %lt3A_284 = arith.cmpi slt, %select_n3A_277, %lt3A_283 : i32
    %ne3A_285 = arith.xori %lt3A_282, %lt3A_284 : i1
    %and3A_286 = arith.andi %ne3A_285, %ne3A_280 : i1
    %add3A_287 = arith.addi %rem3A_278, %select_n3A_277 : i32
    %select_n3A_288 = arith.select %and3A_286, %add3A_287, %rem3A_278 : i32
    %swap3A_289 = arith.constant 0 : i32
    %swap3A_290 = arith.constant 4 : i32
    %swap3A_291 = arith.index_cast %swap3A_289 : i32 to index
    %swap3A_292 = arith.index_cast %swap3A_290 : i32 to index
    %swap3A_293 = memref.load %arg14[%swap3A_291, %swap3A_292] : memref<2x8xi32, #tpu.memory_space<smem>>
    memref.store %select_n3A_288, %arg14[%swap3A_291, %swap3A_292] : memref<2x8xi32, #tpu.memory_space<smem>>
    %jit3A_294 = arith.constant 8 : i32
    %div3A_295 = arith.divsi %squeeze3A_272, %jit3A_294 : i32
    %sign3A_296 = arith.constant 0 : i32
    %sign3A_297 = arith.cmpi sgt, %squeeze3A_272, %sign3A_296 : i32
    %sign3A_298 = arith.extui %sign3A_297 : i1 to i32
    %sign3A_299 = arith.constant 0 : i32
    %sign3A_300 = arith.cmpi slt, %squeeze3A_272, %sign3A_299 : i32
    %sign3A_301 = arith.extui %sign3A_300 : i1 to i32
    %sign3A_302 = arith.subi %sign3A_298, %sign3A_301 : i32
    %sign3A_303 = arith.constant 0 : i32
    %sign3A_304 = arith.cmpi sgt, %jit3A_294, %sign3A_303 : i32
    %sign3A_305 = arith.extui %sign3A_304 : i1 to i32
    %sign3A_306 = arith.constant 0 : i32
    %sign3A_307 = arith.cmpi slt, %jit3A_294, %sign3A_306 : i32
    %sign3A_308 = arith.extui %sign3A_307 : i1 to i32
    %sign3A_309 = arith.subi %sign3A_305, %sign3A_308 : i32
    %ne3A_310 = arith.cmpi ne, %sign3A_302, %sign3A_309 : i32
    %rem3A_311 = arith.remsi %squeeze3A_272, %jit3A_294 : i32
    %ne3A_312 = arith.constant 0 : i32
    %ne3A_313 = arith.cmpi ne, %rem3A_311, %ne3A_312 : i32
    %and3A_314 = arith.andi %ne3A_310, %ne3A_313 : i1
    %sub3A_315 = arith.constant 1 : i32
    %sub3A_316 = arith.subi %div3A_295, %sub3A_315 : i32
    %select_n3A_317 = arith.select %and3A_314, %sub3A_316, %div3A_295 : i32
    %mul3A_318 = arith.constant 8 : i32
    %mul3A_319 = arith.muli %select_n3A_317, %mul3A_318 : i32
    %multiple_of3A_320 = tpu.assume_multiple %mul3A_319, 8 : i32
    %dma_start3A_321 = arith.constant 32 : i32
    %dma_start3A_322 = arith.constant 0 : i32
    %dma_start3A_323 = tpu.memref_slice %arg9[%dma_start3A_321, %dma_start3A_322] : memref<64x300xf32, #tpu.memory_space<vmem>> -> memref<8x300xf32, #tpu.memory_space<vmem>>
    %dma_start3A_324 = arith.constant 0 : i32
    %dma_start3A_325 = tpu.memref_slice %arg3[%multiple_of3A_320, %dma_start3A_324] : memref<100000x300xf32, #tpu.memory_space<hbm>> -> memref<8x300xf32, #tpu.memory_space<hbm>>
    %dma_start3A_326 = arith.constant 32 : i32
    %dma_start3A_327 = arith.constant 0 : i32
    %dma_start3A_328 = tpu.memref_slice %arg9[%dma_start3A_326, %dma_start3A_327] : memref<64x300xf32, #tpu.memory_space<vmem>> -> memref<8x300xf32, #tpu.memory_space<vmem>>
    %dma_start3A_329 = arith.constant 0 : i32
    %dma_start3A_330 = tpu.memref_slice %arg3[%multiple_of3A_320, %dma_start3A_329] : memref<100000x300xf32, #tpu.memory_space<hbm>> -> memref<8x300xf32, #tpu.memory_space<hbm>>
    tpu.enqueue_dma source(%dma_start3A_330 : memref<8x300xf32, #tpu.memory_space<hbm>>) target(%dma_start3A_328 : memref<8x300xf32, #tpu.memory_space<vmem>>) target_semaphore(%arg15 : memref<!tpu.dma_semaphore, #tpu.memory_space<semaphore_mem>>)
    %dma_start3A_331 = arith.constant 32 : i32
    %dma_start3A_332 = arith.constant 0 : i32
    %dma_start3A_333 = tpu.memref_slice %arg11[%dma_start3A_331, %dma_start3A_332] : memref<64x64xf32, #tpu.memory_space<vmem>> -> memref<8x64xf32, #tpu.memory_space<vmem>>
    %dma_start3A_334 = arith.constant 0 : i32
    %dma_start3A_335 = tpu.memref_slice %arg4[%multiple_of3A_320, %dma_start3A_334] : memref<100000x64xf32, #tpu.memory_space<hbm>> -> memref<8x64xf32, #tpu.memory_space<hbm>>
    %dma_start3A_336 = arith.constant 32 : i32
    %dma_start3A_337 = arith.constant 0 : i32
    %dma_start3A_338 = tpu.memref_slice %arg11[%dma_start3A_336, %dma_start3A_337] : memref<64x64xf32, #tpu.memory_space<vmem>> -> memref<8x64xf32, #tpu.memory_space<vmem>>
    %dma_start3A_339 = arith.constant 0 : i32
    %dma_start3A_340 = tpu.memref_slice %arg4[%multiple_of3A_320, %dma_start3A_339] : memref<100000x64xf32, #tpu.memory_space<hbm>> -> memref<8x64xf32, #tpu.memory_space<hbm>>
    tpu.enqueue_dma source(%dma_start3A_340 : memref<8x64xf32, #tpu.memory_space<hbm>>) target(%dma_start3A_338 : memref<8x64xf32, #tpu.memory_space<vmem>>) target_semaphore(%arg17 : memref<!tpu.dma_semaphore, #tpu.memory_space<semaphore_mem>>)
    %slice3A_341 = vector.extract_strided_slice %get3A_5 {offsets = [5], sizes = [1], strides = [1]} : vector<16xi32> to vector<1xi32>
    %squeeze3A_342 = vector.extract %slice3A_341[0] : i32 from vector<1xi32>
    %jit3A_343 = arith.constant 8 : i32
    %eq3A_344 = arith.constant 0 : i32
    %eq3A_345 = arith.cmpi eq, %jit3A_343, %eq3A_344 : i32
    %jit3A_346 = arith.constant 1 : i32
    %select_n3A_347 = arith.select %eq3A_345, %jit3A_346, %jit3A_343 : i32
    %rem3A_348 = arith.remsi %squeeze3A_342, %select_n3A_347 : i32
    %ne3A_349 = arith.constant 0 : i32
    %ne3A_350 = arith.cmpi ne, %rem3A_348, %ne3A_349 : i32
    %lt3A_351 = arith.constant 0 : i32
    %lt3A_352 = arith.cmpi slt, %rem3A_348, %lt3A_351 : i32
    %lt3A_353 = arith.constant 0 : i32
    %lt3A_354 = arith.cmpi slt, %select_n3A_347, %lt3A_353 : i32
    %ne3A_355 = arith.xori %lt3A_352, %lt3A_354 : i1
    %and3A_356 = arith.andi %ne3A_355, %ne3A_350 : i1
    %add3A_357 = arith.addi %rem3A_348, %select_n3A_347 : i32
    %select_n3A_358 = arith.select %and3A_356, %add3A_357, %rem3A_348 : i32
    %swap3A_359 = arith.constant 0 : i32
    %swap3A_360 = arith.constant 5 : i32
    %swap3A_361 = arith.index_cast %swap3A_359 : i32 to index
    %swap3A_362 = arith.index_cast %swap3A_360 : i32 to index
    %swap3A_363 = memref.load %arg14[%swap3A_361, %swap3A_362] : memref<2x8xi32, #tpu.memory_space<smem>>
    memref.store %select_n3A_358, %arg14[%swap3A_361, %swap3A_362] : memref<2x8xi32, #tpu.memory_space<smem>>
    %jit3A_364 = arith.constant 8 : i32
    %div3A_365 = arith.divsi %squeeze3A_342, %jit3A_364 : i32
    %sign3A_366 = arith.constant 0 : i32
    %sign3A_367 = arith.cmpi sgt, %squeeze3A_342, %sign3A_366 : i32
    %sign3A_368 = arith.extui %sign3A_367 : i1 to i32
    %sign3A_369 = arith.constant 0 : i32
    %sign3A_370 = arith.cmpi slt, %squeeze3A_342, %sign3A_369 : i32
    %sign3A_371 = arith.extui %sign3A_370 : i1 to i32
    %sign3A_372 = arith.subi %sign3A_368, %sign3A_371 : i32
    %sign3A_373 = arith.constant 0 : i32
    %sign3A_374 = arith.cmpi sgt, %jit3A_364, %sign3A_373 : i32
    %sign3A_375 = arith.extui %sign3A_374 : i1 to i32
    %sign3A_376 = arith.constant 0 : i32
    %sign3A_377 = arith.cmpi slt, %jit3A_364, %sign3A_376 : i32
    %sign3A_378 = arith.extui %sign3A_377 : i1 to i32
    %sign3A_379 = arith.subi %sign3A_375, %sign3A_378 : i32
    %ne3A_380 = arith.cmpi ne, %sign3A_372, %sign3A_379 : i32
    %rem3A_381 = arith.remsi %squeeze3A_342, %jit3A_364 : i32
    %ne3A_382 = arith.constant 0 : i32
    %ne3A_383 = arith.cmpi ne, %rem3A_381, %ne3A_382 : i32
    %and3A_384 = arith.andi %ne3A_380, %ne3A_383 : i1
    %sub3A_385 = arith.constant 1 : i32
    %sub3A_386 = arith.subi %div3A_365, %sub3A_385 : i32
    %select_n3A_387 = arith.select %and3A_384, %sub3A_386, %div3A_365 : i32
    %mul3A_388 = arith.constant 8 : i32
    %mul3A_389 = arith.muli %select_n3A_387, %mul3A_388 : i32
    %multiple_of3A_390 = tpu.assume_multiple %mul3A_389, 8 : i32
    %dma_start3A_391 = arith.constant 40 : i32
    %dma_start3A_392 = arith.constant 0 : i32
    %dma_start3A_393 = tpu.memref_slice %arg9[%dma_start3A_391, %dma_start3A_392] : memref<64x300xf32, #tpu.memory_space<vmem>> -> memref<8x300xf32, #tpu.memory_space<vmem>>
    %dma_start3A_394 = arith.constant 0 : i32
    %dma_start3A_395 = tpu.memref_slice %arg3[%multiple_of3A_390, %dma_start3A_394] : memref<100000x300xf32, #tpu.memory_space<hbm>> -> memref<8x300xf32, #tpu.memory_space<hbm>>
    %dma_start3A_396 = arith.constant 40 : i32
    %dma_start3A_397 = arith.constant 0 : i32
    %dma_start3A_398 = tpu.memref_slice %arg9[%dma_start3A_396, %dma_start3A_397] : memref<64x300xf32, #tpu.memory_space<vmem>> -> memref<8x300xf32, #tpu.memory_space<vmem>>
    %dma_start3A_399 = arith.constant 0 : i32
    %dma_start3A_400 = tpu.memref_slice %arg3[%multiple_of3A_390, %dma_start3A_399] : memref<100000x300xf32, #tpu.memory_space<hbm>> -> memref<8x300xf32, #tpu.memory_space<hbm>>
    tpu.enqueue_dma source(%dma_start3A_400 : memref<8x300xf32, #tpu.memory_space<hbm>>) target(%dma_start3A_398 : memref<8x300xf32, #tpu.memory_space<vmem>>) target_semaphore(%arg15 : memref<!tpu.dma_semaphore, #tpu.memory_space<semaphore_mem>>)
    %dma_start3A_401 = arith.constant 40 : i32
    %dma_start3A_402 = arith.constant 0 : i32
    %dma_start3A_403 = tpu.memref_slice %arg11[%dma_start3A_401, %dma_start3A_402] : memref<64x64xf32, #tpu.memory_space<vmem>> -> memref<8x64xf32, #tpu.memory_space<vmem>>
    %dma_start3A_404 = arith.constant 0 : i32
    %dma_start3A_405 = tpu.memref_slice %arg4[%multiple_of3A_390, %dma_start3A_404] : memref<100000x64xf32, #tpu.memory_space<hbm>> -> memref<8x64xf32, #tpu.memory_space<hbm>>
    %dma_start3A_406 = arith.constant 40 : i32
    %dma_start3A_407 = arith.constant 0 : i32
    %dma_start3A_408 = tpu.memref_slice %arg11[%dma_start3A_406, %dma_start3A_407] : memref<64x64xf32, #tpu.memory_space<vmem>> -> memref<8x64xf32, #tpu.memory_space<vmem>>
    %dma_start3A_409 = arith.constant 0 : i32
    %dma_start3A_410 = tpu.memref_slice %arg4[%multiple_of3A_390, %dma_start3A_409] : memref<100000x64xf32, #tpu.memory_space<hbm>> -> memref<8x64xf32, #tpu.memory_space<hbm>>
    tpu.enqueue_dma source(%dma_start3A_410 : memref<8x64xf32, #tpu.memory_space<hbm>>) target(%dma_start3A_408 : memref<8x64xf32, #tpu.memory_space<vmem>>) target_semaphore(%arg17 : memref<!tpu.dma_semaphore, #tpu.memory_space<semaphore_mem>>)
    %slice3A_411 = vector.extract_strided_slice %get3A_5 {offsets = [6], sizes = [1], strides = [1]} : vector<16xi32> to vector<1xi32>
    %squeeze3A_412 = vector.extract %slice3A_411[0] : i32 from vector<1xi32>
    %jit3A_413 = arith.constant 8 : i32
    %eq3A_414 = arith.constant 0 : i32
    %eq3A_415 = arith.cmpi eq, %jit3A_413, %eq3A_414 : i32
    %jit3A_416 = arith.constant 1 : i32
    %select_n3A_417 = arith.select %eq3A_415, %jit3A_416, %jit3A_413 : i32
    %rem3A_418 = arith.remsi %squeeze3A_412, %select_n3A_417 : i32
    %ne3A_419 = arith.constant 0 : i32
    %ne3A_420 = arith.cmpi ne, %rem3A_418, %ne3A_419 : i32
    %lt3A_421 = arith.constant 0 : i32
    %lt3A_422 = arith.cmpi slt, %rem3A_418, %lt3A_421 : i32
    %lt3A_423 = arith.constant 0 : i32
    %lt3A_424 = arith.cmpi slt, %select_n3A_417, %lt3A_423 : i32
    %ne3A_425 = arith.xori %lt3A_422, %lt3A_424 : i1
    %and3A_426 = arith.andi %ne3A_425, %ne3A_420 : i1
    %add3A_427 = arith.addi %rem3A_418, %select_n3A_417 : i32
    %select_n3A_428 = arith.select %and3A_426, %add3A_427, %rem3A_418 : i32
    %swap3A_429 = arith.constant 0 : i32
    %swap3A_430 = arith.constant 6 : i32
    %swap3A_431 = arith.index_cast %swap3A_429 : i32 to index
    %swap3A_432 = arith.index_cast %swap3A_430 : i32 to index
    %swap3A_433 = memref.load %arg14[%swap3A_431, %swap3A_432] : memref<2x8xi32, #tpu.memory_space<smem>>
    memref.store %select_n3A_428, %arg14[%swap3A_431, %swap3A_432] : memref<2x8xi32, #tpu.memory_space<smem>>
    %jit3A_434 = arith.constant 8 : i32
    %div3A_435 = arith.divsi %squeeze3A_412, %jit3A_434 : i32
    %sign3A_436 = arith.constant 0 : i32
    %sign3A_437 = arith.cmpi sgt, %squeeze3A_412, %sign3A_436 : i32
    %sign3A_438 = arith.extui %sign3A_437 : i1 to i32
    %sign3A_439 = arith.constant 0 : i32
    %sign3A_440 = arith.cmpi slt, %squeeze3A_412, %sign3A_439 : i32
    %sign3A_441 = arith.extui %sign3A_440 : i1 to i32
    %sign3A_442 = arith.subi %sign3A_438, %sign3A_441 : i32
    %sign3A_443 = arith.constant 0 : i32
    %sign3A_444 = arith.cmpi sgt, %jit3A_434, %sign3A_443 : i32
    %sign3A_445 = arith.extui %sign3A_444 : i1 to i32
    %sign3A_446 = arith.constant 0 : i32
    %sign3A_447 = arith.cmpi slt, %jit3A_434, %sign3A_446 : i32
    %sign3A_448 = arith.extui %sign3A_447 : i1 to i32
    %sign3A_449 = arith.subi %sign3A_445, %sign3A_448 : i32
    %ne3A_450 = arith.cmpi ne, %sign3A_442, %sign3A_449 : i32
    %rem3A_451 = arith.remsi %squeeze3A_412, %jit3A_434 : i32
    %ne3A_452 = arith.constant 0 : i32
    %ne3A_453 = arith.cmpi ne, %rem3A_451, %ne3A_452 : i32
    %and3A_454 = arith.andi %ne3A_450, %ne3A_453 : i1
    %sub3A_455 = arith.constant 1 : i32
    %sub3A_456 = arith.subi %div3A_435, %sub3A_455 : i32
    %select_n3A_457 = arith.select %and3A_454, %sub3A_456, %div3A_435 : i32
    %mul3A_458 = arith.constant 8 : i32
    %mul3A_459 = arith.muli %select_n3A_457, %mul3A_458 : i32
    %multiple_of3A_460 = tpu.assume_multiple %mul3A_459, 8 : i32
    %dma_start3A_461 = arith.constant 48 : i32
    %dma_start3A_462 = arith.constant 0 : i32
    %dma_start3A_463 = tpu.memref_slice %arg9[%dma_start3A_461, %dma_start3A_462] : memref<64x300xf32, #tpu.memory_space<vmem>> -> memref<8x300xf32, #tpu.memory_space<vmem>>
    %dma_start3A_464 = arith.constant 0 : i32
    %dma_start3A_465 = tpu.memref_slice %arg3[%multiple_of3A_460, %dma_start3A_464] : memref<100000x300xf32, #tpu.memory_space<hbm>> -> memref<8x300xf32, #tpu.memory_space<hbm>>
    %dma_start3A_466 = arith.constant 48 : i32
    %dma_start3A_467 = arith.constant 0 : i32
    %dma_start3A_468 = tpu.memref_slice %arg9[%dma_start3A_466, %dma_start3A_467] : memref<64x300xf32, #tpu.memory_space<vmem>> -> memref<8x300xf32, #tpu.memory_space<vmem>>
    %dma_start3A_469 = arith.constant 0 : i32
    %dma_start3A_470 = tpu.memref_slice %arg3[%multiple_of3A_460, %dma_start3A_469] : memref<100000x300xf32, #tpu.memory_space<hbm>> -> memref<8x300xf32, #tpu.memory_space<hbm>>
    tpu.enqueue_dma source(%dma_start3A_470 : memref<8x300xf32, #tpu.memory_space<hbm>>) target(%dma_start3A_468 : memref<8x300xf32, #tpu.memory_space<vmem>>) target_semaphore(%arg15 : memref<!tpu.dma_semaphore, #tpu.memory_space<semaphore_mem>>)
    %dma_start3A_471 = arith.constant 48 : i32
    %dma_start3A_472 = arith.constant 0 : i32
    %dma_start3A_473 = tpu.memref_slice %arg11[%dma_start3A_471, %dma_start3A_472] : memref<64x64xf32, #tpu.memory_space<vmem>> -> memref<8x64xf32, #tpu.memory_space<vmem>>
    %dma_start3A_474 = arith.constant 0 : i32
    %dma_start3A_475 = tpu.memref_slice %arg4[%multiple_of3A_460, %dma_start3A_474] : memref<100000x64xf32, #tpu.memory_space<hbm>> -> memref<8x64xf32, #tpu.memory_space<hbm>>
    %dma_start3A_476 = arith.constant 48 : i32
    %dma_start3A_477 = arith.constant 0 : i32
    %dma_start3A_478 = tpu.memref_slice %arg11[%dma_start3A_476, %dma_start3A_477] : memref<64x64xf32, #tpu.memory_space<vmem>> -> memref<8x64xf32, #tpu.memory_space<vmem>>
    %dma_start3A_479 = arith.constant 0 : i32
    %dma_start3A_480 = tpu.memref_slice %arg4[%multiple_of3A_460, %dma_start3A_479] : memref<100000x64xf32, #tpu.memory_space<hbm>> -> memref<8x64xf32, #tpu.memory_space<hbm>>
    tpu.enqueue_dma source(%dma_start3A_480 : memref<8x64xf32, #tpu.memory_space<hbm>>) target(%dma_start3A_478 : memref<8x64xf32, #tpu.memory_space<vmem>>) target_semaphore(%arg17 : memref<!tpu.dma_semaphore, #tpu.memory_space<semaphore_mem>>)
    %slice3A_481 = vector.extract_strided_slice %get3A_5 {offsets = [7], sizes = [1], strides = [1]} : vector<16xi32> to vector<1xi32>
    %squeeze3A_482 = vector.extract %slice3A_481[0] : i32 from vector<1xi32>
    %jit3A_483 = arith.constant 8 : i32
    %eq3A_484 = arith.constant 0 : i32
    %eq3A_485 = arith.cmpi eq, %jit3A_483, %eq3A_484 : i32
    %jit3A_486 = arith.constant 1 : i32
    %select_n3A_487 = arith.select %eq3A_485, %jit3A_486, %jit3A_483 : i32
    %rem3A_488 = arith.remsi %squeeze3A_482, %select_n3A_487 : i32
    %ne3A_489 = arith.constant 0 : i32
    %ne3A_490 = arith.cmpi ne, %rem3A_488, %ne3A_489 : i32
    %lt3A_491 = arith.constant 0 : i32
    %lt3A_492 = arith.cmpi slt, %rem3A_488, %lt3A_491 : i32
    %lt3A_493 = arith.constant 0 : i32
    %lt3A_494 = arith.cmpi slt, %select_n3A_487, %lt3A_493 : i32
    %ne3A_495 = arith.xori %lt3A_492, %lt3A_494 : i1
    %and3A_496 = arith.andi %ne3A_495, %ne3A_490 : i1
    %add3A_497 = arith.addi %rem3A_488, %select_n3A_487 : i32
    %select_n3A_498 = arith.select %and3A_496, %add3A_497, %rem3A_488 : i32
    %swap3A_499 = arith.constant 0 : i32
    %swap3A_500 = arith.constant 7 : i32
    %swap3A_501 = arith.index_cast %swap3A_499 : i32 to index
    %swap3A_502 = arith.index_cast %swap3A_500 : i32 to index
    %swap3A_503 = memref.load %arg14[%swap3A_501, %swap3A_502] : memref<2x8xi32, #tpu.memory_space<smem>>
    memref.store %select_n3A_498, %arg14[%swap3A_501, %swap3A_502] : memref<2x8xi32, #tpu.memory_space<smem>>
    %jit3A_504 = arith.constant 8 : i32
    %div3A_505 = arith.divsi %squeeze3A_482, %jit3A_504 : i32
    %sign3A_506 = arith.constant 0 : i32
    %sign3A_507 = arith.cmpi sgt, %squeeze3A_482, %sign3A_506 : i32
    %sign3A_508 = arith.extui %sign3A_507 : i1 to i32
    %sign3A_509 = arith.constant 0 : i32
    %sign3A_510 = arith.cmpi slt, %squeeze3A_482, %sign3A_509 : i32
    %sign3A_511 = arith.extui %sign3A_510 : i1 to i32
    %sign3A_512 = arith.subi %sign3A_508, %sign3A_511 : i32
    %sign3A_513 = arith.constant 0 : i32
    %sign3A_514 = arith.cmpi sgt, %jit3A_504, %sign3A_513 : i32
    %sign3A_515 = arith.extui %sign3A_514 : i1 to i32
    %sign3A_516 = arith.constant 0 : i32
    %sign3A_517 = arith.cmpi slt, %jit3A_504, %sign3A_516 : i32
    %sign3A_518 = arith.extui %sign3A_517 : i1 to i32
    %sign3A_519 = arith.subi %sign3A_515, %sign3A_518 : i32
    %ne3A_520 = arith.cmpi ne, %sign3A_512, %sign3A_519 : i32
    %rem3A_521 = arith.remsi %squeeze3A_482, %jit3A_504 : i32
    %ne3A_522 = arith.constant 0 : i32
    %ne3A_523 = arith.cmpi ne, %rem3A_521, %ne3A_522 : i32
    %and3A_524 = arith.andi %ne3A_520, %ne3A_523 : i1
    %sub3A_525 = arith.constant 1 : i32
    %sub3A_526 = arith.subi %div3A_505, %sub3A_525 : i32
    %select_n3A_527 = arith.select %and3A_524, %sub3A_526, %div3A_505 : i32
    %mul3A_528 = arith.constant 8 : i32
    %mul3A_529 = arith.muli %select_n3A_527, %mul3A_528 : i32
    %multiple_of3A_530 = tpu.assume_multiple %mul3A_529, 8 : i32
    %dma_start3A_531 = arith.constant 56 : i32
    %dma_start3A_532 = arith.constant 0 : i32
    %dma_start3A_533 = tpu.memref_slice %arg9[%dma_start3A_531, %dma_start3A_532] : memref<64x300xf32, #tpu.memory_space<vmem>> -> memref<8x300xf32, #tpu.memory_space<vmem>>
    %dma_start3A_534 = arith.constant 0 : i32
    %dma_start3A_535 = tpu.memref_slice %arg3[%multiple_of3A_530, %dma_start3A_534] : memref<100000x300xf32, #tpu.memory_space<hbm>> -> memref<8x300xf32, #tpu.memory_space<hbm>>
    %dma_start3A_536 = arith.constant 56 : i32
    %dma_start3A_537 = arith.constant 0 : i32
    %dma_start3A_538 = tpu.memref_slice %arg9[%dma_start3A_536, %dma_start3A_537] : memref<64x300xf32, #tpu.memory_space<vmem>> -> memref<8x300xf32, #tpu.memory_space<vmem>>
    %dma_start3A_539 = arith.constant 0 : i32
    %dma_start3A_540 = tpu.memref_slice %arg3[%multiple_of3A_530, %dma_start3A_539] : memref<100000x300xf32, #tpu.memory_space<hbm>> -> memref<8x300xf32, #tpu.memory_space<hbm>>
    tpu.enqueue_dma source(%dma_start3A_540 : memref<8x300xf32, #tpu.memory_space<hbm>>) target(%dma_start3A_538 : memref<8x300xf32, #tpu.memory_space<vmem>>) target_semaphore(%arg15 : memref<!tpu.dma_semaphore, #tpu.memory_space<semaphore_mem>>)
    %dma_start3A_541 = arith.constant 56 : i32
    %dma_start3A_542 = arith.constant 0 : i32
    %dma_start3A_543 = tpu.memref_slice %arg11[%dma_start3A_541, %dma_start3A_542] : memref<64x64xf32, #tpu.memory_space<vmem>> -> memref<8x64xf32, #tpu.memory_space<vmem>>
    %dma_start3A_544 = arith.constant 0 : i32
    %dma_start3A_545 = tpu.memref_slice %arg4[%multiple_of3A_530, %dma_start3A_544] : memref<100000x64xf32, #tpu.memory_space<hbm>> -> memref<8x64xf32, #tpu.memory_space<hbm>>
    %dma_start3A_546 = arith.constant 56 : i32
    %dma_start3A_547 = arith.constant 0 : i32
    %dma_start3A_548 = tpu.memref_slice %arg11[%dma_start3A_546, %dma_start3A_547] : memref<64x64xf32, #tpu.memory_space<vmem>> -> memref<8x64xf32, #tpu.memory_space<vmem>>
    %dma_start3A_549 = arith.constant 0 : i32
    %dma_start3A_550 = tpu.memref_slice %arg4[%multiple_of3A_530, %dma_start3A_549] : memref<100000x64xf32, #tpu.memory_space<hbm>> -> memref<8x64xf32, #tpu.memory_space<hbm>>
    tpu.enqueue_dma source(%dma_start3A_550 : memref<8x64xf32, #tpu.memory_space<hbm>>) target(%dma_start3A_548 : memref<8x64xf32, #tpu.memory_space<vmem>>) target_semaphore(%arg17 : memref<!tpu.dma_semaphore, #tpu.memory_space<semaphore_mem>>)
    %scan3A = arith.constant 0 : i32
    %scan3A_551 = arith.constant 8 : i32
    %scan3A_552 = arith.addi %scan3A, %scan3A_551 : i32
    %scan3A_553 = arith.constant 1 : i32
    scf.for %scan3A_555 = %scan3A to %scan3A_552 step %scan3A_553  : i32 {
      %mul3A_556 = arith.constant 1 : i32
      %mul3A_557 = arith.muli %scan3A_555, %mul3A_556 : i32
      %add3A_558 = arith.constant 0 : i32
      %add3A_559 = arith.addi %add3A_558, %mul3A_557 : i32
      %mul3A_560 = arith.constant 64 : i32
      %mul3A_561 = arith.muli %add3A_559, %mul3A_560 : i32
      %add3A_562 = arith.addi %mul3A_2, %mul3A_561 : i32
      %scan3A_563 = arith.constant 0 : i32
      %scan3A_564 = arith.constant 4 : i32
      %scan3A_565 = arith.addi %scan3A_563, %scan3A_564 : i32
      %scan3A_566 = arith.constant 1 : i32
      scf.for %scan3A_569 = %scan3A_563 to %scan3A_565 step %scan3A_566  : i32 {
        %mul3A_570 = arith.constant 1 : i32
        %mul3A_571 = arith.muli %scan3A_569, %mul3A_570 : i32
        %add3A_572 = arith.constant 0 : i32
        %add3A_573 = arith.addi %add3A_572, %mul3A_571 : i32
        %mul3A_574 = arith.constant 8 : i32
        %mul3A_575 = arith.muli %add3A_559, %mul3A_574 : i32
        %mul3A_576 = arith.constant 2 : i32
        %mul3A_577 = arith.muli %mul3A_576, %add3A_573 : i32
        %add3A_578 = arith.addi %mul3A_575, %mul3A_577 : i32
        %dma_wait3A = arith.constant 0 : i32
        %dma_wait3A_579 = arith.constant 0 : i32
        %dma_wait3A_580 = tpu.memref_slice %arg3[%dma_wait3A, %dma_wait3A_579] : memref<100000x300xf32, #tpu.memory_space<hbm>> -> memref<64x300xf32, #tpu.memory_space<hbm>>
        %dma_wait3A_581 = arith.constant 0 : i32
        %dma_wait3A_582 = arith.constant 0 : i32
        %dma_wait3A_583 = tpu.memref_slice %arg3[%dma_wait3A_581, %dma_wait3A_582] : memref<100000x300xf32, #tpu.memory_space<hbm>> -> memref<64x300xf32, #tpu.memory_space<hbm>>
        tpu.wait_dma2 semaphore(%arg15 : memref<!tpu.dma_semaphore, #tpu.memory_space<semaphore_mem>>) src(%dma_wait3A_583 : memref<64x300xf32, #tpu.memory_space<hbm>>) dst(%arg9 : memref<64x300xf32, #tpu.memory_space<vmem>>)
        %dma_wait3A_584 = arith.constant 0 : i32
        %dma_wait3A_585 = arith.constant 0 : i32
        %dma_wait3A_586 = tpu.memref_slice %arg4[%dma_wait3A_584, %dma_wait3A_585] : memref<100000x64xf32, #tpu.memory_space<hbm>> -> memref<64x64xf32, #tpu.memory_space<hbm>>
        %dma_wait3A_587 = arith.constant 0 : i32
        %dma_wait3A_588 = arith.constant 0 : i32
        %dma_wait3A_589 = tpu.memref_slice %arg4[%dma_wait3A_587, %dma_wait3A_588] : memref<100000x64xf32, #tpu.memory_space<hbm>> -> memref<64x64xf32, #tpu.memory_space<hbm>>
        tpu.wait_dma2 semaphore(%arg17 : memref<!tpu.dma_semaphore, #tpu.memory_space<semaphore_mem>>) src(%dma_wait3A_589 : memref<64x64xf32, #tpu.memory_space<hbm>>) dst(%arg11 : memref<64x64xf32, #tpu.memory_space<vmem>>)
        %add3A_590 = arith.constant 1 : i32
        %add3A_591 = arith.addi %add3A_578, %add3A_590 : i32
        %mul3A_592 = arith.constant 8 : i32
        %mul3A_593 = arith.muli %add3A_591, %mul3A_592 : i32
        %get3A_594 = arith.index_cast %mul3A_593 : i32 to index
        %get3A_595 = tpu.vector_load %arg7[%get3A_594] {strides = array<i32>} : memref<528xi32, #tpu.memory_space<vmem>>, vector<16xi32>,
        %slice3A_596 = vector.extract_strided_slice %get3A_595 {offsets = [0], sizes = [1], strides = [1]} : vector<16xi32> to vector<1xi32>
        %squeeze3A_597 = vector.extract %slice3A_596[0] : i32 from vector<1xi32>
        %jit3A_598 = arith.constant 8 : i32
        %eq3A_599 = arith.constant 0 : i32
        %eq3A_600 = arith.cmpi eq, %jit3A_598, %eq3A_599 : i32
        %jit3A_601 = arith.constant 1 : i32
        %select_n3A_602 = arith.select %eq3A_600, %jit3A_601, %jit3A_598 : i32
        %rem3A_603 = arith.remsi %squeeze3A_597, %select_n3A_602 : i32
        %ne3A_604 = arith.constant 0 : i32
        %ne3A_605 = arith.cmpi ne, %rem3A_603, %ne3A_604 : i32
        %lt3A_606 = arith.constant 0 : i32
        %lt3A_607 = arith.cmpi slt, %rem3A_603, %lt3A_606 : i32
        %lt3A_608 = arith.constant 0 : i32
        %lt3A_609 = arith.cmpi slt, %select_n3A_602, %lt3A_608 : i32
        %ne3A_610 = arith.xori %lt3A_607, %lt3A_609 : i1
        %and3A_611 = arith.andi %ne3A_610, %ne3A_605 : i1
        %add3A_612 = arith.addi %rem3A_603, %select_n3A_602 : i32
        %select_n3A_613 = arith.select %and3A_611, %add3A_612, %rem3A_603 : i32
        %swap3A_614 = arith.constant 1 : i32
        %swap3A_615 = arith.constant 0 : i32
        %swap3A_616 = arith.index_cast %swap3A_614 : i32 to index
        %swap3A_617 = arith.index_cast %swap3A_615 : i32 to index
        %swap3A_618 = memref.load %arg14[%swap3A_616, %swap3A_617] : memref<2x8xi32, #tpu.memory_space<smem>>
        memref.store %select_n3A_613, %arg14[%swap3A_616, %swap3A_617] : memref<2x8xi32, #tpu.memory_space<smem>>
        %jit3A_619 = arith.constant 8 : i32
        %div3A_620 = arith.divsi %squeeze3A_597, %jit3A_619 : i32
        %sign3A_621 = arith.constant 0 : i32
        %sign3A_622 = arith.cmpi sgt, %squeeze3A_597, %sign3A_621 : i32
        %sign3A_623 = arith.extui %sign3A_622 : i1 to i32
        %sign3A_624 = arith.constant 0 : i32
        %sign3A_625 = arith.cmpi slt, %squeeze3A_597, %sign3A_624 : i32
        %sign3A_626 = arith.extui %sign3A_625 : i1 to i32
        %sign3A_627 = arith.subi %sign3A_623, %sign3A_626 : i32
        %sign3A_628 = arith.constant 0 : i32
        %sign3A_629 = arith.cmpi sgt, %jit3A_619, %sign3A_628 : i32
        %sign3A_630 = arith.extui %sign3A_629 : i1 to i32
        %sign3A_631 = arith.constant 0 : i32
        %sign3A_632 = arith.cmpi slt, %jit3A_619, %sign3A_631 : i32
        %sign3A_633 = arith.extui %sign3A_632 : i1 to i32
        %sign3A_634 = arith.subi %sign3A_630, %sign3A_633 : i32
        %ne3A_635 = arith.cmpi ne, %sign3A_627, %sign3A_634 : i32
        %rem3A_636 = arith.remsi %squeeze3A_597, %jit3A_619 : i32
        %ne3A_637 = arith.constant 0 : i32
        %ne3A_638 = arith.cmpi ne, %rem3A_636, %ne3A_637 : i32
        %and3A_639 = arith.andi %ne3A_635, %ne3A_638 : i1
        %sub3A_640 = arith.constant 1 : i32
        %sub3A_641 = arith.subi %div3A_620, %sub3A_640 : i32
        %select_n3A_642 = arith.select %and3A_639, %sub3A_641, %div3A_620 : i32
        %mul3A_643 = arith.constant 8 : i32
        %mul3A_644 = arith.muli %select_n3A_642, %mul3A_643 : i32
        %multiple_of3A_645 = tpu.assume_multiple %mul3A_644, 8 : i32
        %dma_start3A_646 = arith.constant 0 : i32
        %dma_start3A_647 = arith.constant 0 : i32
        %dma_start3A_648 = tpu.memref_slice %arg10[%dma_start3A_646, %dma_start3A_647] : memref<64x300xf32, #tpu.memory_space<vmem>> -> memref<8x300xf32, #tpu.memory_space<vmem>>
        %dma_start3A_649 = arith.constant 0 : i32
        %dma_start3A_650 = tpu.memref_slice %arg3[%multiple_of3A_645, %dma_start3A_649] : memref<100000x300xf32, #tpu.memory_space<hbm>> -> memref<8x300xf32, #tpu.memory_space<hbm>>
        %dma_start3A_651 = arith.constant 0 : i32
        %dma_start3A_652 = arith.constant 0 : i32
        %dma_start3A_653 = tpu.memref_slice %arg10[%dma_start3A_651, %dma_start3A_652] : memref<64x300xf32, #tpu.memory_space<vmem>> -> memref<8x300xf32, #tpu.memory_space<vmem>>
        %dma_start3A_654 = arith.constant 0 : i32
        %dma_start3A_655 = tpu.memref_slice %arg3[%multiple_of3A_645, %dma_start3A_654] : memref<100000x300xf32, #tpu.memory_space<hbm>> -> memref<8x300xf32, #tpu.memory_space<hbm>>
        tpu.enqueue_dma source(%dma_start3A_655 : memref<8x300xf32, #tpu.memory_space<hbm>>) target(%dma_start3A_653 : memref<8x300xf32, #tpu.memory_space<vmem>>) target_semaphore(%arg16 : memref<!tpu.dma_semaphore, #tpu.memory_space<semaphore_mem>>)
        %dma_start3A_656 = arith.constant 0 : i32
        %dma_start3A_657 = arith.constant 0 : i32
        %dma_start3A_658 = tpu.memref_slice %arg12[%dma_start3A_656, %dma_start3A_657] : memref<64x64xf32, #tpu.memory_space<vmem>> -> memref<8x64xf32, #tpu.memory_space<vmem>>
        %dma_start3A_659 = arith.constant 0 : i32
        %dma_start3A_660 = tpu.memref_slice %arg4[%multiple_of3A_645, %dma_start3A_659] : memref<100000x64xf32, #tpu.memory_space<hbm>> -> memref<8x64xf32, #tpu.memory_space<hbm>>
        %dma_start3A_661 = arith.constant 0 : i32
        %dma_start3A_662 = arith.constant 0 : i32
        %dma_start3A_663 = tpu.memref_slice %arg12[%dma_start3A_661, %dma_start3A_662] : memref<64x64xf32, #tpu.memory_space<vmem>> -> memref<8x64xf32, #tpu.memory_space<vmem>>
        %dma_start3A_664 = arith.constant 0 : i32
        %dma_start3A_665 = tpu.memref_slice %arg4[%multiple_of3A_645, %dma_start3A_664] : memref<100000x64xf32, #tpu.memory_space<hbm>> -> memref<8x64xf32, #tpu.memory_space<hbm>>
        tpu.enqueue_dma source(%dma_start3A_665 : memref<8x64xf32, #tpu.memory_space<hbm>>) target(%dma_start3A_663 : memref<8x64xf32, #tpu.memory_space<vmem>>) target_semaphore(%arg18 : memref<!tpu.dma_semaphore, #tpu.memory_space<semaphore_mem>>)
        %slice3A_666 = vector.extract_strided_slice %get3A_595 {offsets = [1], sizes = [1], strides = [1]} : vector<16xi32> to vector<1xi32>
        %squeeze3A_667 = vector.extract %slice3A_666[0] : i32 from vector<1xi32>
        %jit3A_668 = arith.constant 8 : i32
        %eq3A_669 = arith.constant 0 : i32
        %eq3A_670 = arith.cmpi eq, %jit3A_668, %eq3A_669 : i32
        %jit3A_671 = arith.constant 1 : i32
        %select_n3A_672 = arith.select %eq3A_670, %jit3A_671, %jit3A_668 : i32
        %rem3A_673 = arith.remsi %squeeze3A_667, %select_n3A_672 : i32
        %ne3A_674 = arith.constant 0 : i32
        %ne3A_675 = arith.cmpi ne, %rem3A_673, %ne3A_674 : i32
        %lt3A_676 = arith.constant 0 : i32
        %lt3A_677 = arith.cmpi slt, %rem3A_673, %lt3A_676 : i32
        %lt3A_678 = arith.constant 0 : i32
        %lt3A_679 = arith.cmpi slt, %select_n3A_672, %lt3A_678 : i32
        %ne3A_680 = arith.xori %lt3A_677, %lt3A_679 : i1
        %and3A_681 = arith.andi %ne3A_680, %ne3A_675 : i1
        %add3A_682 = arith.addi %rem3A_673, %select_n3A_672 : i32
        %select_n3A_683 = arith.select %and3A_681, %add3A_682, %rem3A_673 : i32
        %swap3A_684 = arith.constant 1 : i32
        %swap3A_685 = arith.constant 1 : i32
        %swap3A_686 = arith.index_cast %swap3A_684 : i32 to index
        %swap3A_687 = arith.index_cast %swap3A_685 : i32 to index
        %swap3A_688 = memref.load %arg14[%swap3A_686, %swap3A_687] : memref<2x8xi32, #tpu.memory_space<smem>>
        memref.store %select_n3A_683, %arg14[%swap3A_686, %swap3A_687] : memref<2x8xi32, #tpu.memory_space<smem>>
        %jit3A_689 = arith.constant 8 : i32
        %div3A_690 = arith.divsi %squeeze3A_667, %jit3A_689 : i32
        %sign3A_691 = arith.constant 0 : i32
        %sign3A_692 = arith.cmpi sgt, %squeeze3A_667, %sign3A_691 : i32
        %sign3A_693 = arith.extui %sign3A_692 : i1 to i32
        %sign3A_694 = arith.constant 0 : i32
        %sign3A_695 = arith.cmpi slt, %squeeze3A_667, %sign3A_694 : i32
        %sign3A_696 = arith.extui %sign3A_695 : i1 to i32
        %sign3A_697 = arith.subi %sign3A_693, %sign3A_696 : i32
        %sign3A_698 = arith.constant 0 : i32
        %sign3A_699 = arith.cmpi sgt, %jit3A_689, %sign3A_698 : i32
        %sign3A_700 = arith.extui %sign3A_699 : i1 to i32
        %sign3A_701 = arith.constant 0 : i32
        %sign3A_702 = arith.cmpi slt, %jit3A_689, %sign3A_701 : i32
        %sign3A_703 = arith.extui %sign3A_702 : i1 to i32
        %sign3A_704 = arith.subi %sign3A_700, %sign3A_703 : i32
        %ne3A_705 = arith.cmpi ne, %sign3A_697, %sign3A_704 : i32
        %rem3A_706 = arith.remsi %squeeze3A_667, %jit3A_689 : i32
        %ne3A_707 = arith.constant 0 : i32
        %ne3A_708 = arith.cmpi ne, %rem3A_706, %ne3A_707 : i32
        %and3A_709 = arith.andi %ne3A_705, %ne3A_708 : i1
        %sub3A_710 = arith.constant 1 : i32
        %sub3A_711 = arith.subi %div3A_690, %sub3A_710 : i32
        %select_n3A_712 = arith.select %and3A_709, %sub3A_711, %div3A_690 : i32
        %mul3A_713 = arith.constant 8 : i32
        %mul3A_714 = arith.muli %select_n3A_712, %mul3A_713 : i32
        %multiple_of3A_715 = tpu.assume_multiple %mul3A_714, 8 : i32
        %dma_start3A_716 = arith.constant 8 : i32
        %dma_start3A_717 = arith.constant 0 : i32
        %dma_start3A_718 = tpu.memref_slice %arg10[%dma_start3A_716, %dma_start3A_717] : memref<64x300xf32, #tpu.memory_space<vmem>> -> memref<8x300xf32, #tpu.memory_space<vmem>>
        %dma_start3A_719 = arith.constant 0 : i32
        %dma_start3A_720 = tpu.memref_slice %arg3[%multiple_of3A_715, %dma_start3A_719] : memref<100000x300xf32, #tpu.memory_space<hbm>> -> memref<8x300xf32, #tpu.memory_space<hbm>>
        %dma_start3A_721 = arith.constant 8 : i32
        %dma_start3A_722 = arith.constant 0 : i32
        %dma_start3A_723 = tpu.memref_slice %arg10[%dma_start3A_721, %dma_start3A_722] : memref<64x300xf32, #tpu.memory_space<vmem>> -> memref<8x300xf32, #tpu.memory_space<vmem>>
        %dma_start3A_724 = arith.constant 0 : i32
        %dma_start3A_725 = tpu.memref_slice %arg3[%multiple_of3A_715, %dma_start3A_724] : memref<100000x300xf32, #tpu.memory_space<hbm>> -> memref<8x300xf32, #tpu.memory_space<hbm>>
        tpu.enqueue_dma source(%dma_start3A_725 : memref<8x300xf32, #tpu.memory_space<hbm>>) target(%dma_start3A_723 : memref<8x300xf32, #tpu.memory_space<vmem>>) target_semaphore(%arg16 : memref<!tpu.dma_semaphore, #tpu.memory_space<semaphore_mem>>)
        %dma_start3A_726 = arith.constant 8 : i32
        %dma_start3A_727 = arith.constant 0 : i32
        %dma_start3A_728 = tpu.memref_slice %arg12[%dma_start3A_726, %dma_start3A_727] : memref<64x64xf32, #tpu.memory_space<vmem>> -> memref<8x64xf32, #tpu.memory_space<vmem>>
        %dma_start3A_729 = arith.constant 0 : i32
        %dma_start3A_730 = tpu.memref_slice %arg4[%multiple_of3A_715, %dma_start3A_729] : memref<100000x64xf32, #tpu.memory_space<hbm>> -> memref<8x64xf32, #tpu.memory_space<hbm>>
        %dma_start3A_731 = arith.constant 8 : i32
        %dma_start3A_732 = arith.constant 0 : i32
        %dma_start3A_733 = tpu.memref_slice %arg12[%dma_start3A_731, %dma_start3A_732] : memref<64x64xf32, #tpu.memory_space<vmem>> -> memref<8x64xf32, #tpu.memory_space<vmem>>
        %dma_start3A_734 = arith.constant 0 : i32
        %dma_start3A_735 = tpu.memref_slice %arg4[%multiple_of3A_715, %dma_start3A_734] : memref<100000x64xf32, #tpu.memory_space<hbm>> -> memref<8x64xf32, #tpu.memory_space<hbm>>
        tpu.enqueue_dma source(%dma_start3A_735 : memref<8x64xf32, #tpu.memory_space<hbm>>) target(%dma_start3A_733 : memref<8x64xf32, #tpu.memory_space<vmem>>) target_semaphore(%arg18 : memref<!tpu.dma_semaphore, #tpu.memory_space<semaphore_mem>>)
        %slice3A_736 = vector.extract_strided_slice %get3A_595 {offsets = [2], sizes = [1], strides = [1]} : vector<16xi32> to vector<1xi32>
        %squeeze3A_737 = vector.extract %slice3A_736[0] : i32 from vector<1xi32>
        %jit3A_738 = arith.constant 8 : i32
        %eq3A_739 = arith.constant 0 : i32
        %eq3A_740 = arith.cmpi eq, %jit3A_738, %eq3A_739 : i32
        %jit3A_741 = arith.constant 1 : i32
        %select_n3A_742 = arith.select %eq3A_740, %jit3A_741, %jit3A_738 : i32
        %rem3A_743 = arith.remsi %squeeze3A_737, %select_n3A_742 : i32
        %ne3A_744 = arith.constant 0 : i32
        %ne3A_745 = arith.cmpi ne, %rem3A_743, %ne3A_744 : i32
        %lt3A_746 = arith.constant 0 : i32
        %lt3A_747 = arith.cmpi slt, %rem3A_743, %lt3A_746 : i32
        %lt3A_748 = arith.constant 0 : i32
        %lt3A_749 = arith.cmpi slt, %select_n3A_742, %lt3A_748 : i32
        %ne3A_750 = arith.xori %lt3A_747, %lt3A_749 : i1
        %and3A_751 = arith.andi %ne3A_750, %ne3A_745 : i1
        %add3A_752 = arith.addi %rem3A_743, %select_n3A_742 : i32
        %select_n3A_753 = arith.select %and3A_751, %add3A_752, %rem3A_743 : i32
        %swap3A_754 = arith.constant 1 : i32
        %swap3A_755 = arith.constant 2 : i32
        %swap3A_756 = arith.index_cast %swap3A_754 : i32 to index
        %swap3A_757 = arith.index_cast %swap3A_755 : i32 to index
        %swap3A_758 = memref.load %arg14[%swap3A_756, %swap3A_757] : memref<2x8xi32, #tpu.memory_space<smem>>
        memref.store %select_n3A_753, %arg14[%swap3A_756, %swap3A_757] : memref<2x8xi32, #tpu.memory_space<smem>>
        %jit3A_759 = arith.constant 8 : i32
        %div3A_760 = arith.divsi %squeeze3A_737, %jit3A_759 : i32
        %sign3A_761 = arith.constant 0 : i32
        %sign3A_762 = arith.cmpi sgt, %squeeze3A_737, %sign3A_761 : i32
        %sign3A_763 = arith.extui %sign3A_762 : i1 to i32
        %sign3A_764 = arith.constant 0 : i32
        %sign3A_765 = arith.cmpi slt, %squeeze3A_737, %sign3A_764 : i32
        %sign3A_766 = arith.extui %sign3A_765 : i1 to i32
        %sign3A_767 = arith.subi %sign3A_763, %sign3A_766 : i32
        %sign3A_768 = arith.constant 0 : i32
        %sign3A_769 = arith.cmpi sgt, %jit3A_759, %sign3A_768 : i32
        %sign3A_770 = arith.extui %sign3A_769 : i1 to i32
        %sign3A_771 = arith.constant 0 : i32
        %sign3A_772 = arith.cmpi slt, %jit3A_759, %sign3A_771 : i32
        %sign3A_773 = arith.extui %sign3A_772 : i1 to i32
        %sign3A_774 = arith.subi %sign3A_770, %sign3A_773 : i32
        %ne3A_775 = arith.cmpi ne, %sign3A_767, %sign3A_774 : i32
        %rem3A_776 = arith.remsi %squeeze3A_737, %jit3A_759 : i32
        %ne3A_777 = arith.constant 0 : i32
        %ne3A_778 = arith.cmpi ne, %rem3A_776, %ne3A_777 : i32
        %and3A_779 = arith.andi %ne3A_775, %ne3A_778 : i1
        %sub3A_780 = arith.constant 1 : i32
        %sub3A_781 = arith.subi %div3A_760, %sub3A_780 : i32
        %select_n3A_782 = arith.select %and3A_779, %sub3A_781, %div3A_760 : i32
        %mul3A_783 = arith.constant 8 : i32
        %mul3A_784 = arith.muli %select_n3A_782, %mul3A_783 : i32
        %multiple_of3A_785 = tpu.assume_multiple %mul3A_784, 8 : i32
        %dma_start3A_786 = arith.constant 16 : i32
        %dma_start3A_787 = arith.constant 0 : i32
        %dma_start3A_788 = tpu.memref_slice %arg10[%dma_start3A_786, %dma_start3A_787] : memref<64x300xf32, #tpu.memory_space<vmem>> -> memref<8x300xf32, #tpu.memory_space<vmem>>
        %dma_start3A_789 = arith.constant 0 : i32
        %dma_start3A_790 = tpu.memref_slice %arg3[%multiple_of3A_785, %dma_start3A_789] : memref<100000x300xf32, #tpu.memory_space<hbm>> -> memref<8x300xf32, #tpu.memory_space<hbm>>
        %dma_start3A_791 = arith.constant 16 : i32
        %dma_start3A_792 = arith.constant 0 : i32
        %dma_start3A_793 = tpu.memref_slice %arg10[%dma_start3A_791, %dma_start3A_792] : memref<64x300xf32, #tpu.memory_space<vmem>> -> memref<8x300xf32, #tpu.memory_space<vmem>>
        %dma_start3A_794 = arith.constant 0 : i32
        %dma_start3A_795 = tpu.memref_slice %arg3[%multiple_of3A_785, %dma_start3A_794] : memref<100000x300xf32, #tpu.memory_space<hbm>> -> memref<8x300xf32, #tpu.memory_space<hbm>>
        tpu.enqueue_dma source(%dma_start3A_795 : memref<8x300xf32, #tpu.memory_space<hbm>>) target(%dma_start3A_793 : memref<8x300xf32, #tpu.memory_space<vmem>>) target_semaphore(%arg16 : memref<!tpu.dma_semaphore, #tpu.memory_space<semaphore_mem>>)
        %dma_start3A_796 = arith.constant 16 : i32
        %dma_start3A_797 = arith.constant 0 : i32
        %dma_start3A_798 = tpu.memref_slice %arg12[%dma_start3A_796, %dma_start3A_797] : memref<64x64xf32, #tpu.memory_space<vmem>> -> memref<8x64xf32, #tpu.memory_space<vmem>>
        %dma_start3A_799 = arith.constant 0 : i32
        %dma_start3A_800 = tpu.memref_slice %arg4[%multiple_of3A_785, %dma_start3A_799] : memref<100000x64xf32, #tpu.memory_space<hbm>> -> memref<8x64xf32, #tpu.memory_space<hbm>>
        %dma_start3A_801 = arith.constant 16 : i32
        %dma_start3A_802 = arith.constant 0 : i32
        %dma_start3A_803 = tpu.memref_slice %arg12[%dma_start3A_801, %dma_start3A_802] : memref<64x64xf32, #tpu.memory_space<vmem>> -> memref<8x64xf32, #tpu.memory_space<vmem>>
        %dma_start3A_804 = arith.constant 0 : i32
        %dma_start3A_805 = tpu.memref_slice %arg4[%multiple_of3A_785, %dma_start3A_804] : memref<100000x64xf32, #tpu.memory_space<hbm>> -> memref<8x64xf32, #tpu.memory_space<hbm>>
        tpu.enqueue_dma source(%dma_start3A_805 : memref<8x64xf32, #tpu.memory_space<hbm>>) target(%dma_start3A_803 : memref<8x64xf32, #tpu.memory_space<vmem>>) target_semaphore(%arg18 : memref<!tpu.dma_semaphore, #tpu.memory_space<semaphore_mem>>)
        %slice3A_806 = vector.extract_strided_slice %get3A_595 {offsets = [3], sizes = [1], strides = [1]} : vector<16xi32> to vector<1xi32>
        %squeeze3A_807 = vector.extract %slice3A_806[0] : i32 from vector<1xi32>
        %jit3A_808 = arith.constant 8 : i32
        %eq3A_809 = arith.constant 0 : i32
        %eq3A_810 = arith.cmpi eq, %jit3A_808, %eq3A_809 : i32
        %jit3A_811 = arith.constant 1 : i32
        %select_n3A_812 = arith.select %eq3A_810, %jit3A_811, %jit3A_808 : i32
        %rem3A_813 = arith.remsi %squeeze3A_807, %select_n3A_812 : i32
        %ne3A_814 = arith.constant 0 : i32
        %ne3A_815 = arith.cmpi ne, %rem3A_813, %ne3A_814 : i32
        %lt3A_816 = arith.constant 0 : i32
        %lt3A_817 = arith.cmpi slt, %rem3A_813, %lt3A_816 : i32
        %lt3A_818 = arith.constant 0 : i32
        %lt3A_819 = arith.cmpi slt, %select_n3A_812, %lt3A_818 : i32
        %ne3A_820 = arith.xori %lt3A_817, %lt3A_819 : i1
        %and3A_821 = arith.andi %ne3A_820, %ne3A_815 : i1
        %add3A_822 = arith.addi %rem3A_813, %select_n3A_812 : i32
        %select_n3A_823 = arith.select %and3A_821, %add3A_822, %rem3A_813 : i32
        %swap3A_824 = arith.constant 1 : i32
        %swap3A_825 = arith.constant 3 : i32
        %swap3A_826 = arith.index_cast %swap3A_824 : i32 to index
        %swap3A_827 = arith.index_cast %swap3A_825 : i32 to index
        %swap3A_828 = memref.load %arg14[%swap3A_826, %swap3A_827] : memref<2x8xi32, #tpu.memory_space<smem>>
        memref.store %select_n3A_823, %arg14[%swap3A_826, %swap3A_827] : memref<2x8xi32, #tpu.memory_space<smem>>
        %jit3A_829 = arith.constant 8 : i32
        %div3A_830 = arith.divsi %squeeze3A_807, %jit3A_829 : i32
        %sign3A_831 = arith.constant 0 : i32
        %sign3A_832 = arith.cmpi sgt, %squeeze3A_807, %sign3A_831 : i32
        %sign3A_833 = arith.extui %sign3A_832 : i1 to i32
        %sign3A_834 = arith.constant 0 : i32
        %sign3A_835 = arith.cmpi slt, %squeeze3A_807, %sign3A_834 : i32
        %sign3A_836 = arith.extui %sign3A_835 : i1 to i32
        %sign3A_837 = arith.subi %sign3A_833, %sign3A_836 : i32
        %sign3A_838 = arith.constant 0 : i32
        %sign3A_839 = arith.cmpi sgt, %jit3A_829, %sign3A_838 : i32
        %sign3A_840 = arith.extui %sign3A_839 : i1 to i32
        %sign3A_841 = arith.constant 0 : i32
        %sign3A_842 = arith.cmpi slt, %jit3A_829, %sign3A_841 : i32
        %sign3A_843 = arith.extui %sign3A_842 : i1 to i32
        %sign3A_844 = arith.subi %sign3A_840, %sign3A_843 : i32
        %ne3A_845 = arith.cmpi ne, %sign3A_837, %sign3A_844 : i32
        %rem3A_846 = arith.remsi %squeeze3A_807, %jit3A_829 : i32
        %ne3A_847 = arith.constant 0 : i32
        %ne3A_848 = arith.cmpi ne, %rem3A_846, %ne3A_847 : i32
        %and3A_849 = arith.andi %ne3A_845, %ne3A_848 : i1
        %sub3A_850 = arith.constant 1 : i32
        %sub3A_851 = arith.subi %div3A_830, %sub3A_850 : i32
        %select_n3A_852 = arith.select %and3A_849, %sub3A_851, %div3A_830 : i32
        %mul3A_853 = arith.constant 8 : i32
        %mul3A_854 = arith.muli %select_n3A_852, %mul3A_853 : i32
        %multiple_of3A_855 = tpu.assume_multiple %mul3A_854, 8 : i32
        %dma_start3A_856 = arith.constant 24 : i32
        %dma_start3A_857 = arith.constant 0 : i32
        %dma_start3A_858 = tpu.memref_slice %arg10[%dma_start3A_856, %dma_start3A_857] : memref<64x300xf32, #tpu.memory_space<vmem>> -> memref<8x300xf32, #tpu.memory_space<vmem>>
        %dma_start3A_859 = arith.constant 0 : i32
        %dma_start3A_860 = tpu.memref_slice %arg3[%multiple_of3A_855, %dma_start3A_859] : memref<100000x300xf32, #tpu.memory_space<hbm>> -> memref<8x300xf32, #tpu.memory_space<hbm>>
        %dma_start3A_861 = arith.constant 24 : i32
        %dma_start3A_862 = arith.constant 0 : i32
        %dma_start3A_863 = tpu.memref_slice %arg10[%dma_start3A_861, %dma_start3A_862] : memref<64x300xf32, #tpu.memory_space<vmem>> -> memref<8x300xf32, #tpu.memory_space<vmem>>
        %dma_start3A_864 = arith.constant 0 : i32
        %dma_start3A_865 = tpu.memref_slice %arg3[%multiple_of3A_855, %dma_start3A_864] : memref<100000x300xf32, #tpu.memory_space<hbm>> -> memref<8x300xf32, #tpu.memory_space<hbm>>
        tpu.enqueue_dma source(%dma_start3A_865 : memref<8x300xf32, #tpu.memory_space<hbm>>) target(%dma_start3A_863 : memref<8x300xf32, #tpu.memory_space<vmem>>) target_semaphore(%arg16 : memref<!tpu.dma_semaphore, #tpu.memory_space<semaphore_mem>>)
        %dma_start3A_866 = arith.constant 24 : i32
        %dma_start3A_867 = arith.constant 0 : i32
        %dma_start3A_868 = tpu.memref_slice %arg12[%dma_start3A_866, %dma_start3A_867] : memref<64x64xf32, #tpu.memory_space<vmem>> -> memref<8x64xf32, #tpu.memory_space<vmem>>
        %dma_start3A_869 = arith.constant 0 : i32
        %dma_start3A_870 = tpu.memref_slice %arg4[%multiple_of3A_855, %dma_start3A_869] : memref<100000x64xf32, #tpu.memory_space<hbm>> -> memref<8x64xf32, #tpu.memory_space<hbm>>
        %dma_start3A_871 = arith.constant 24 : i32
        %dma_start3A_872 = arith.constant 0 : i32
        %dma_start3A_873 = tpu.memref_slice %arg12[%dma_start3A_871, %dma_start3A_872] : memref<64x64xf32, #tpu.memory_space<vmem>> -> memref<8x64xf32, #tpu.memory_space<vmem>>
        %dma_start3A_874 = arith.constant 0 : i32
        %dma_start3A_875 = tpu.memref_slice %arg4[%multiple_of3A_855, %dma_start3A_874] : memref<100000x64xf32, #tpu.memory_space<hbm>> -> memref<8x64xf32, #tpu.memory_space<hbm>>
        tpu.enqueue_dma source(%dma_start3A_875 : memref<8x64xf32, #tpu.memory_space<hbm>>) target(%dma_start3A_873 : memref<8x64xf32, #tpu.memory_space<vmem>>) target_semaphore(%arg18 : memref<!tpu.dma_semaphore, #tpu.memory_space<semaphore_mem>>)
        %slice3A_876 = vector.extract_strided_slice %get3A_595 {offsets = [4], sizes = [1], strides = [1]} : vector<16xi32> to vector<1xi32>
        %squeeze3A_877 = vector.extract %slice3A_876[0] : i32 from vector<1xi32>
        %jit3A_878 = arith.constant 8 : i32
        %eq3A_879 = arith.constant 0 : i32
        %eq3A_880 = arith.cmpi eq, %jit3A_878, %eq3A_879 : i32
        %jit3A_881 = arith.constant 1 : i32
        %select_n3A_882 = arith.select %eq3A_880, %jit3A_881, %jit3A_878 : i32
        %rem3A_883 = arith.remsi %squeeze3A_877, %select_n3A_882 : i32
        %ne3A_884 = arith.constant 0 : i32
        %ne3A_885 = arith.cmpi ne, %rem3A_883, %ne3A_884 : i32
        %lt3A_886 = arith.constant 0 : i32
        %lt3A_887 = arith.cmpi slt, %rem3A_883, %lt3A_886 : i32
        %lt3A_888 = arith.constant 0 : i32
        %lt3A_889 = arith.cmpi slt, %select_n3A_882, %lt3A_888 : i32
        %ne3A_890 = arith.xori %lt3A_887, %lt3A_889 : i1
        %and3A_891 = arith.andi %ne3A_890, %ne3A_885 : i1
        %add3A_892 = arith.addi %rem3A_883, %select_n3A_882 : i32
        %select_n3A_893 = arith.select %and3A_891, %add3A_892, %rem3A_883 : i32
        %swap3A_894 = arith.constant 1 : i32
        %swap3A_895 = arith.constant 4 : i32
        %swap3A_896 = arith.index_cast %swap3A_894 : i32 to index
        %swap3A_897 = arith.index_cast %swap3A_895 : i32 to index
        %swap3A_898 = memref.load %arg14[%swap3A_896, %swap3A_897] : memref<2x8xi32, #tpu.memory_space<smem>>
        memref.store %select_n3A_893, %arg14[%swap3A_896, %swap3A_897] : memref<2x8xi32, #tpu.memory_space<smem>>
        %jit3A_899 = arith.constant 8 : i32
        %div3A_900 = arith.divsi %squeeze3A_877, %jit3A_899 : i32
        %sign3A_901 = arith.constant 0 : i32
        %sign3A_902 = arith.cmpi sgt, %squeeze3A_877, %sign3A_901 : i32
        %sign3A_903 = arith.extui %sign3A_902 : i1 to i32
        %sign3A_904 = arith.constant 0 : i32
        %sign3A_905 = arith.cmpi slt, %squeeze3A_877, %sign3A_904 : i32
        %sign3A_906 = arith.extui %sign3A_905 : i1 to i32
        %sign3A_907 = arith.subi %sign3A_903, %sign3A_906 : i32
        %sign3A_908 = arith.constant 0 : i32
        %sign3A_909 = arith.cmpi sgt, %jit3A_899, %sign3A_908 : i32
        %sign3A_910 = arith.extui %sign3A_909 : i1 to i32
        %sign3A_911 = arith.constant 0 : i32
        %sign3A_912 = arith.cmpi slt, %jit3A_899, %sign3A_911 : i32
        %sign3A_913 = arith.extui %sign3A_912 : i1 to i32
        %sign3A_914 = arith.subi %sign3A_910, %sign3A_913 : i32
        %ne3A_915 = arith.cmpi ne, %sign3A_907, %sign3A_914 : i32
        %rem3A_916 = arith.remsi %squeeze3A_877, %jit3A_899 : i32
        %ne3A_917 = arith.constant 0 : i32
        %ne3A_918 = arith.cmpi ne, %rem3A_916, %ne3A_917 : i32
        %and3A_919 = arith.andi %ne3A_915, %ne3A_918 : i1
        %sub3A_920 = arith.constant 1 : i32
        %sub3A_921 = arith.subi %div3A_900, %sub3A_920 : i32
        %select_n3A_922 = arith.select %and3A_919, %sub3A_921, %div3A_900 : i32
        %mul3A_923 = arith.constant 8 : i32
        %mul3A_924 = arith.muli %select_n3A_922, %mul3A_923 : i32
        %multiple_of3A_925 = tpu.assume_multiple %mul3A_924, 8 : i32
        %dma_start3A_926 = arith.constant 32 : i32
        %dma_start3A_927 = arith.constant 0 : i32
        %dma_start3A_928 = tpu.memref_slice %arg10[%dma_start3A_926, %dma_start3A_927] : memref<64x300xf32, #tpu.memory_space<vmem>> -> memref<8x300xf32, #tpu.memory_space<vmem>>
        %dma_start3A_929 = arith.constant 0 : i32
        %dma_start3A_930 = tpu.memref_slice %arg3[%multiple_of3A_925, %dma_start3A_929] : memref<100000x300xf32, #tpu.memory_space<hbm>> -> memref<8x300xf32, #tpu.memory_space<hbm>>
        %dma_start3A_931 = arith.constant 32 : i32
        %dma_start3A_932 = arith.constant 0 : i32
        %dma_start3A_933 = tpu.memref_slice %arg10[%dma_start3A_931, %dma_start3A_932] : memref<64x300xf32, #tpu.memory_space<vmem>> -> memref<8x300xf32, #tpu.memory_space<vmem>>
        %dma_start3A_934 = arith.constant 0 : i32
        %dma_start3A_935 = tpu.memref_slice %arg3[%multiple_of3A_925, %dma_start3A_934] : memref<100000x300xf32, #tpu.memory_space<hbm>> -> memref<8x300xf32, #tpu.memory_space<hbm>>
        tpu.enqueue_dma source(%dma_start3A_935 : memref<8x300xf32, #tpu.memory_space<hbm>>) target(%dma_start3A_933 : memref<8x300xf32, #tpu.memory_space<vmem>>) target_semaphore(%arg16 : memref<!tpu.dma_semaphore, #tpu.memory_space<semaphore_mem>>)
        %dma_start3A_936 = arith.constant 32 : i32
        %dma_start3A_937 = arith.constant 0 : i32
        %dma_start3A_938 = tpu.memref_slice %arg12[%dma_start3A_936, %dma_start3A_937] : memref<64x64xf32, #tpu.memory_space<vmem>> -> memref<8x64xf32, #tpu.memory_space<vmem>>
        %dma_start3A_939 = arith.constant 0 : i32
        %dma_start3A_940 = tpu.memref_slice %arg4[%multiple_of3A_925, %dma_start3A_939] : memref<100000x64xf32, #tpu.memory_space<hbm>> -> memref<8x64xf32, #tpu.memory_space<hbm>>
        %dma_start3A_941 = arith.constant 32 : i32
        %dma_start3A_942 = arith.constant 0 : i32
        %dma_start3A_943 = tpu.memref_slice %arg12[%dma_start3A_941, %dma_start3A_942] : memref<64x64xf32, #tpu.memory_space<vmem>> -> memref<8x64xf32, #tpu.memory_space<vmem>>
        %dma_start3A_944 = arith.constant 0 : i32
        %dma_start3A_945 = tpu.memref_slice %arg4[%multiple_of3A_925, %dma_start3A_944] : memref<100000x64xf32, #tpu.memory_space<hbm>> -> memref<8x64xf32, #tpu.memory_space<hbm>>
        tpu.enqueue_dma source(%dma_start3A_945 : memref<8x64xf32, #tpu.memory_space<hbm>>) target(%dma_start3A_943 : memref<8x64xf32, #tpu.memory_space<vmem>>) target_semaphore(%arg18 : memref<!tpu.dma_semaphore, #tpu.memory_space<semaphore_mem>>)
        %slice3A_946 = vector.extract_strided_slice %get3A_595 {offsets = [5], sizes = [1], strides = [1]} : vector<16xi32> to vector<1xi32>
        %squeeze3A_947 = vector.extract %slice3A_946[0] : i32 from vector<1xi32>
        %jit3A_948 = arith.constant 8 : i32
        %eq3A_949 = arith.constant 0 : i32
        %eq3A_950 = arith.cmpi eq, %jit3A_948, %eq3A_949 : i32
        %jit3A_951 = arith.constant 1 : i32
        %select_n3A_952 = arith.select %eq3A_950, %jit3A_951, %jit3A_948 : i32
        %rem3A_953 = arith.remsi %squeeze3A_947, %select_n3A_952 : i32
        %ne3A_954 = arith.constant 0 : i32
        %ne3A_955 = arith.cmpi ne, %rem3A_953, %ne3A_954 : i32
        %lt3A_956 = arith.constant 0 : i32
        %lt3A_957 = arith.cmpi slt, %rem3A_953, %lt3A_956 : i32
        %lt3A_958 = arith.constant 0 : i32
        %lt3A_959 = arith.cmpi slt, %select_n3A_952, %lt3A_958 : i32
        %ne3A_960 = arith.xori %lt3A_957, %lt3A_959 : i1
        %and3A_961 = arith.andi %ne3A_960, %ne3A_955 : i1
        %add3A_962 = arith.addi %rem3A_953, %select_n3A_952 : i32
        %select_n3A_963 = arith.select %and3A_961, %add3A_962, %rem3A_953 : i32
        %swap3A_964 = arith.constant 1 : i32
        %swap3A_965 = arith.constant 5 : i32
        %swap3A_966 = arith.index_cast %swap3A_964 : i32 to index
        %swap3A_967 = arith.index_cast %swap3A_965 : i32 to index
        %swap3A_968 = memref.load %arg14[%swap3A_966, %swap3A_967] : memref<2x8xi32, #tpu.memory_space<smem>>
        memref.store %select_n3A_963, %arg14[%swap3A_966, %swap3A_967] : memref<2x8xi32, #tpu.memory_space<smem>>
        %jit3A_969 = arith.constant 8 : i32
        %div3A_970 = arith.divsi %squeeze3A_947, %jit3A_969 : i32
        %sign3A_971 = arith.constant 0 : i32
        %sign3A_972 = arith.cmpi sgt, %squeeze3A_947, %sign3A_971 : i32
        %sign3A_973 = arith.extui %sign3A_972 : i1 to i32
        %sign3A_974 = arith.constant 0 : i32
        %sign3A_975 = arith.cmpi slt, %squeeze3A_947, %sign3A_974 : i32
        %sign3A_976 = arith.extui %sign3A_975 : i1 to i32
        %sign3A_977 = arith.subi %sign3A_973, %sign3A_976 : i32
        %sign3A_978 = arith.constant 0 : i32
        %sign3A_979 = arith.cmpi sgt, %jit3A_969, %sign3A_978 : i32
        %sign3A_980 = arith.extui %sign3A_979 : i1 to i32
        %sign3A_981 = arith.constant 0 : i32
        %sign3A_982 = arith.cmpi slt, %jit3A_969, %sign3A_981 : i32
        %sign3A_983 = arith.extui %sign3A_982 : i1 to i32
        %sign3A_984 = arith.subi %sign3A_980, %sign3A_983 : i32
        %ne3A_985 = arith.cmpi ne, %sign3A_977, %sign3A_984 : i32
        %rem3A_986 = arith.remsi %squeeze3A_947, %jit3A_969 : i32
        %ne3A_987 = arith.constant 0 : i32
        %ne3A_988 = arith.cmpi ne, %rem3A_986, %ne3A_987 : i32
        %and3A_989 = arith.andi %ne3A_985, %ne3A_988 : i1
        %sub3A_990 = arith.constant 1 : i32
        %sub3A_991 = arith.subi %div3A_970, %sub3A_990 : i32
        %select_n3A_992 = arith.select %and3A_989, %sub3A_991, %div3A_970 : i32
        %mul3A_993 = arith.constant 8 : i32
        %mul3A_994 = arith.muli %select_n3A_992, %mul3A_993 : i32
        %multiple_of3A_995 = tpu.assume_multiple %mul3A_994, 8 : i32
        %dma_start3A_996 = arith.constant 40 : i32
        %dma_start3A_997 = arith.constant 0 : i32
        %dma_start3A_998 = tpu.memref_slice %arg10[%dma_start3A_996, %dma_start3A_997] : memref<64x300xf32, #tpu.memory_space<vmem>> -> memref<8x300xf32, #tpu.memory_space<vmem>>
        %dma_start3A_999 = arith.constant 0 : i32
        %dma_start3A_1000 = tpu.memref_slice %arg3[%multiple_of3A_995, %dma_start3A_999] : memref<100000x300xf32, #tpu.memory_space<hbm>> -> memref<8x300xf32, #tpu.memory_space<hbm>>
        %dma_start3A_1001 = arith.constant 40 : i32
        %dma_start3A_1002 = arith.constant 0 : i32
        %dma_start3A_1003 = tpu.memref_slice %arg10[%dma_start3A_1001, %dma_start3A_1002] : memref<64x300xf32, #tpu.memory_space<vmem>> -> memref<8x300xf32, #tpu.memory_space<vmem>>
        %dma_start3A_1004 = arith.constant 0 : i32
        %dma_start3A_1005 = tpu.memref_slice %arg3[%multiple_of3A_995, %dma_start3A_1004] : memref<100000x300xf32, #tpu.memory_space<hbm>> -> memref<8x300xf32, #tpu.memory_space<hbm>>
        tpu.enqueue_dma source(%dma_start3A_1005 : memref<8x300xf32, #tpu.memory_space<hbm>>) target(%dma_start3A_1003 : memref<8x300xf32, #tpu.memory_space<vmem>>) target_semaphore(%arg16 : memref<!tpu.dma_semaphore, #tpu.memory_space<semaphore_mem>>)
        %dma_start3A_1006 = arith.constant 40 : i32
        %dma_start3A_1007 = arith.constant 0 : i32
        %dma_start3A_1008 = tpu.memref_slice %arg12[%dma_start3A_1006, %dma_start3A_1007] : memref<64x64xf32, #tpu.memory_space<vmem>> -> memref<8x64xf32, #tpu.memory_space<vmem>>
        %dma_start3A_1009 = arith.constant 0 : i32
        %dma_start3A_1010 = tpu.memref_slice %arg4[%multiple_of3A_995, %dma_start3A_1009] : memref<100000x64xf32, #tpu.memory_space<hbm>> -> memref<8x64xf32, #tpu.memory_space<hbm>>
        %dma_start3A_1011 = arith.constant 40 : i32
        %dma_start3A_1012 = arith.constant 0 : i32
        %dma_start3A_1013 = tpu.memref_slice %arg12[%dma_start3A_1011, %dma_start3A_1012] : memref<64x64xf32, #tpu.memory_space<vmem>> -> memref<8x64xf32, #tpu.memory_space<vmem>>
        %dma_start3A_1014 = arith.constant 0 : i32
        %dma_start3A_1015 = tpu.memref_slice %arg4[%multiple_of3A_995, %dma_start3A_1014] : memref<100000x64xf32, #tpu.memory_space<hbm>> -> memref<8x64xf32, #tpu.memory_space<hbm>>
        tpu.enqueue_dma source(%dma_start3A_1015 : memref<8x64xf32, #tpu.memory_space<hbm>>) target(%dma_start3A_1013 : memref<8x64xf32, #tpu.memory_space<vmem>>) target_semaphore(%arg18 : memref<!tpu.dma_semaphore, #tpu.memory_space<semaphore_mem>>)
        %slice3A_1016 = vector.extract_strided_slice %get3A_595 {offsets = [6], sizes = [1], strides = [1]} : vector<16xi32> to vector<1xi32>
        %squeeze3A_1017 = vector.extract %slice3A_1016[0] : i32 from vector<1xi32>
        %jit3A_1018 = arith.constant 8 : i32
        %eq3A_1019 = arith.constant 0 : i32
        %eq3A_1020 = arith.cmpi eq, %jit3A_1018, %eq3A_1019 : i32
        %jit3A_1021 = arith.constant 1 : i32
        %select_n3A_1022 = arith.select %eq3A_1020, %jit3A_1021, %jit3A_1018 : i32
        %rem3A_1023 = arith.remsi %squeeze3A_1017, %select_n3A_1022 : i32
        %ne3A_1024 = arith.constant 0 : i32
        %ne3A_1025 = arith.cmpi ne, %rem3A_1023, %ne3A_1024 : i32
        %lt3A_1026 = arith.constant 0 : i32
        %lt3A_1027 = arith.cmpi slt, %rem3A_1023, %lt3A_1026 : i32
        %lt3A_1028 = arith.constant 0 : i32
        %lt3A_1029 = arith.cmpi slt, %select_n3A_1022, %lt3A_1028 : i32
        %ne3A_1030 = arith.xori %lt3A_1027, %lt3A_1029 : i1
        %and3A_1031 = arith.andi %ne3A_1030, %ne3A_1025 : i1
        %add3A_1032 = arith.addi %rem3A_1023, %select_n3A_1022 : i32
        %select_n3A_1033 = arith.select %and3A_1031, %add3A_1032, %rem3A_1023 : i32
        %swap3A_1034 = arith.constant 1 : i32
        %swap3A_1035 = arith.constant 6 : i32
        %swap3A_1036 = arith.index_cast %swap3A_1034 : i32 to index
        %swap3A_1037 = arith.index_cast %swap3A_1035 : i32 to index
        %swap3A_1038 = memref.load %arg14[%swap3A_1036, %swap3A_1037] : memref<2x8xi32, #tpu.memory_space<smem>>
        memref.store %select_n3A_1033, %arg14[%swap3A_1036, %swap3A_1037] : memref<2x8xi32, #tpu.memory_space<smem>>
        %jit3A_1039 = arith.constant 8 : i32
        %div3A_1040 = arith.divsi %squeeze3A_1017, %jit3A_1039 : i32
        %sign3A_1041 = arith.constant 0 : i32
        %sign3A_1042 = arith.cmpi sgt, %squeeze3A_1017, %sign3A_1041 : i32
        %sign3A_1043 = arith.extui %sign3A_1042 : i1 to i32
        %sign3A_1044 = arith.constant 0 : i32
        %sign3A_1045 = arith.cmpi slt, %squeeze3A_1017, %sign3A_1044 : i32
        %sign3A_1046 = arith.extui %sign3A_1045 : i1 to i32
        %sign3A_1047 = arith.subi %sign3A_1043, %sign3A_1046 : i32
        %sign3A_1048 = arith.constant 0 : i32
        %sign3A_1049 = arith.cmpi sgt, %jit3A_1039, %sign3A_1048 : i32
        %sign3A_1050 = arith.extui %sign3A_1049 : i1 to i32
        %sign3A_1051 = arith.constant 0 : i32
        %sign3A_1052 = arith.cmpi slt, %jit3A_1039, %sign3A_1051 : i32
        %sign3A_1053 = arith.extui %sign3A_1052 : i1 to i32
        %sign3A_1054 = arith.subi %sign3A_1050, %sign3A_1053 : i32
        %ne3A_1055 = arith.cmpi ne, %sign3A_1047, %sign3A_1054 : i32
        %rem3A_1056 = arith.remsi %squeeze3A_1017, %jit3A_1039 : i32
        %ne3A_1057 = arith.constant 0 : i32
        %ne3A_1058 = arith.cmpi ne, %rem3A_1056, %ne3A_1057 : i32
        %and3A_1059 = arith.andi %ne3A_1055, %ne3A_1058 : i1
        %sub3A_1060 = arith.constant 1 : i32
        %sub3A_1061 = arith.subi %div3A_1040, %sub3A_1060 : i32
        %select_n3A_1062 = arith.select %and3A_1059, %sub3A_1061, %div3A_1040 : i32
        %mul3A_1063 = arith.constant 8 : i32
        %mul3A_1064 = arith.muli %select_n3A_1062, %mul3A_1063 : i32
        %multiple_of3A_1065 = tpu.assume_multiple %mul3A_1064, 8 : i32
        %dma_start3A_1066 = arith.constant 48 : i32
        %dma_start3A_1067 = arith.constant 0 : i32
        %dma_start3A_1068 = tpu.memref_slice %arg10[%dma_start3A_1066, %dma_start3A_1067] : memref<64x300xf32, #tpu.memory_space<vmem>> -> memref<8x300xf32, #tpu.memory_space<vmem>>
        %dma_start3A_1069 = arith.constant 0 : i32
        %dma_start3A_1070 = tpu.memref_slice %arg3[%multiple_of3A_1065, %dma_start3A_1069] : memref<100000x300xf32, #tpu.memory_space<hbm>> -> memref<8x300xf32, #tpu.memory_space<hbm>>
        %dma_start3A_1071 = arith.constant 48 : i32
        %dma_start3A_1072 = arith.constant 0 : i32
        %dma_start3A_1073 = tpu.memref_slice %arg10[%dma_start3A_1071, %dma_start3A_1072] : memref<64x300xf32, #tpu.memory_space<vmem>> -> memref<8x300xf32, #tpu.memory_space<vmem>>
        %dma_start3A_1074 = arith.constant 0 : i32
        %dma_start3A_1075 = tpu.memref_slice %arg3[%multiple_of3A_1065, %dma_start3A_1074] : memref<100000x300xf32, #tpu.memory_space<hbm>> -> memref<8x300xf32, #tpu.memory_space<hbm>>
        tpu.enqueue_dma source(%dma_start3A_1075 : memref<8x300xf32, #tpu.memory_space<hbm>>) target(%dma_start3A_1073 : memref<8x300xf32, #tpu.memory_space<vmem>>) target_semaphore(%arg16 : memref<!tpu.dma_semaphore, #tpu.memory_space<semaphore_mem>>)
        %dma_start3A_1076 = arith.constant 48 : i32
        %dma_start3A_1077 = arith.constant 0 : i32
        %dma_start3A_1078 = tpu.memref_slice %arg12[%dma_start3A_1076, %dma_start3A_1077] : memref<64x64xf32, #tpu.memory_space<vmem>> -> memref<8x64xf32, #tpu.memory_space<vmem>>
        %dma_start3A_1079 = arith.constant 0 : i32
        %dma_start3A_1080 = tpu.memref_slice %arg4[%multiple_of3A_1065, %dma_start3A_1079] : memref<100000x64xf32, #tpu.memory_space<hbm>> -> memref<8x64xf32, #tpu.memory_space<hbm>>
        %dma_start3A_1081 = arith.constant 48 : i32
        %dma_start3A_1082 = arith.constant 0 : i32
        %dma_start3A_1083 = tpu.memref_slice %arg12[%dma_start3A_1081, %dma_start3A_1082] : memref<64x64xf32, #tpu.memory_space<vmem>> -> memref<8x64xf32, #tpu.memory_space<vmem>>
        %dma_start3A_1084 = arith.constant 0 : i32
        %dma_start3A_1085 = tpu.memref_slice %arg4[%multiple_of3A_1065, %dma_start3A_1084] : memref<100000x64xf32, #tpu.memory_space<hbm>> -> memref<8x64xf32, #tpu.memory_space<hbm>>
        tpu.enqueue_dma source(%dma_start3A_1085 : memref<8x64xf32, #tpu.memory_space<hbm>>) target(%dma_start3A_1083 : memref<8x64xf32, #tpu.memory_space<vmem>>) target_semaphore(%arg18 : memref<!tpu.dma_semaphore, #tpu.memory_space<semaphore_mem>>)
        %slice3A_1086 = vector.extract_strided_slice %get3A_595 {offsets = [7], sizes = [1], strides = [1]} : vector<16xi32> to vector<1xi32>
        %squeeze3A_1087 = vector.extract %slice3A_1086[0] : i32 from vector<1xi32>
        %jit3A_1088 = arith.constant 8 : i32
        %eq3A_1089 = arith.constant 0 : i32
        %eq3A_1090 = arith.cmpi eq, %jit3A_1088, %eq3A_1089 : i32
        %jit3A_1091 = arith.constant 1 : i32
        %select_n3A_1092 = arith.select %eq3A_1090, %jit3A_1091, %jit3A_1088 : i32
        %rem3A_1093 = arith.remsi %squeeze3A_1087, %select_n3A_1092 : i32
        %ne3A_1094 = arith.constant 0 : i32
        %ne3A_1095 = arith.cmpi ne, %rem3A_1093, %ne3A_1094 : i32
        %lt3A_1096 = arith.constant 0 : i32
        %lt3A_1097 = arith.cmpi slt, %rem3A_1093, %lt3A_1096 : i32
        %lt3A_1098 = arith.constant 0 : i32
        %lt3A_1099 = arith.cmpi slt, %select_n3A_1092, %lt3A_1098 : i32
        %ne3A_1100 = arith.xori %lt3A_1097, %lt3A_1099 : i1
        %and3A_1101 = arith.andi %ne3A_1100, %ne3A_1095 : i1
        %add3A_1102 = arith.addi %rem3A_1093, %select_n3A_1092 : i32
        %select_n3A_1103 = arith.select %and3A_1101, %add3A_1102, %rem3A_1093 : i32
        %swap3A_1104 = arith.constant 1 : i32
        %swap3A_1105 = arith.constant 7 : i32
        %swap3A_1106 = arith.index_cast %swap3A_1104 : i32 to index
        %swap3A_1107 = arith.index_cast %swap3A_1105 : i32 to index
        %swap3A_1108 = memref.load %arg14[%swap3A_1106, %swap3A_1107] : memref<2x8xi32, #tpu.memory_space<smem>>
        memref.store %select_n3A_1103, %arg14[%swap3A_1106, %swap3A_1107] : memref<2x8xi32, #tpu.memory_space<smem>>
        %jit3A_1109 = arith.constant 8 : i32
        %div3A_1110 = arith.divsi %squeeze3A_1087, %jit3A_1109 : i32
        %sign3A_1111 = arith.constant 0 : i32
        %sign3A_1112 = arith.cmpi sgt, %squeeze3A_1087, %sign3A_1111 : i32
        %sign3A_1113 = arith.extui %sign3A_1112 : i1 to i32
        %sign3A_1114 = arith.constant 0 : i32
        %sign3A_1115 = arith.cmpi slt, %squeeze3A_1087, %sign3A_1114 : i32
        %sign3A_1116 = arith.extui %sign3A_1115 : i1 to i32
        %sign3A_1117 = arith.subi %sign3A_1113, %sign3A_1116 : i32
        %sign3A_1118 = arith.constant 0 : i32
        %sign3A_1119 = arith.cmpi sgt, %jit3A_1109, %sign3A_1118 : i32
        %sign3A_1120 = arith.extui %sign3A_1119 : i1 to i32
        %sign3A_1121 = arith.constant 0 : i32
        %sign3A_1122 = arith.cmpi slt, %jit3A_1109, %sign3A_1121 : i32
        %sign3A_1123 = arith.extui %sign3A_1122 : i1 to i32
        %sign3A_1124 = arith.subi %sign3A_1120, %sign3A_1123 : i32
        %ne3A_1125 = arith.cmpi ne, %sign3A_1117, %sign3A_1124 : i32
        %rem3A_1126 = arith.remsi %squeeze3A_1087, %jit3A_1109 : i32
        %ne3A_1127 = arith.constant 0 : i32
        %ne3A_1128 = arith.cmpi ne, %rem3A_1126, %ne3A_1127 : i32
        %and3A_1129 = arith.andi %ne3A_1125, %ne3A_1128 : i1
        %sub3A_1130 = arith.constant 1 : i32
        %sub3A_1131 = arith.subi %div3A_1110, %sub3A_1130 : i32
        %select_n3A_1132 = arith.select %and3A_1129, %sub3A_1131, %div3A_1110 : i32
        %mul3A_1133 = arith.constant 8 : i32
        %mul3A_1134 = arith.muli %select_n3A_1132, %mul3A_1133 : i32
        %multiple_of3A_1135 = tpu.assume_multiple %mul3A_1134, 8 : i32
        %dma_start3A_1136 = arith.constant 56 : i32
        %dma_start3A_1137 = arith.constant 0 : i32
        %dma_start3A_1138 = tpu.memref_slice %arg10[%dma_start3A_1136, %dma_start3A_1137] : memref<64x300xf32, #tpu.memory_space<vmem>> -> memref<8x300xf32, #tpu.memory_space<vmem>>
        %dma_start3A_1139 = arith.constant 0 : i32
        %dma_start3A_1140 = tpu.memref_slice %arg3[%multiple_of3A_1135, %dma_start3A_1139] : memref<100000x300xf32, #tpu.memory_space<hbm>> -> memref<8x300xf32, #tpu.memory_space<hbm>>
        %dma_start3A_1141 = arith.constant 56 : i32
        %dma_start3A_1142 = arith.constant 0 : i32
        %dma_start3A_1143 = tpu.memref_slice %arg10[%dma_start3A_1141, %dma_start3A_1142] : memref<64x300xf32, #tpu.memory_space<vmem>> -> memref<8x300xf32, #tpu.memory_space<vmem>>
        %dma_start3A_1144 = arith.constant 0 : i32
        %dma_start3A_1145 = tpu.memref_slice %arg3[%multiple_of3A_1135, %dma_start3A_1144] : memref<100000x300xf32, #tpu.memory_space<hbm>> -> memref<8x300xf32, #tpu.memory_space<hbm>>
        tpu.enqueue_dma source(%dma_start3A_1145 : memref<8x300xf32, #tpu.memory_space<hbm>>) target(%dma_start3A_1143 : memref<8x300xf32, #tpu.memory_space<vmem>>) target_semaphore(%arg16 : memref<!tpu.dma_semaphore, #tpu.memory_space<semaphore_mem>>)
        %dma_start3A_1146 = arith.constant 56 : i32
        %dma_start3A_1147 = arith.constant 0 : i32
        %dma_start3A_1148 = tpu.memref_slice %arg12[%dma_start3A_1146, %dma_start3A_1147] : memref<64x64xf32, #tpu.memory_space<vmem>> -> memref<8x64xf32, #tpu.memory_space<vmem>>
        %dma_start3A_1149 = arith.constant 0 : i32
        %dma_start3A_1150 = tpu.memref_slice %arg4[%multiple_of3A_1135, %dma_start3A_1149] : memref<100000x64xf32, #tpu.memory_space<hbm>> -> memref<8x64xf32, #tpu.memory_space<hbm>>
        %dma_start3A_1151 = arith.constant 56 : i32
        %dma_start3A_1152 = arith.constant 0 : i32
        %dma_start3A_1153 = tpu.memref_slice %arg12[%dma_start3A_1151, %dma_start3A_1152] : memref<64x64xf32, #tpu.memory_space<vmem>> -> memref<8x64xf32, #tpu.memory_space<vmem>>
        %dma_start3A_1154 = arith.constant 0 : i32
        %dma_start3A_1155 = tpu.memref_slice %arg4[%multiple_of3A_1135, %dma_start3A_1154] : memref<100000x64xf32, #tpu.memory_space<hbm>> -> memref<8x64xf32, #tpu.memory_space<hbm>>
        tpu.enqueue_dma source(%dma_start3A_1155 : memref<8x64xf32, #tpu.memory_space<hbm>>) target(%dma_start3A_1153 : memref<8x64xf32, #tpu.memory_space<vmem>>) target_semaphore(%arg18 : memref<!tpu.dma_semaphore, #tpu.memory_space<semaphore_mem>>)
        %scan3A_1156 = arith.constant 0 : i32
        %scan3A_1157 = arith.constant 8 : i32
        %scan3A_1158 = arith.addi %scan3A_1156, %scan3A_1157 : i32
        %scan3A_1159 = arith.constant 1 : i32
        scf.for %scan3A_1185 = %scan3A_1156 to %scan3A_1158 step %scan3A_1159  : i32 {
          %mul3A_1186 = arith.constant 1 : i32
          %mul3A_1187 = arith.muli %scan3A_1185, %mul3A_1186 : i32
          %add3A_1188 = arith.constant 0 : i32
          %add3A_1189 = arith.addi %add3A_1188, %mul3A_1187 : i32
          %mul3A_1190 = arith.constant 8 : i32
          %mul3A_1191 = arith.muli %add3A_1189, %mul3A_1190 : i32
          %get3A_1192 = arith.constant 0 : i32
          %get3A_1193 = arith.index_cast %get3A_1192 : i32 to index
          %get3A_1194 = arith.index_cast %add3A_1189 : i32 to index
          %get3A_1195 = memref.load %arg14[%get3A_1193, %get3A_1194] : memref<2x8xi32, #tpu.memory_space<smem>>
          %add3A_1196 = arith.addi %mul3A_1191, %get3A_1195 : i32
          %jit3A_1197 = arith.constant 8 : i32
          %eq3A_1198 = arith.constant 0 : i32
          %eq3A_1199 = arith.cmpi eq, %jit3A_1197, %eq3A_1198 : i32
          %jit3A_1200 = arith.constant 1 : i32
          %select_n3A_1201 = arith.select %eq3A_1199, %jit3A_1200, %jit3A_1197 : i32
          %rem3A_1202 = arith.remsi %add3A_578, %select_n3A_1201 : i32
          %ne3A_1203 = arith.constant 0 : i32
          %ne3A_1204 = arith.cmpi ne, %rem3A_1202, %ne3A_1203 : i32
          %lt3A_1205 = arith.constant 0 : i32
          %lt3A_1206 = arith.cmpi slt, %rem3A_1202, %lt3A_1205 : i32
          %lt3A_1207 = arith.constant 0 : i32
          %lt3A_1208 = arith.cmpi slt, %select_n3A_1201, %lt3A_1207 : i32
          %ne3A_1209 = arith.xori %lt3A_1206, %lt3A_1208 : i1
          %and3A_1210 = arith.andi %ne3A_1209, %ne3A_1204 : i1
          %add3A_1211 = arith.addi %rem3A_1202, %select_n3A_1201 : i32
          %select_n3A_1212 = arith.select %and3A_1210, %add3A_1211, %rem3A_1202 : i32
          %mul3A_1213 = arith.constant 8 : i32
          %mul3A_1214 = arith.muli %select_n3A_1212, %mul3A_1213 : i32
          %add3A_1215 = arith.addi %mul3A_1214, %add3A_1189 : i32
          %get3A_1216 = arith.index_cast %add3A_1196 : i32 to index
          %get3A_1217 = arith.constant 0 : index
          %get3A_1218 = tpu.vector_load %arg9[%get3A_1216, %get3A_1217] {strides = array<i32>} : memref<64x300xf32, #tpu.memory_space<vmem>>, vector<16xf32>,
          %swap3A_1219 = arith.index_cast %add3A_1215 : i32 to index
          %swap3A_1220 = arith.constant 0 : index
          %swap3A_1221 = tpu.vector_load %arg13[%swap3A_1219, %swap3A_1220] {strides = array<i32>} : memref<64x396xf32, #tpu.memory_space<vmem>>, vector<16xf32>,
          tpu.vector_store %arg13[%swap3A_1219, %swap3A_1220], %get3A_1218 {strides = array<i32>} : memref<64x396xf32, #tpu.memory_space<vmem>>, vector<16xf32>,
          %get3A_1222 = arith.index_cast %add3A_1196 : i32 to index
          %get3A_1223 = arith.constant 16 : index
          %get3A_1224 = tpu.vector_load %arg9[%get3A_1222, %get3A_1223] {strides = array<i32>} : memref<64x300xf32, #tpu.memory_space<vmem>>, vector<16xf32>,
          %swap3A_1225 = arith.index_cast %add3A_1215 : i32 to index
          %swap3A_1226 = arith.constant 16 : index
          %swap3A_1227 = tpu.vector_load %arg13[%swap3A_1225, %swap3A_1226] {strides = array<i32>} : memref<64x396xf32, #tpu.memory_space<vmem>>, vector<16xf32>,
          tpu.vector_store %arg13[%swap3A_1225, %swap3A_1226], %get3A_1224 {strides = array<i32>} : memref<64x396xf32, #tpu.memory_space<vmem>>, vector<16xf32>,
          %get3A_1228 = arith.index_cast %add3A_1196 : i32 to index
          %get3A_1229 = arith.constant 32 : index
          %get3A_1230 = tpu.vector_load %arg9[%get3A_1228, %get3A_1229] {strides = array<i32>} : memref<64x300xf32, #tpu.memory_space<vmem>>, vector<16xf32>,
          %swap3A_1231 = arith.index_cast %add3A_1215 : i32 to index
          %swap3A_1232 = arith.constant 32 : index
          %swap3A_1233 = tpu.vector_load %arg13[%swap3A_1231, %swap3A_1232] {strides = array<i32>} : memref<64x396xf32, #tpu.memory_space<vmem>>, vector<16xf32>,
          tpu.vector_store %arg13[%swap3A_1231, %swap3A_1232], %get3A_1230 {strides = array<i32>} : memref<64x396xf32, #tpu.memory_space<vmem>>, vector<16xf32>,
          %get3A_1234 = arith.index_cast %add3A_1196 : i32 to index
          %get3A_1235 = arith.constant 48 : index
          %get3A_1236 = tpu.vector_load %arg9[%get3A_1234, %get3A_1235] {strides = array<i32>} : memref<64x300xf32, #tpu.memory_space<vmem>>, vector<16xf32>,
          %swap3A_1237 = arith.index_cast %add3A_1215 : i32 to index
          %swap3A_1238 = arith.constant 48 : index
          %swap3A_1239 = tpu.vector_load %arg13[%swap3A_1237, %swap3A_1238] {strides = array<i32>} : memref<64x396xf32, #tpu.memory_space<vmem>>, vector<16xf32>,
          tpu.vector_store %arg13[%swap3A_1237, %swap3A_1238], %get3A_1236 {strides = array<i32>} : memref<64x396xf32, #tpu.memory_space<vmem>>, vector<16xf32>,
          %get3A_1240 = arith.index_cast %add3A_1196 : i32 to index
          %get3A_1241 = arith.constant 64 : index
          %get3A_1242 = tpu.vector_load %arg9[%get3A_1240, %get3A_1241] {strides = array<i32>} : memref<64x300xf32, #tpu.memory_space<vmem>>, vector<16xf32>,
          %swap3A_1243 = arith.index_cast %add3A_1215 : i32 to index
          %swap3A_1244 = arith.constant 64 : index
          %swap3A_1245 = tpu.vector_load %arg13[%swap3A_1243, %swap3A_1244] {strides = array<i32>} : memref<64x396xf32, #tpu.memory_space<vmem>>, vector<16xf32>,
          tpu.vector_store %arg13[%swap3A_1243, %swap3A_1244], %get3A_1242 {strides = array<i32>} : memref<64x396xf32, #tpu.memory_space<vmem>>, vector<16xf32>,
          %get3A_1246 = arith.index_cast %add3A_1196 : i32 to index
          %get3A_1247 = arith.constant 80 : index
          %get3A_1248 = tpu.vector_load %arg9[%get3A_1246, %get3A_1247] {strides = array<i32>} : memref<64x300xf32, #tpu.memory_space<vmem>>, vector<16xf32>,
          %swap3A_1249 = arith.index_cast %add3A_1215 : i32 to index
          %swap3A_1250 = arith.constant 80 : index
          %swap3A_1251 = tpu.vector_load %arg13[%swap3A_1249, %swap3A_1250] {strides = array<i32>} : memref<64x396xf32, #tpu.memory_space<vmem>>, vector<16xf32>,
          tpu.vector_store %arg13[%swap3A_1249, %swap3A_1250], %get3A_1248 {strides = array<i32>} : memref<64x396xf32, #tpu.memory_space<vmem>>, vector<16xf32>,
          %get3A_1252 = arith.index_cast %add3A_1196 : i32 to index
          %get3A_1253 = arith.constant 96 : index
          %get3A_1254 = tpu.vector_load %arg9[%get3A_1252, %get3A_1253] {strides = array<i32>} : memref<64x300xf32, #tpu.memory_space<vmem>>, vector<16xf32>,
          %swap3A_1255 = arith.index_cast %add3A_1215 : i32 to index
          %swap3A_1256 = arith.constant 96 : index
          %swap3A_1257 = tpu.vector_load %arg13[%swap3A_1255, %swap3A_1256] {strides = array<i32>} : memref<64x396xf32, #tpu.memory_space<vmem>>, vector<16xf32>,
          tpu.vector_store %arg13[%swap3A_1255, %swap3A_1256], %get3A_1254 {strides = array<i32>} : memref<64x396xf32, #tpu.memory_space<vmem>>, vector<16xf32>,
          %get3A_1258 = arith.index_cast %add3A_1196 : i32 to index
          %get3A_1259 = arith.constant 112 : index
          %get3A_1260 = tpu.vector_load %arg9[%get3A_1258, %get3A_1259] {strides = array<i32>} : memref<64x300xf32, #tpu.memory_space<vmem>>, vector<16xf32>,
          %swap3A_1261 = arith.index_cast %add3A_1215 : i32 to index
          %swap3A_1262 = arith.constant 112 : index
          %swap3A_1263 = tpu.vector_load %arg13[%swap3A_1261, %swap3A_1262] {strides = array<i32>} : memref<64x396xf32, #tpu.memory_space<vmem>>, vector<16xf32>,
          tpu.vector_store %arg13[%swap3A_1261, %swap3A_1262], %get3A_1260 {strides = array<i32>} : memref<64x396xf32, #tpu.memory_space<vmem>>, vector<16xf32>,
          %get3A_1264 = arith.index_cast %add3A_1196 : i32 to index
          %get3A_1265 = arith.constant 128 : index
          %get3A_1266 = tpu.vector_load %arg9[%get3A_1264, %get3A_1265] {strides = array<i32>} : memref<64x300xf32, #tpu.memory_space<vmem>>, vector<16xf32>,
          %swap3A_1267 = arith.index_cast %add3A_1215 : i32 to index
          %swap3A_1268 = arith.constant 128 : index
          %swap3A_1269 = tpu.vector_load %arg13[%swap3A_1267, %swap3A_1268] {strides = array<i32>} : memref<64x396xf32, #tpu.memory_space<vmem>>, vector<16xf32>,
          tpu.vector_store %arg13[%swap3A_1267, %swap3A_1268], %get3A_1266 {strides = array<i32>} : memref<64x396xf32, #tpu.memory_space<vmem>>, vector<16xf32>,
          %get3A_1270 = arith.index_cast %add3A_1196 : i32 to index
          %get3A_1271 = arith.constant 144 : index
          %get3A_1272 = tpu.vector_load %arg9[%get3A_1270, %get3A_1271] {strides = array<i32>} : memref<64x300xf32, #tpu.memory_space<vmem>>, vector<16xf32>,
          %swap3A_1273 = arith.index_cast %add3A_1215 : i32 to index
          %swap3A_1274 = arith.constant 144 : index
          %swap3A_1275 = tpu.vector_load %arg13[%swap3A_1273, %swap3A_1274] {strides = array<i32>} : memref<64x396xf32, #tpu.memory_space<vmem>>, vector<16xf32>,
          tpu.vector_store %arg13[%swap3A_1273, %swap3A_1274], %get3A_1272 {strides = array<i32>} : memref<64x396xf32, #tpu.memory_space<vmem>>, vector<16xf32>,
          %get3A_1276 = arith.index_cast %add3A_1196 : i32 to index
          %get3A_1277 = arith.constant 160 : index
          %get3A_1278 = tpu.vector_load %arg9[%get3A_1276, %get3A_1277] {strides = array<i32>} : memref<64x300xf32, #tpu.memory_space<vmem>>, vector<16xf32>,
          %swap3A_1279 = arith.index_cast %add3A_1215 : i32 to index
          %swap3A_1280 = arith.constant 160 : index
          %swap3A_1281 = tpu.vector_load %arg13[%swap3A_1279, %swap3A_1280] {strides = array<i32>} : memref<64x396xf32, #tpu.memory_space<vmem>>, vector<16xf32>,
          tpu.vector_store %arg13[%swap3A_1279, %swap3A_1280], %get3A_1278 {strides = array<i32>} : memref<64x396xf32, #tpu.memory_space<vmem>>, vector<16xf32>,
          %get3A_1282 = arith.index_cast %add3A_1196 : i32 to index
          %get3A_1283 = arith.constant 176 : index
          %get3A_1284 = tpu.vector_load %arg9[%get3A_1282, %get3A_1283] {strides = array<i32>} : memref<64x300xf32, #tpu.memory_space<vmem>>, vector<16xf32>,
          %swap3A_1285 = arith.index_cast %add3A_1215 : i32 to index
          %swap3A_1286 = arith.constant 176 : index
          %swap3A_1287 = tpu.vector_load %arg13[%swap3A_1285, %swap3A_1286] {strides = array<i32>} : memref<64x396xf32, #tpu.memory_space<vmem>>, vector<16xf32>,
          tpu.vector_store %arg13[%swap3A_1285, %swap3A_1286], %get3A_1284 {strides = array<i32>} : memref<64x396xf32, #tpu.memory_space<vmem>>, vector<16xf32>,
          %get3A_1288 = arith.index_cast %add3A_1196 : i32 to index
          %get3A_1289 = arith.constant 192 : index
          %get3A_1290 = tpu.vector_load %arg9[%get3A_1288, %get3A_1289] {strides = array<i32>} : memref<64x300xf32, #tpu.memory_space<vmem>>, vector<16xf32>,
          %swap3A_1291 = arith.index_cast %add3A_1215 : i32 to index
          %swap3A_1292 = arith.constant 192 : index
          %swap3A_1293 = tpu.vector_load %arg13[%swap3A_1291, %swap3A_1292] {strides = array<i32>} : memref<64x396xf32, #tpu.memory_space<vmem>>, vector<16xf32>,
          tpu.vector_store %arg13[%swap3A_1291, %swap3A_1292], %get3A_1290 {strides = array<i32>} : memref<64x396xf32, #tpu.memory_space<vmem>>, vector<16xf32>,
          %get3A_1294 = arith.index_cast %add3A_1196 : i32 to index
          %get3A_1295 = arith.constant 208 : index
          %get3A_1296 = tpu.vector_load %arg9[%get3A_1294, %get3A_1295] {strides = array<i32>} : memref<64x300xf32, #tpu.memory_space<vmem>>, vector<16xf32>,
          %swap3A_1297 = arith.index_cast %add3A_1215 : i32 to index
          %swap3A_1298 = arith.constant 208 : index
          %swap3A_1299 = tpu.vector_load %arg13[%swap3A_1297, %swap3A_1298] {strides = array<i32>} : memref<64x396xf32, #tpu.memory_space<vmem>>, vector<16xf32>,
          tpu.vector_store %arg13[%swap3A_1297, %swap3A_1298], %get3A_1296 {strides = array<i32>} : memref<64x396xf32, #tpu.memory_space<vmem>>, vector<16xf32>,
          %get3A_1300 = arith.index_cast %add3A_1196 : i32 to index
          %get3A_1301 = arith.constant 224 : index
          %get3A_1302 = tpu.vector_load %arg9[%get3A_1300, %get3A_1301] {strides = array<i32>} : memref<64x300xf32, #tpu.memory_space<vmem>>, vector<16xf32>,
          %swap3A_1303 = arith.index_cast %add3A_1215 : i32 to index
          %swap3A_1304 = arith.constant 224 : index
          %swap3A_1305 = tpu.vector_load %arg13[%swap3A_1303, %swap3A_1304] {strides = array<i32>} : memref<64x396xf32, #tpu.memory_space<vmem>>, vector<16xf32>,
          tpu.vector_store %arg13[%swap3A_1303, %swap3A_1304], %get3A_1302 {strides = array<i32>} : memref<64x396xf32, #tpu.memory_space<vmem>>, vector<16xf32>,
          %get3A_1306 = arith.index_cast %add3A_1196 : i32 to index
          %get3A_1307 = arith.constant 240 : index
          %get3A_1308 = tpu.vector_load %arg9[%get3A_1306, %get3A_1307] {strides = array<i32>} : memref<64x300xf32, #tpu.memory_space<vmem>>, vector<16xf32>,
          %swap3A_1309 = arith.index_cast %add3A_1215 : i32 to index
          %swap3A_1310 = arith.constant 240 : index
          %swap3A_1311 = tpu.vector_load %arg13[%swap3A_1309, %swap3A_1310] {strides = array<i32>} : memref<64x396xf32, #tpu.memory_space<vmem>>, vector<16xf32>,
          tpu.vector_store %arg13[%swap3A_1309, %swap3A_1310], %get3A_1308 {strides = array<i32>} : memref<64x396xf32, #tpu.memory_space<vmem>>, vector<16xf32>,
          %get3A_1312 = arith.index_cast %add3A_1196 : i32 to index
          %get3A_1313 = arith.constant 256 : index
          %get3A_1314 = tpu.vector_load %arg9[%get3A_1312, %get3A_1313] {strides = array<i32>} : memref<64x300xf32, #tpu.memory_space<vmem>>, vector<16xf32>,
          %swap3A_1315 = arith.index_cast %add3A_1215 : i32 to index
          %swap3A_1316 = arith.constant 256 : index
          %swap3A_1317 = tpu.vector_load %arg13[%swap3A_1315, %swap3A_1316] {strides = array<i32>} : memref<64x396xf32, #tpu.memory_space<vmem>>, vector<16xf32>,
          tpu.vector_store %arg13[%swap3A_1315, %swap3A_1316], %get3A_1314 {strides = array<i32>} : memref<64x396xf32, #tpu.memory_space<vmem>>, vector<16xf32>,
          %get3A_1318 = arith.index_cast %add3A_1196 : i32 to index
          %get3A_1319 = arith.constant 272 : index
          %get3A_1320 = tpu.vector_load %arg9[%get3A_1318, %get3A_1319] {strides = array<i32>} : memref<64x300xf32, #tpu.memory_space<vmem>>, vector<16xf32>,
          %swap3A_1321 = arith.index_cast %add3A_1215 : i32 to index
          %swap3A_1322 = arith.constant 272 : index
          %swap3A_1323 = tpu.vector_load %arg13[%swap3A_1321, %swap3A_1322] {strides = array<i32>} : memref<64x396xf32, #tpu.memory_space<vmem>>, vector<16xf32>,
          tpu.vector_store %arg13[%swap3A_1321, %swap3A_1322], %get3A_1320 {strides = array<i32>} : memref<64x396xf32, #tpu.memory_space<vmem>>, vector<16xf32>,
          %broadcast_in_dim3A = vector.broadcast %add3A_1215 : i32 to vector<16xi32>
          %broadcast_in_dim3A_1324 = vector.broadcast %add3A_1196 : i32 to vector<16xi32>
          %add3A_1325 = arith.constant 284 : i32
          %add3A_1326 = vector.broadcast %add3A_1325 : i32 to vector<16xi32>
          %add3A_1327 = arith.addi %add3A_1326, %iota3A : vector<16xi32>
          %gather3A = tpu.vector_load_idx %arg9[%broadcast_in_dim3A_1324, %add3A_1327] : memref<64x300xf32, #tpu.memory_space<vmem>>[vector<16xi32>, vector<16xi32>], vector<16xf32>,
          %add3A_1328 = arith.constant 284 : i32
          %add3A_1329 = vector.broadcast %add3A_1328 : i32 to vector<16xi32>
          %add3A_1330 = arith.addi %add3A_1329, %iota3A : vector<16xi32>
          tpu.vector_store_idx %arg13[%broadcast_in_dim3A, %add3A_1330], %gather3A masked %ge3A_4 : memref<64x396xf32, #tpu.memory_space<vmem>>[vector<16xi32>, vector<16xi32>], vector<16xf32>, vector<16xi1>
          %get3A_1331 = arith.index_cast %add3A_1196 : i32 to index
          %get3A_1332 = arith.constant 0 : index
          %get3A_1333 = tpu.vector_load %arg11[%get3A_1331, %get3A_1332] {strides = array<i32>} : memref<64x64xf32, #tpu.memory_space<vmem>>, vector<16xf32>,
          %add3A_1334 = arith.constant 300 : i32
          %add3A_1335 = vector.broadcast %add3A_1334 : i32 to vector<16xi32>
          %add3A_1336 = arith.addi %add3A_1335, %iota3A : vector<16xi32>
          tpu.vector_store_idx %arg13[%broadcast_in_dim3A, %add3A_1336], %get3A_1333 : memref<64x396xf32, #tpu.memory_space<vmem>>[vector<16xi32>, vector<16xi32>], vector<16xf32>,
          %get3A_1337 = arith.index_cast %add3A_1196 : i32 to index
          %get3A_1338 = arith.constant 16 : index
          %get3A_1339 = tpu.vector_load %arg11[%get3A_1337, %get3A_1338] {strides = array<i32>} : memref<64x64xf32, #tpu.memory_space<vmem>>, vector<16xf32>,
          %add3A_1340 = arith.constant 316 : i32
          %add3A_1341 = vector.broadcast %add3A_1340 : i32 to vector<16xi32>
          %add3A_1342 = arith.addi %add3A_1341, %iota3A : vector<16xi32>
          tpu.vector_store_idx %arg13[%broadcast_in_dim3A, %add3A_1342], %get3A_1339 : memref<64x396xf32, #tpu.memory_space<vmem>>[vector<16xi32>, vector<16xi32>], vector<16xf32>,
          %get3A_1343 = arith.index_cast %add3A_1196 : i32 to index
          %get3A_1344 = arith.constant 32 : index
          %get3A_1345 = tpu.vector_load %arg11[%get3A_1343, %get3A_1344] {strides = array<i32>} : memref<64x64xf32, #tpu.memory_space<vmem>>, vector<16xf32>,
          %add3A_1346 = arith.constant 332 : i32
          %add3A_1347 = vector.broadcast %add3A_1346 : i32 to vector<16xi32>
          %add3A_1348 = arith.addi %add3A_1347, %iota3A : vector<16xi32>
          tpu.vector_store_idx %arg13[%broadcast_in_dim3A, %add3A_1348], %get3A_1345 : memref<64x396xf32, #tpu.memory_space<vmem>>[vector<16xi32>, vector<16xi32>], vector<16xf32>,
          %get3A_1349 = arith.index_cast %add3A_1196 : i32 to index
          %get3A_1350 = arith.constant 48 : index
          %get3A_1351 = tpu.vector_load %arg11[%get3A_1349, %get3A_1350] {strides = array<i32>} : memref<64x64xf32, #tpu.memory_space<vmem>>, vector<16xf32>,
          %add3A_1352 = arith.constant 348 : i32
          %add3A_1353 = vector.broadcast %add3A_1352 : i32 to vector<16xi32>
          %add3A_1354 = arith.addi %add3A_1353, %iota3A : vector<16xi32>
          tpu.vector_store_idx %arg13[%broadcast_in_dim3A, %add3A_1354], %get3A_1351 : memref<64x396xf32, #tpu.memory_space<vmem>>[vector<16xi32>, vector<16xi32>], vector<16xf32>,
          %jit3A_1355 = arith.constant 8 : i32
          %eq3A_1356 = arith.constant 0 : i32
          %eq3A_1357 = arith.cmpi eq, %jit3A_1355, %eq3A_1356 : i32
          %jit3A_1358 = arith.constant 1 : i32
          %select_n3A_1359 = arith.select %eq3A_1357, %jit3A_1358, %jit3A_1355 : i32
          %rem3A_1360 = arith.remsi %add3A_578, %select_n3A_1359 : i32
          %ne3A_1361 = arith.constant 0 : i32
          %ne3A_1362 = arith.cmpi ne, %rem3A_1360, %ne3A_1361 : i32
          %lt3A_1363 = arith.constant 0 : i32
          %lt3A_1364 = arith.cmpi slt, %rem3A_1360, %lt3A_1363 : i32
          %lt3A_1365 = arith.constant 0 : i32
          %lt3A_1366 = arith.cmpi slt, %select_n3A_1359, %lt3A_1365 : i32
          %ne3A_1367 = arith.xori %lt3A_1364, %lt3A_1366 : i1
          %and3A_1368 = arith.andi %ne3A_1367, %ne3A_1362 : i1
          %add3A_1369 = arith.addi %rem3A_1360, %select_n3A_1359 : i32
          %select_n3A_1370 = arith.select %and3A_1368, %add3A_1369, %rem3A_1360 : i32
          %mul3A_1371 = arith.constant 8 : i32
          %mul3A_1372 = arith.muli %select_n3A_1370, %mul3A_1371 : i32
          %add3A_1373 = arith.addi %add3A_562, %mul3A_1372 : i32
          %add3A_1374 = arith.addi %add3A_1373, %add3A_1189 : i32
          %min3A = arith.constant 100 : i32
          %min3A_1375 = arith.minsi %add3A_1374, %min3A : i32
          %broadcast_in_dim3A_1376 = vector.broadcast %min3A_1375 : i32 to vector<16xi32>
          %add3A_1377 = arith.constant 0 : i32
          %add3A_1378 = vector.broadcast %add3A_1377 : i32 to vector<16xi32>
          %add3A_1379 = arith.addi %add3A_1378, %iota3A : vector<16xi32>
          %gather3A_1380 = tpu.vector_load_idx %arg8[%broadcast_in_dim3A_1376, %add3A_1379] : memref<101x32xf32, #tpu.memory_space<vmem>>[vector<16xi32>, vector<16xi32>], vector<16xf32>,
          %add3A_1381 = arith.constant 364 : i32
          %add3A_1382 = vector.broadcast %add3A_1381 : i32 to vector<16xi32>
          %add3A_1383 = arith.addi %add3A_1382, %iota3A : vector<16xi32>
          tpu.vector_store_idx %arg13[%broadcast_in_dim3A, %add3A_1383], %gather3A_1380 : memref<64x396xf32, #tpu.memory_space<vmem>>[vector<16xi32>, vector<16xi32>], vector<16xf32>,
          %add3A_1384 = arith.constant 16 : i32
          %add3A_1385 = vector.broadcast %add3A_1384 : i32 to vector<16xi32>
          %add3A_1386 = arith.addi %add3A_1385, %iota3A : vector<16xi32>
          %gather3A_1387 = tpu.vector_load_idx %arg8[%broadcast_in_dim3A_1376, %add3A_1386] : memref<101x32xf32, #tpu.memory_space<vmem>>[vector<16xi32>, vector<16xi32>], vector<16xf32>,
          %add3A_1388 = arith.constant 380 : i32
          %add3A_1389 = vector.broadcast %add3A_1388 : i32 to vector<16xi32>
          %add3A_1390 = arith.addi %add3A_1389, %iota3A : vector<16xi32>
          tpu.vector_store_idx %arg13[%broadcast_in_dim3A, %add3A_1390], %gather3A_1387 : memref<64x396xf32, #tpu.memory_space<vmem>>[vector<16xi32>, vector<16xi32>], vector<16xf32>,
        }
        %scan3A_1160 = arith.constant 8 : i32
        %dma_wait3A_1161 = arith.constant 0 : i32
        %dma_wait3A_1162 = arith.constant 0 : i32
        %dma_wait3A_1163 = tpu.memref_slice %arg3[%dma_wait3A_1161, %dma_wait3A_1162] : memref<100000x300xf32, #tpu.memory_space<hbm>> -> memref<64x300xf32, #tpu.memory_space<hbm>>
        %dma_wait3A_1164 = arith.constant 0 : i32
        %dma_wait3A_1165 = arith.constant 0 : i32
        %dma_wait3A_1166 = tpu.memref_slice %arg3[%dma_wait3A_1164, %dma_wait3A_1165] : memref<100000x300xf32, #tpu.memory_space<hbm>> -> memref<64x300xf32, #tpu.memory_space<hbm>>
        tpu.wait_dma2 semaphore(%arg16 : memref<!tpu.dma_semaphore, #tpu.memory_space<semaphore_mem>>) src(%dma_wait3A_1166 : memref<64x300xf32, #tpu.memory_space<hbm>>) dst(%arg10 : memref<64x300xf32, #tpu.memory_space<vmem>>)
        %dma_wait3A_1167 = arith.constant 0 : i32
        %dma_wait3A_1168 = arith.constant 0 : i32
        %dma_wait3A_1169 = tpu.memref_slice %arg4[%dma_wait3A_1167, %dma_wait3A_1168] : memref<100000x64xf32, #tpu.memory_space<hbm>> -> memref<64x64xf32, #tpu.memory_space<hbm>>
        %dma_wait3A_1170 = arith.constant 0 : i32
        %dma_wait3A_1171 = arith.constant 0 : i32
        %dma_wait3A_1172 = tpu.memref_slice %arg4[%dma_wait3A_1170, %dma_wait3A_1171] : memref<100000x64xf32, #tpu.memory_space<hbm>> -> memref<64x64xf32, #tpu.memory_space<hbm>>
        tpu.wait_dma2 semaphore(%arg18 : memref<!tpu.dma_semaphore, #tpu.memory_space<semaphore_mem>>) src(%dma_wait3A_1172 : memref<64x64xf32, #tpu.memory_space<hbm>>) dst(%arg12 : memref<64x64xf32, #tpu.memory_space<vmem>>)
        %add3A_1173 = arith.constant 2 : i32
        %add3A_1174 = arith.addi %add3A_578, %add3A_1173 : i32
        %lt3A_1175 = arith.constant 64 : i32
        %lt3A_1176 = arith.cmpi slt, %add3A_1174, %lt3A_1175 : i32
        %convert_element_type3A = arith.extui %lt3A_1176 : i1 to i32
        %cond3A = arith.constant 0 : i32
        %cond3A_1177 = arith.cmpi ne, %convert_element_type3A, %cond3A : i32
        scf.if %cond3A_1177 {
          %add3A_1185 = arith.constant 2 : i32
          %add3A_1186 = arith.addi %add3A_578, %add3A_1185 : i32
          %mul3A_1187 = arith.constant 8 : i32
          %mul3A_1188 = arith.muli %add3A_1186, %mul3A_1187 : i32
          %get3A_1189 = arith.index_cast %mul3A_1188 : i32 to index
          %get3A_1190 = tpu.vector_load %arg7[%get3A_1189] {strides = array<i32>} : memref<528xi32, #tpu.memory_space<vmem>>, vector<16xi32>,
          %slice3A_1191 = vector.extract_strided_slice %get3A_1190 {offsets = [0], sizes = [1], strides = [1]} : vector<16xi32> to vector<1xi32>
          %squeeze3A_1192 = vector.extract %slice3A_1191[0] : i32 from vector<1xi32>
          %jit3A_1193 = arith.constant 8 : i32
          %eq3A_1194 = arith.constant 0 : i32
          %eq3A_1195 = arith.cmpi eq, %jit3A_1193, %eq3A_1194 : i32
          %jit3A_1196 = arith.constant 1 : i32
          %select_n3A_1197 = arith.select %eq3A_1195, %jit3A_1196, %jit3A_1193 : i32
          %rem3A_1198 = arith.remsi %squeeze3A_1192, %select_n3A_1197 : i32
          %ne3A_1199 = arith.constant 0 : i32
          %ne3A_1200 = arith.cmpi ne, %rem3A_1198, %ne3A_1199 : i32
          %lt3A_1201 = arith.constant 0 : i32
          %lt3A_1202 = arith.cmpi slt, %rem3A_1198, %lt3A_1201 : i32
          %lt3A_1203 = arith.constant 0 : i32
          %lt3A_1204 = arith.cmpi slt, %select_n3A_1197, %lt3A_1203 : i32
          %ne3A_1205 = arith.xori %lt3A_1202, %lt3A_1204 : i1
          %and3A_1206 = arith.andi %ne3A_1205, %ne3A_1200 : i1
          %add3A_1207 = arith.addi %rem3A_1198, %select_n3A_1197 : i32
          %select_n3A_1208 = arith.select %and3A_1206, %add3A_1207, %rem3A_1198 : i32
          %swap3A_1209 = arith.constant 0 : i32
          %swap3A_1210 = arith.constant 0 : i32
          %swap3A_1211 = arith.index_cast %swap3A_1209 : i32 to index
          %swap3A_1212 = arith.index_cast %swap3A_1210 : i32 to index
          %swap3A_1213 = memref.load %arg14[%swap3A_1211, %swap3A_1212] : memref<2x8xi32, #tpu.memory_space<smem>>
          memref.store %select_n3A_1208, %arg14[%swap3A_1211, %swap3A_1212] : memref<2x8xi32, #tpu.memory_space<smem>>
          %jit3A_1214 = arith.constant 8 : i32
          %div3A_1215 = arith.divsi %squeeze3A_1192, %jit3A_1214 : i32
          %sign3A_1216 = arith.constant 0 : i32
          %sign3A_1217 = arith.cmpi sgt, %squeeze3A_1192, %sign3A_1216 : i32
          %sign3A_1218 = arith.extui %sign3A_1217 : i1 to i32
          %sign3A_1219 = arith.constant 0 : i32
          %sign3A_1220 = arith.cmpi slt, %squeeze3A_1192, %sign3A_1219 : i32
          %sign3A_1221 = arith.extui %sign3A_1220 : i1 to i32
          %sign3A_1222 = arith.subi %sign3A_1218, %sign3A_1221 : i32
          %sign3A_1223 = arith.constant 0 : i32
          %sign3A_1224 = arith.cmpi sgt, %jit3A_1214, %sign3A_1223 : i32
          %sign3A_1225 = arith.extui %sign3A_1224 : i1 to i32
          %sign3A_1226 = arith.constant 0 : i32
          %sign3A_1227 = arith.cmpi slt, %jit3A_1214, %sign3A_1226 : i32
          %sign3A_1228 = arith.extui %sign3A_1227 : i1 to i32
          %sign3A_1229 = arith.subi %sign3A_1225, %sign3A_1228 : i32
          %ne3A_1230 = arith.cmpi ne, %sign3A_1222, %sign3A_1229 : i32
          %rem3A_1231 = arith.remsi %squeeze3A_1192, %jit3A_1214 : i32
          %ne3A_1232 = arith.constant 0 : i32
          %ne3A_1233 = arith.cmpi ne, %rem3A_1231, %ne3A_1232 : i32
          %and3A_1234 = arith.andi %ne3A_1230, %ne3A_1233 : i1
          %sub3A_1235 = arith.constant 1 : i32
          %sub3A_1236 = arith.subi %div3A_1215, %sub3A_1235 : i32
          %select_n3A_1237 = arith.select %and3A_1234, %sub3A_1236, %div3A_1215 : i32
          %mul3A_1238 = arith.constant 8 : i32
          %mul3A_1239 = arith.muli %select_n3A_1237, %mul3A_1238 : i32
          %multiple_of3A_1240 = tpu.assume_multiple %mul3A_1239, 8 : i32
          %dma_start3A_1241 = arith.constant 0 : i32
          %dma_start3A_1242 = arith.constant 0 : i32
          %dma_start3A_1243 = tpu.memref_slice %arg9[%dma_start3A_1241, %dma_start3A_1242] : memref<64x300xf32, #tpu.memory_space<vmem>> -> memref<8x300xf32, #tpu.memory_space<vmem>>
          %dma_start3A_1244 = arith.constant 0 : i32
          %dma_start3A_1245 = tpu.memref_slice %arg3[%multiple_of3A_1240, %dma_start3A_1244] : memref<100000x300xf32, #tpu.memory_space<hbm>> -> memref<8x300xf32, #tpu.memory_space<hbm>>
          %dma_start3A_1246 = arith.constant 0 : i32
          %dma_start3A_1247 = arith.constant 0 : i32
          %dma_start3A_1248 = tpu.memref_slice %arg9[%dma_start3A_1246, %dma_start3A_1247] : memref<64x300xf32, #tpu.memory_space<vmem>> -> memref<8x300xf32, #tpu.memory_space<vmem>>
          %dma_start3A_1249 = arith.constant 0 : i32
          %dma_start3A_1250 = tpu.memref_slice %arg3[%multiple_of3A_1240, %dma_start3A_1249] : memref<100000x300xf32, #tpu.memory_space<hbm>> -> memref<8x300xf32, #tpu.memory_space<hbm>>
          tpu.enqueue_dma source(%dma_start3A_1250 : memref<8x300xf32, #tpu.memory_space<hbm>>) target(%dma_start3A_1248 : memref<8x300xf32, #tpu.memory_space<vmem>>) target_semaphore(%arg15 : memref<!tpu.dma_semaphore, #tpu.memory_space<semaphore_mem>>)
          %dma_start3A_1251 = arith.constant 0 : i32
          %dma_start3A_1252 = arith.constant 0 : i32
          %dma_start3A_1253 = tpu.memref_slice %arg11[%dma_start3A_1251, %dma_start3A_1252] : memref<64x64xf32, #tpu.memory_space<vmem>> -> memref<8x64xf32, #tpu.memory_space<vmem>>
          %dma_start3A_1254 = arith.constant 0 : i32
          %dma_start3A_1255 = tpu.memref_slice %arg4[%multiple_of3A_1240, %dma_start3A_1254] : memref<100000x64xf32, #tpu.memory_space<hbm>> -> memref<8x64xf32, #tpu.memory_space<hbm>>
          %dma_start3A_1256 = arith.constant 0 : i32
          %dma_start3A_1257 = arith.constant 0 : i32
          %dma_start3A_1258 = tpu.memref_slice %arg11[%dma_start3A_1256, %dma_start3A_1257] : memref<64x64xf32, #tpu.memory_space<vmem>> -> memref<8x64xf32, #tpu.memory_space<vmem>>
          %dma_start3A_1259 = arith.constant 0 : i32
          %dma_start3A_1260 = tpu.memref_slice %arg4[%multiple_of3A_1240, %dma_start3A_1259] : memref<100000x64xf32, #tpu.memory_space<hbm>> -> memref<8x64xf32, #tpu.memory_space<hbm>>
          tpu.enqueue_dma source(%dma_start3A_1260 : memref<8x64xf32, #tpu.memory_space<hbm>>) target(%dma_start3A_1258 : memref<8x64xf32, #tpu.memory_space<vmem>>) target_semaphore(%arg17 : memref<!tpu.dma_semaphore, #tpu.memory_space<semaphore_mem>>)
          %slice3A_1261 = vector.extract_strided_slice %get3A_1190 {offsets = [1], sizes = [1], strides = [1]} : vector<16xi32> to vector<1xi32>
          %squeeze3A_1262 = vector.extract %slice3A_1261[0] : i32 from vector<1xi32>
          %jit3A_1263 = arith.constant 8 : i32
          %eq3A_1264 = arith.constant 0 : i32
          %eq3A_1265 = arith.cmpi eq, %jit3A_1263, %eq3A_1264 : i32
          %jit3A_1266 = arith.constant 1 : i32
          %select_n3A_1267 = arith.select %eq3A_1265, %jit3A_1266, %jit3A_1263 : i32
          %rem3A_1268 = arith.remsi %squeeze3A_1262, %select_n3A_1267 : i32
          %ne3A_1269 = arith.constant 0 : i32
          %ne3A_1270 = arith.cmpi ne, %rem3A_1268, %ne3A_1269 : i32
          %lt3A_1271 = arith.constant 0 : i32
          %lt3A_1272 = arith.cmpi slt, %rem3A_1268, %lt3A_1271 : i32
          %lt3A_1273 = arith.constant 0 : i32
          %lt3A_1274 = arith.cmpi slt, %select_n3A_1267, %lt3A_1273 : i32
          %ne3A_1275 = arith.xori %lt3A_1272, %lt3A_1274 : i1
          %and3A_1276 = arith.andi %ne3A_1275, %ne3A_1270 : i1
          %add3A_1277 = arith.addi %rem3A_1268, %select_n3A_1267 : i32
          %select_n3A_1278 = arith.select %and3A_1276, %add3A_1277, %rem3A_1268 : i32
          %swap3A_1279 = arith.constant 0 : i32
          %swap3A_1280 = arith.constant 1 : i32
          %swap3A_1281 = arith.index_cast %swap3A_1279 : i32 to index
          %swap3A_1282 = arith.index_cast %swap3A_1280 : i32 to index
          %swap3A_1283 = memref.load %arg14[%swap3A_1281, %swap3A_1282] : memref<2x8xi32, #tpu.memory_space<smem>>
          memref.store %select_n3A_1278, %arg14[%swap3A_1281, %swap3A_1282] : memref<2x8xi32, #tpu.memory_space<smem>>
          %jit3A_1284 = arith.constant 8 : i32
          %div3A_1285 = arith.divsi %squeeze3A_1262, %jit3A_1284 : i32
          %sign3A_1286 = arith.constant 0 : i32
          %sign3A_1287 = arith.cmpi sgt, %squeeze3A_1262, %sign3A_1286 : i32
          %sign3A_1288 = arith.extui %sign3A_1287 : i1 to i32
          %sign3A_1289 = arith.constant 0 : i32
          %sign3A_1290 = arith.cmpi slt, %squeeze3A_1262, %sign3A_1289 : i32
          %sign3A_1291 = arith.extui %sign3A_1290 : i1 to i32
          %sign3A_1292 = arith.subi %sign3A_1288, %sign3A_1291 : i32
          %sign3A_1293 = arith.constant 0 : i32
          %sign3A_1294 = arith.cmpi sgt, %jit3A_1284, %sign3A_1293 : i32
          %sign3A_1295 = arith.extui %sign3A_1294 : i1 to i32
          %sign3A_1296 = arith.constant 0 : i32
          %sign3A_1297 = arith.cmpi slt, %jit3A_1284, %sign3A_1296 : i32
          %sign3A_1298 = arith.extui %sign3A_1297 : i1 to i32
          %sign3A_1299 = arith.subi %sign3A_1295, %sign3A_1298 : i32
          %ne3A_1300 = arith.cmpi ne, %sign3A_1292, %sign3A_1299 : i32
          %rem3A_1301 = arith.remsi %squeeze3A_1262, %jit3A_1284 : i32
          %ne3A_1302 = arith.constant 0 : i32
          %ne3A_1303 = arith.cmpi ne, %rem3A_1301, %ne3A_1302 : i32
          %and3A_1304 = arith.andi %ne3A_1300, %ne3A_1303 : i1
          %sub3A_1305 = arith.constant 1 : i32
          %sub3A_1306 = arith.subi %div3A_1285, %sub3A_1305 : i32
          %select_n3A_1307 = arith.select %and3A_1304, %sub3A_1306, %div3A_1285 : i32
          %mul3A_1308 = arith.constant 8 : i32
          %mul3A_1309 = arith.muli %select_n3A_1307, %mul3A_1308 : i32
          %multiple_of3A_1310 = tpu.assume_multiple %mul3A_1309, 8 : i32
          %dma_start3A_1311 = arith.constant 8 : i32
          %dma_start3A_1312 = arith.constant 0 : i32
          %dma_start3A_1313 = tpu.memref_slice %arg9[%dma_start3A_1311, %dma_start3A_1312] : memref<64x300xf32, #tpu.memory_space<vmem>> -> memref<8x300xf32, #tpu.memory_space<vmem>>
          %dma_start3A_1314 = arith.constant 0 : i32
          %dma_start3A_1315 = tpu.memref_slice %arg3[%multiple_of3A_1310, %dma_start3A_1314] : memref<100000x300xf32, #tpu.memory_space<hbm>> -> memref<8x300xf32, #tpu.memory_space<hbm>>
          %dma_start3A_1316 = arith.constant 8 : i32
          %dma_start3A_1317 = arith.constant 0 : i32
          %dma_start3A_1318 = tpu.memref_slice %arg9[%dma_start3A_1316, %dma_start3A_1317] : memref<64x300xf32, #tpu.memory_space<vmem>> -> memref<8x300xf32, #tpu.memory_space<vmem>>
          %dma_start3A_1319 = arith.constant 0 : i32
          %dma_start3A_1320 = tpu.memref_slice %arg3[%multiple_of3A_1310, %dma_start3A_1319] : memref<100000x300xf32, #tpu.memory_space<hbm>> -> memref<8x300xf32, #tpu.memory_space<hbm>>
          tpu.enqueue_dma source(%dma_start3A_1320 : memref<8x300xf32, #tpu.memory_space<hbm>>) target(%dma_start3A_1318 : memref<8x300xf32, #tpu.memory_space<vmem>>) target_semaphore(%arg15 : memref<!tpu.dma_semaphore, #tpu.memory_space<semaphore_mem>>)
          %dma_start3A_1321 = arith.constant 8 : i32
          %dma_start3A_1322 = arith.constant 0 : i32
          %dma_start3A_1323 = tpu.memref_slice %arg11[%dma_start3A_1321, %dma_start3A_1322] : memref<64x64xf32, #tpu.memory_space<vmem>> -> memref<8x64xf32, #tpu.memory_space<vmem>>
          %dma_start3A_1324 = arith.constant 0 : i32
          %dma_start3A_1325 = tpu.memref_slice %arg4[%multiple_of3A_1310, %dma_start3A_1324] : memref<100000x64xf32, #tpu.memory_space<hbm>> -> memref<8x64xf32, #tpu.memory_space<hbm>>
          %dma_start3A_1326 = arith.constant 8 : i32
          %dma_start3A_1327 = arith.constant 0 : i32
          %dma_start3A_1328 = tpu.memref_slice %arg11[%dma_start3A_1326, %dma_start3A_1327] : memref<64x64xf32, #tpu.memory_space<vmem>> -> memref<8x64xf32, #tpu.memory_space<vmem>>
          %dma_start3A_1329 = arith.constant 0 : i32
          %dma_start3A_1330 = tpu.memref_slice %arg4[%multiple_of3A_1310, %dma_start3A_1329] : memref<100000x64xf32, #tpu.memory_space<hbm>> -> memref<8x64xf32, #tpu.memory_space<hbm>>
          tpu.enqueue_dma source(%dma_start3A_1330 : memref<8x64xf32, #tpu.memory_space<hbm>>) target(%dma_start3A_1328 : memref<8x64xf32, #tpu.memory_space<vmem>>) target_semaphore(%arg17 : memref<!tpu.dma_semaphore, #tpu.memory_space<semaphore_mem>>)
          %slice3A_1331 = vector.extract_strided_slice %get3A_1190 {offsets = [2], sizes = [1], strides = [1]} : vector<16xi32> to vector<1xi32>
          %squeeze3A_1332 = vector.extract %slice3A_1331[0] : i32 from vector<1xi32>
          %jit3A_1333 = arith.constant 8 : i32
          %eq3A_1334 = arith.constant 0 : i32
          %eq3A_1335 = arith.cmpi eq, %jit3A_1333, %eq3A_1334 : i32
          %jit3A_1336 = arith.constant 1 : i32
          %select_n3A_1337 = arith.select %eq3A_1335, %jit3A_1336, %jit3A_1333 : i32
          %rem3A_1338 = arith.remsi %squeeze3A_1332, %select_n3A_1337 : i32
          %ne3A_1339 = arith.constant 0 : i32
          %ne3A_1340 = arith.cmpi ne, %rem3A_1338, %ne3A_1339 : i32
          %lt3A_1341 = arith.constant 0 : i32
          %lt3A_1342 = arith.cmpi slt, %rem3A_1338, %lt3A_1341 : i32
          %lt3A_1343 = arith.constant 0 : i32
          %lt3A_1344 = arith.cmpi slt, %select_n3A_1337, %lt3A_1343 : i32
          %ne3A_1345 = arith.xori %lt3A_1342, %lt3A_1344 : i1
          %and3A_1346 = arith.andi %ne3A_1345, %ne3A_1340 : i1
          %add3A_1347 = arith.addi %rem3A_1338, %select_n3A_1337 : i32
          %select_n3A_1348 = arith.select %and3A_1346, %add3A_1347, %rem3A_1338 : i32
          %swap3A_1349 = arith.constant 0 : i32
          %swap3A_1350 = arith.constant 2 : i32
          %swap3A_1351 = arith.index_cast %swap3A_1349 : i32 to index
          %swap3A_1352 = arith.index_cast %swap3A_1350 : i32 to index
          %swap3A_1353 = memref.load %arg14[%swap3A_1351, %swap3A_1352] : memref<2x8xi32, #tpu.memory_space<smem>>
          memref.store %select_n3A_1348, %arg14[%swap3A_1351, %swap3A_1352] : memref<2x8xi32, #tpu.memory_space<smem>>
          %jit3A_1354 = arith.constant 8 : i32
          %div3A_1355 = arith.divsi %squeeze3A_1332, %jit3A_1354 : i32
          %sign3A_1356 = arith.constant 0 : i32
          %sign3A_1357 = arith.cmpi sgt, %squeeze3A_1332, %sign3A_1356 : i32
          %sign3A_1358 = arith.extui %sign3A_1357 : i1 to i32
          %sign3A_1359 = arith.constant 0 : i32
          %sign3A_1360 = arith.cmpi slt, %squeeze3A_1332, %sign3A_1359 : i32
          %sign3A_1361 = arith.extui %sign3A_1360 : i1 to i32
          %sign3A_1362 = arith.subi %sign3A_1358, %sign3A_1361 : i32
          %sign3A_1363 = arith.constant 0 : i32
          %sign3A_1364 = arith.cmpi sgt, %jit3A_1354, %sign3A_1363 : i32
          %sign3A_1365 = arith.extui %sign3A_1364 : i1 to i32
          %sign3A_1366 = arith.constant 0 : i32
          %sign3A_1367 = arith.cmpi slt, %jit3A_1354, %sign3A_1366 : i32
          %sign3A_1368 = arith.extui %sign3A_1367 : i1 to i32
          %sign3A_1369 = arith.subi %sign3A_1365, %sign3A_1368 : i32
          %ne3A_1370 = arith.cmpi ne, %sign3A_1362, %sign3A_1369 : i32
          %rem3A_1371 = arith.remsi %squeeze3A_1332, %jit3A_1354 : i32
          %ne3A_1372 = arith.constant 0 : i32
          %ne3A_1373 = arith.cmpi ne, %rem3A_1371, %ne3A_1372 : i32
          %and3A_1374 = arith.andi %ne3A_1370, %ne3A_1373 : i1
          %sub3A_1375 = arith.constant 1 : i32
          %sub3A_1376 = arith.subi %div3A_1355, %sub3A_1375 : i32
          %select_n3A_1377 = arith.select %and3A_1374, %sub3A_1376, %div3A_1355 : i32
          %mul3A_1378 = arith.constant 8 : i32
          %mul3A_1379 = arith.muli %select_n3A_1377, %mul3A_1378 : i32
          %multiple_of3A_1380 = tpu.assume_multiple %mul3A_1379, 8 : i32
          %dma_start3A_1381 = arith.constant 16 : i32
          %dma_start3A_1382 = arith.constant 0 : i32
          %dma_start3A_1383 = tpu.memref_slice %arg9[%dma_start3A_1381, %dma_start3A_1382] : memref<64x300xf32, #tpu.memory_space<vmem>> -> memref<8x300xf32, #tpu.memory_space<vmem>>
          %dma_start3A_1384 = arith.constant 0 : i32
          %dma_start3A_1385 = tpu.memref_slice %arg3[%multiple_of3A_1380, %dma_start3A_1384] : memref<100000x300xf32, #tpu.memory_space<hbm>> -> memref<8x300xf32, #tpu.memory_space<hbm>>
          %dma_start3A_1386 = arith.constant 16 : i32
          %dma_start3A_1387 = arith.constant 0 : i32
          %dma_start3A_1388 = tpu.memref_slice %arg9[%dma_start3A_1386, %dma_start3A_1387] : memref<64x300xf32, #tpu.memory_space<vmem>> -> memref<8x300xf32, #tpu.memory_space<vmem>>
          %dma_start3A_1389 = arith.constant 0 : i32
          %dma_start3A_1390 = tpu.memref_slice %arg3[%multiple_of3A_1380, %dma_start3A_1389] : memref<100000x300xf32, #tpu.memory_space<hbm>> -> memref<8x300xf32, #tpu.memory_space<hbm>>
          tpu.enqueue_dma source(%dma_start3A_1390 : memref<8x300xf32, #tpu.memory_space<hbm>>) target(%dma_start3A_1388 : memref<8x300xf32, #tpu.memory_space<vmem>>) target_semaphore(%arg15 : memref<!tpu.dma_semaphore, #tpu.memory_space<semaphore_mem>>)
          %dma_start3A_1391 = arith.constant 16 : i32
          %dma_start3A_1392 = arith.constant 0 : i32
          %dma_start3A_1393 = tpu.memref_slice %arg11[%dma_start3A_1391, %dma_start3A_1392] : memref<64x64xf32, #tpu.memory_space<vmem>> -> memref<8x64xf32, #tpu.memory_space<vmem>>
          %dma_start3A_1394 = arith.constant 0 : i32
          %dma_start3A_1395 = tpu.memref_slice %arg4[%multiple_of3A_1380, %dma_start3A_1394] : memref<100000x64xf32, #tpu.memory_space<hbm>> -> memref<8x64xf32, #tpu.memory_space<hbm>>
          %dma_start3A_1396 = arith.constant 16 : i32
          %dma_start3A_1397 = arith.constant 0 : i32
          %dma_start3A_1398 = tpu.memref_slice %arg11[%dma_start3A_1396, %dma_start3A_1397] : memref<64x64xf32, #tpu.memory_space<vmem>> -> memref<8x64xf32, #tpu.memory_space<vmem>>
          %dma_start3A_1399 = arith.constant 0 : i32
          %dma_start3A_1400 = tpu.memref_slice %arg4[%multiple_of3A_1380, %dma_start3A_1399] : memref<100000x64xf32, #tpu.memory_space<hbm>> -> memref<8x64xf32, #tpu.memory_space<hbm>>
          tpu.enqueue_dma source(%dma_start3A_1400 : memref<8x64xf32, #tpu.memory_space<hbm>>) target(%dma_start3A_1398 : memref<8x64xf32, #tpu.memory_space<vmem>>) target_semaphore(%arg17 : memref<!tpu.dma_semaphore, #tpu.memory_space<semaphore_mem>>)
          %slice3A_1401 = vector.extract_strided_slice %get3A_1190 {offsets = [3], sizes = [1], strides = [1]} : vector<16xi32> to vector<1xi32>
          %squeeze3A_1402 = vector.extract %slice3A_1401[0] : i32 from vector<1xi32>
          %jit3A_1403 = arith.constant 8 : i32
          %eq3A_1404 = arith.constant 0 : i32
          %eq3A_1405 = arith.cmpi eq, %jit3A_1403, %eq3A_1404 : i32
          %jit3A_1406 = arith.constant 1 : i32
          %select_n3A_1407 = arith.select %eq3A_1405, %jit3A_1406, %jit3A_1403 : i32
          %rem3A_1408 = arith.remsi %squeeze3A_1402, %select_n3A_1407 : i32
          %ne3A_1409 = arith.constant 0 : i32
          %ne3A_1410 = arith.cmpi ne, %rem3A_1408, %ne3A_1409 : i32
          %lt3A_1411 = arith.constant 0 : i32
          %lt3A_1412 = arith.cmpi slt, %rem3A_1408, %lt3A_1411 : i32
          %lt3A_1413 = arith.constant 0 : i32
          %lt3A_1414 = arith.cmpi slt, %select_n3A_1407, %lt3A_1413 : i32
          %ne3A_1415 = arith.xori %lt3A_1412, %lt3A_1414 : i1
          %and3A_1416 = arith.andi %ne3A_1415, %ne3A_1410 : i1
          %add3A_1417 = arith.addi %rem3A_1408, %select_n3A_1407 : i32
          %select_n3A_1418 = arith.select %and3A_1416, %add3A_1417, %rem3A_1408 : i32
          %swap3A_1419 = arith.constant 0 : i32
          %swap3A_1420 = arith.constant 3 : i32
          %swap3A_1421 = arith.index_cast %swap3A_1419 : i32 to index
          %swap3A_1422 = arith.index_cast %swap3A_1420 : i32 to index
          %swap3A_1423 = memref.load %arg14[%swap3A_1421, %swap3A_1422] : memref<2x8xi32, #tpu.memory_space<smem>>
          memref.store %select_n3A_1418, %arg14[%swap3A_1421, %swap3A_1422] : memref<2x8xi32, #tpu.memory_space<smem>>
          %jit3A_1424 = arith.constant 8 : i32
          %div3A_1425 = arith.divsi %squeeze3A_1402, %jit3A_1424 : i32
          %sign3A_1426 = arith.constant 0 : i32
          %sign3A_1427 = arith.cmpi sgt, %squeeze3A_1402, %sign3A_1426 : i32
          %sign3A_1428 = arith.extui %sign3A_1427 : i1 to i32
          %sign3A_1429 = arith.constant 0 : i32
          %sign3A_1430 = arith.cmpi slt, %squeeze3A_1402, %sign3A_1429 : i32
          %sign3A_1431 = arith.extui %sign3A_1430 : i1 to i32
          %sign3A_1432 = arith.subi %sign3A_1428, %sign3A_1431 : i32
          %sign3A_1433 = arith.constant 0 : i32
          %sign3A_1434 = arith.cmpi sgt, %jit3A_1424, %sign3A_1433 : i32
          %sign3A_1435 = arith.extui %sign3A_1434 : i1 to i32
          %sign3A_1436 = arith.constant 0 : i32
          %sign3A_1437 = arith.cmpi slt, %jit3A_1424, %sign3A_1436 : i32
          %sign3A_1438 = arith.extui %sign3A_1437 : i1 to i32
          %sign3A_1439 = arith.subi %sign3A_1435, %sign3A_1438 : i32
          %ne3A_1440 = arith.cmpi ne, %sign3A_1432, %sign3A_1439 : i32
          %rem3A_1441 = arith.remsi %squeeze3A_1402, %jit3A_1424 : i32
          %ne3A_1442 = arith.constant 0 : i32
          %ne3A_1443 = arith.cmpi ne, %rem3A_1441, %ne3A_1442 : i32
          %and3A_1444 = arith.andi %ne3A_1440, %ne3A_1443 : i1
          %sub3A_1445 = arith.constant 1 : i32
          %sub3A_1446 = arith.subi %div3A_1425, %sub3A_1445 : i32
          %select_n3A_1447 = arith.select %and3A_1444, %sub3A_1446, %div3A_1425 : i32
          %mul3A_1448 = arith.constant 8 : i32
          %mul3A_1449 = arith.muli %select_n3A_1447, %mul3A_1448 : i32
          %multiple_of3A_1450 = tpu.assume_multiple %mul3A_1449, 8 : i32
          %dma_start3A_1451 = arith.constant 24 : i32
          %dma_start3A_1452 = arith.constant 0 : i32
          %dma_start3A_1453 = tpu.memref_slice %arg9[%dma_start3A_1451, %dma_start3A_1452] : memref<64x300xf32, #tpu.memory_space<vmem>> -> memref<8x300xf32, #tpu.memory_space<vmem>>
          %dma_start3A_1454 = arith.constant 0 : i32
          %dma_start3A_1455 = tpu.memref_slice %arg3[%multiple_of3A_1450, %dma_start3A_1454] : memref<100000x300xf32, #tpu.memory_space<hbm>> -> memref<8x300xf32, #tpu.memory_space<hbm>>
          %dma_start3A_1456 = arith.constant 24 : i32
          %dma_start3A_1457 = arith.constant 0 : i32
          %dma_start3A_1458 = tpu.memref_slice %arg9[%dma_start3A_1456, %dma_start3A_1457] : memref<64x300xf32, #tpu.memory_space<vmem>> -> memref<8x300xf32, #tpu.memory_space<vmem>>
          %dma_start3A_1459 = arith.constant 0 : i32
          %dma_start3A_1460 = tpu.memref_slice %arg3[%multiple_of3A_1450, %dma_start3A_1459] : memref<100000x300xf32, #tpu.memory_space<hbm>> -> memref<8x300xf32, #tpu.memory_space<hbm>>
          tpu.enqueue_dma source(%dma_start3A_1460 : memref<8x300xf32, #tpu.memory_space<hbm>>) target(%dma_start3A_1458 : memref<8x300xf32, #tpu.memory_space<vmem>>) target_semaphore(%arg15 : memref<!tpu.dma_semaphore, #tpu.memory_space<semaphore_mem>>)
          %dma_start3A_1461 = arith.constant 24 : i32
          %dma_start3A_1462 = arith.constant 0 : i32
          %dma_start3A_1463 = tpu.memref_slice %arg11[%dma_start3A_1461, %dma_start3A_1462] : memref<64x64xf32, #tpu.memory_space<vmem>> -> memref<8x64xf32, #tpu.memory_space<vmem>>
          %dma_start3A_1464 = arith.constant 0 : i32
          %dma_start3A_1465 = tpu.memref_slice %arg4[%multiple_of3A_1450, %dma_start3A_1464] : memref<100000x64xf32, #tpu.memory_space<hbm>> -> memref<8x64xf32, #tpu.memory_space<hbm>>
          %dma_start3A_1466 = arith.constant 24 : i32
          %dma_start3A_1467 = arith.constant 0 : i32
          %dma_start3A_1468 = tpu.memref_slice %arg11[%dma_start3A_1466, %dma_start3A_1467] : memref<64x64xf32, #tpu.memory_space<vmem>> -> memref<8x64xf32, #tpu.memory_space<vmem>>
          %dma_start3A_1469 = arith.constant 0 : i32
          %dma_start3A_1470 = tpu.memref_slice %arg4[%multiple_of3A_1450, %dma_start3A_1469] : memref<100000x64xf32, #tpu.memory_space<hbm>> -> memref<8x64xf32, #tpu.memory_space<hbm>>
          tpu.enqueue_dma source(%dma_start3A_1470 : memref<8x64xf32, #tpu.memory_space<hbm>>) target(%dma_start3A_1468 : memref<8x64xf32, #tpu.memory_space<vmem>>) target_semaphore(%arg17 : memref<!tpu.dma_semaphore, #tpu.memory_space<semaphore_mem>>)
          %slice3A_1471 = vector.extract_strided_slice %get3A_1190 {offsets = [4], sizes = [1], strides = [1]} : vector<16xi32> to vector<1xi32>
          %squeeze3A_1472 = vector.extract %slice3A_1471[0] : i32 from vector<1xi32>
          %jit3A_1473 = arith.constant 8 : i32
          %eq3A_1474 = arith.constant 0 : i32
          %eq3A_1475 = arith.cmpi eq, %jit3A_1473, %eq3A_1474 : i32
          %jit3A_1476 = arith.constant 1 : i32
          %select_n3A_1477 = arith.select %eq3A_1475, %jit3A_1476, %jit3A_1473 : i32
          %rem3A_1478 = arith.remsi %squeeze3A_1472, %select_n3A_1477 : i32
          %ne3A_1479 = arith.constant 0 : i32
          %ne3A_1480 = arith.cmpi ne, %rem3A_1478, %ne3A_1479 : i32
          %lt3A_1481 = arith.constant 0 : i32
          %lt3A_1482 = arith.cmpi slt, %rem3A_1478, %lt3A_1481 : i32
          %lt3A_1483 = arith.constant 0 : i32
          %lt3A_1484 = arith.cmpi slt, %select_n3A_1477, %lt3A_1483 : i32
          %ne3A_1485 = arith.xori %lt3A_1482, %lt3A_1484 : i1
          %and3A_1486 = arith.andi %ne3A_1485, %ne3A_1480 : i1
          %add3A_1487 = arith.addi %rem3A_1478, %select_n3A_1477 : i32
          %select_n3A_1488 = arith.select %and3A_1486, %add3A_1487, %rem3A_1478 : i32
          %swap3A_1489 = arith.constant 0 : i32
          %swap3A_1490 = arith.constant 4 : i32
          %swap3A_1491 = arith.index_cast %swap3A_1489 : i32 to index
          %swap3A_1492 = arith.index_cast %swap3A_1490 : i32 to index
          %swap3A_1493 = memref.load %arg14[%swap3A_1491, %swap3A_1492] : memref<2x8xi32, #tpu.memory_space<smem>>
          memref.store %select_n3A_1488, %arg14[%swap3A_1491, %swap3A_1492] : memref<2x8xi32, #tpu.memory_space<smem>>
          %jit3A_1494 = arith.constant 8 : i32
          %div3A_1495 = arith.divsi %squeeze3A_1472, %jit3A_1494 : i32
          %sign3A_1496 = arith.constant 0 : i32
          %sign3A_1497 = arith.cmpi sgt, %squeeze3A_1472, %sign3A_1496 : i32
          %sign3A_1498 = arith.extui %sign3A_1497 : i1 to i32
          %sign3A_1499 = arith.constant 0 : i32
          %sign3A_1500 = arith.cmpi slt, %squeeze3A_1472, %sign3A_1499 : i32
          %sign3A_1501 = arith.extui %sign3A_1500 : i1 to i32
          %sign3A_1502 = arith.subi %sign3A_1498, %sign3A_1501 : i32
          %sign3A_1503 = arith.constant 0 : i32
          %sign3A_1504 = arith.cmpi sgt, %jit3A_1494, %sign3A_1503 : i32
          %sign3A_1505 = arith.extui %sign3A_1504 : i1 to i32
          %sign3A_1506 = arith.constant 0 : i32
          %sign3A_1507 = arith.cmpi slt, %jit3A_1494, %sign3A_1506 : i32
          %sign3A_1508 = arith.extui %sign3A_1507 : i1 to i32
          %sign3A_1509 = arith.subi %sign3A_1505, %sign3A_1508 : i32
          %ne3A_1510 = arith.cmpi ne, %sign3A_1502, %sign3A_1509 : i32
          %rem3A_1511 = arith.remsi %squeeze3A_1472, %jit3A_1494 : i32
          %ne3A_1512 = arith.constant 0 : i32
          %ne3A_1513 = arith.cmpi ne, %rem3A_1511, %ne3A_1512 : i32
          %and3A_1514 = arith.andi %ne3A_1510, %ne3A_1513 : i1
          %sub3A_1515 = arith.constant 1 : i32
          %sub3A_1516 = arith.subi %div3A_1495, %sub3A_1515 : i32
          %select_n3A_1517 = arith.select %and3A_1514, %sub3A_1516, %div3A_1495 : i32
          %mul3A_1518 = arith.constant 8 : i32
          %mul3A_1519 = arith.muli %select_n3A_1517, %mul3A_1518 : i32
          %multiple_of3A_1520 = tpu.assume_multiple %mul3A_1519, 8 : i32
          %dma_start3A_1521 = arith.constant 32 : i32
          %dma_start3A_1522 = arith.constant 0 : i32
          %dma_start3A_1523 = tpu.memref_slice %arg9[%dma_start3A_1521, %dma_start3A_1522] : memref<64x300xf32, #tpu.memory_space<vmem>> -> memref<8x300xf32, #tpu.memory_space<vmem>>
          %dma_start3A_1524 = arith.constant 0 : i32
          %dma_start3A_1525 = tpu.memref_slice %arg3[%multiple_of3A_1520, %dma_start3A_1524] : memref<100000x300xf32, #tpu.memory_space<hbm>> -> memref<8x300xf32, #tpu.memory_space<hbm>>
          %dma_start3A_1526 = arith.constant 32 : i32
          %dma_start3A_1527 = arith.constant 0 : i32
          %dma_start3A_1528 = tpu.memref_slice %arg9[%dma_start3A_1526, %dma_start3A_1527] : memref<64x300xf32, #tpu.memory_space<vmem>> -> memref<8x300xf32, #tpu.memory_space<vmem>>
          %dma_start3A_1529 = arith.constant 0 : i32
          %dma_start3A_1530 = tpu.memref_slice %arg3[%multiple_of3A_1520, %dma_start3A_1529] : memref<100000x300xf32, #tpu.memory_space<hbm>> -> memref<8x300xf32, #tpu.memory_space<hbm>>
          tpu.enqueue_dma source(%dma_start3A_1530 : memref<8x300xf32, #tpu.memory_space<hbm>>) target(%dma_start3A_1528 : memref<8x300xf32, #tpu.memory_space<vmem>>) target_semaphore(%arg15 : memref<!tpu.dma_semaphore, #tpu.memory_space<semaphore_mem>>)
          %dma_start3A_1531 = arith.constant 32 : i32
          %dma_start3A_1532 = arith.constant 0 : i32
          %dma_start3A_1533 = tpu.memref_slice %arg11[%dma_start3A_1531, %dma_start3A_1532] : memref<64x64xf32, #tpu.memory_space<vmem>> -> memref<8x64xf32, #tpu.memory_space<vmem>>
          %dma_start3A_1534 = arith.constant 0 : i32
          %dma_start3A_1535 = tpu.memref_slice %arg4[%multiple_of3A_1520, %dma_start3A_1534] : memref<100000x64xf32, #tpu.memory_space<hbm>> -> memref<8x64xf32, #tpu.memory_space<hbm>>
          %dma_start3A_1536 = arith.constant 32 : i32
          %dma_start3A_1537 = arith.constant 0 : i32
          %dma_start3A_1538 = tpu.memref_slice %arg11[%dma_start3A_1536, %dma_start3A_1537] : memref<64x64xf32, #tpu.memory_space<vmem>> -> memref<8x64xf32, #tpu.memory_space<vmem>>
          %dma_start3A_1539 = arith.constant 0 : i32
          %dma_start3A_1540 = tpu.memref_slice %arg4[%multiple_of3A_1520, %dma_start3A_1539] : memref<100000x64xf32, #tpu.memory_space<hbm>> -> memref<8x64xf32, #tpu.memory_space<hbm>>
          tpu.enqueue_dma source(%dma_start3A_1540 : memref<8x64xf32, #tpu.memory_space<hbm>>) target(%dma_start3A_1538 : memref<8x64xf32, #tpu.memory_space<vmem>>) target_semaphore(%arg17 : memref<!tpu.dma_semaphore, #tpu.memory_space<semaphore_mem>>)
          %slice3A_1541 = vector.extract_strided_slice %get3A_1190 {offsets = [5], sizes = [1], strides = [1]} : vector<16xi32> to vector<1xi32>
          %squeeze3A_1542 = vector.extract %slice3A_1541[0] : i32 from vector<1xi32>
          %jit3A_1543 = arith.constant 8 : i32
          %eq3A_1544 = arith.constant 0 : i32
          %eq3A_1545 = arith.cmpi eq, %jit3A_1543, %eq3A_1544 : i32
          %jit3A_1546 = arith.constant 1 : i32
          %select_n3A_1547 = arith.select %eq3A_1545, %jit3A_1546, %jit3A_1543 : i32
          %rem3A_1548 = arith.remsi %squeeze3A_1542, %select_n3A_1547 : i32
          %ne3A_1549 = arith.constant 0 : i32
          %ne3A_1550 = arith.cmpi ne, %rem3A_1548, %ne3A_1549 : i32
          %lt3A_1551 = arith.constant 0 : i32
          %lt3A_1552 = arith.cmpi slt, %rem3A_1548, %lt3A_1551 : i32
          %lt3A_1553 = arith.constant 0 : i32
          %lt3A_1554 = arith.cmpi slt, %select_n3A_1547, %lt3A_1553 : i32
          %ne3A_1555 = arith.xori %lt3A_1552, %lt3A_1554 : i1
          %and3A_1556 = arith.andi %ne3A_1555, %ne3A_1550 : i1
          %add3A_1557 = arith.addi %rem3A_1548, %select_n3A_1547 : i32
          %select_n3A_1558 = arith.select %and3A_1556, %add3A_1557, %rem3A_1548 : i32
          %swap3A_1559 = arith.constant 0 : i32
          %swap3A_1560 = arith.constant 5 : i32
          %swap3A_1561 = arith.index_cast %swap3A_1559 : i32 to index
          %swap3A_1562 = arith.index_cast %swap3A_1560 : i32 to index
          %swap3A_1563 = memref.load %arg14[%swap3A_1561, %swap3A_1562] : memref<2x8xi32, #tpu.memory_space<smem>>
          memref.store %select_n3A_1558, %arg14[%swap3A_1561, %swap3A_1562] : memref<2x8xi32, #tpu.memory_space<smem>>
          %jit3A_1564 = arith.constant 8 : i32
          %div3A_1565 = arith.divsi %squeeze3A_1542, %jit3A_1564 : i32
          %sign3A_1566 = arith.constant 0 : i32
          %sign3A_1567 = arith.cmpi sgt, %squeeze3A_1542, %sign3A_1566 : i32
          %sign3A_1568 = arith.extui %sign3A_1567 : i1 to i32
          %sign3A_1569 = arith.constant 0 : i32
          %sign3A_1570 = arith.cmpi slt, %squeeze3A_1542, %sign3A_1569 : i32
          %sign3A_1571 = arith.extui %sign3A_1570 : i1 to i32
          %sign3A_1572 = arith.subi %sign3A_1568, %sign3A_1571 : i32
          %sign3A_1573 = arith.constant 0 : i32
          %sign3A_1574 = arith.cmpi sgt, %jit3A_1564, %sign3A_1573 : i32
          %sign3A_1575 = arith.extui %sign3A_1574 : i1 to i32
          %sign3A_1576 = arith.constant 0 : i32
          %sign3A_1577 = arith.cmpi slt, %jit3A_1564, %sign3A_1576 : i32
          %sign3A_1578 = arith.extui %sign3A_1577 : i1 to i32
          %sign3A_1579 = arith.subi %sign3A_1575, %sign3A_1578 : i32
          %ne3A_1580 = arith.cmpi ne, %sign3A_1572, %sign3A_1579 : i32
          %rem3A_1581 = arith.remsi %squeeze3A_1542, %jit3A_1564 : i32
          %ne3A_1582 = arith.constant 0 : i32
          %ne3A_1583 = arith.cmpi ne, %rem3A_1581, %ne3A_1582 : i32
          %and3A_1584 = arith.andi %ne3A_1580, %ne3A_1583 : i1
          %sub3A_1585 = arith.constant 1 : i32
          %sub3A_1586 = arith.subi %div3A_1565, %sub3A_1585 : i32
          %select_n3A_1587 = arith.select %and3A_1584, %sub3A_1586, %div3A_1565 : i32
          %mul3A_1588 = arith.constant 8 : i32
          %mul3A_1589 = arith.muli %select_n3A_1587, %mul3A_1588 : i32
          %multiple_of3A_1590 = tpu.assume_multiple %mul3A_1589, 8 : i32
          %dma_start3A_1591 = arith.constant 40 : i32
          %dma_start3A_1592 = arith.constant 0 : i32
          %dma_start3A_1593 = tpu.memref_slice %arg9[%dma_start3A_1591, %dma_start3A_1592] : memref<64x300xf32, #tpu.memory_space<vmem>> -> memref<8x300xf32, #tpu.memory_space<vmem>>
          %dma_start3A_1594 = arith.constant 0 : i32
          %dma_start3A_1595 = tpu.memref_slice %arg3[%multiple_of3A_1590, %dma_start3A_1594] : memref<100000x300xf32, #tpu.memory_space<hbm>> -> memref<8x300xf32, #tpu.memory_space<hbm>>
          %dma_start3A_1596 = arith.constant 40 : i32
          %dma_start3A_1597 = arith.constant 0 : i32
          %dma_start3A_1598 = tpu.memref_slice %arg9[%dma_start3A_1596, %dma_start3A_1597] : memref<64x300xf32, #tpu.memory_space<vmem>> -> memref<8x300xf32, #tpu.memory_space<vmem>>
          %dma_start3A_1599 = arith.constant 0 : i32
          %dma_start3A_1600 = tpu.memref_slice %arg3[%multiple_of3A_1590, %dma_start3A_1599] : memref<100000x300xf32, #tpu.memory_space<hbm>> -> memref<8x300xf32, #tpu.memory_space<hbm>>
          tpu.enqueue_dma source(%dma_start3A_1600 : memref<8x300xf32, #tpu.memory_space<hbm>>) target(%dma_start3A_1598 : memref<8x300xf32, #tpu.memory_space<vmem>>) target_semaphore(%arg15 : memref<!tpu.dma_semaphore, #tpu.memory_space<semaphore_mem>>)
          %dma_start3A_1601 = arith.constant 40 : i32
          %dma_start3A_1602 = arith.constant 0 : i32
          %dma_start3A_1603 = tpu.memref_slice %arg11[%dma_start3A_1601, %dma_start3A_1602] : memref<64x64xf32, #tpu.memory_space<vmem>> -> memref<8x64xf32, #tpu.memory_space<vmem>>
          %dma_start3A_1604 = arith.constant 0 : i32
          %dma_start3A_1605 = tpu.memref_slice %arg4[%multiple_of3A_1590, %dma_start3A_1604] : memref<100000x64xf32, #tpu.memory_space<hbm>> -> memref<8x64xf32, #tpu.memory_space<hbm>>
          %dma_start3A_1606 = arith.constant 40 : i32
          %dma_start3A_1607 = arith.constant 0 : i32
          %dma_start3A_1608 = tpu.memref_slice %arg11[%dma_start3A_1606, %dma_start3A_1607] : memref<64x64xf32, #tpu.memory_space<vmem>> -> memref<8x64xf32, #tpu.memory_space<vmem>>
          %dma_start3A_1609 = arith.constant 0 : i32
          %dma_start3A_1610 = tpu.memref_slice %arg4[%multiple_of3A_1590, %dma_start3A_1609] : memref<100000x64xf32, #tpu.memory_space<hbm>> -> memref<8x64xf32, #tpu.memory_space<hbm>>
          tpu.enqueue_dma source(%dma_start3A_1610 : memref<8x64xf32, #tpu.memory_space<hbm>>) target(%dma_start3A_1608 : memref<8x64xf32, #tpu.memory_space<vmem>>) target_semaphore(%arg17 : memref<!tpu.dma_semaphore, #tpu.memory_space<semaphore_mem>>)
          %slice3A_1611 = vector.extract_strided_slice %get3A_1190 {offsets = [6], sizes = [1], strides = [1]} : vector<16xi32> to vector<1xi32>
          %squeeze3A_1612 = vector.extract %slice3A_1611[0] : i32 from vector<1xi32>
          %jit3A_1613 = arith.constant 8 : i32
          %eq3A_1614 = arith.constant 0 : i32
          %eq3A_1615 = arith.cmpi eq, %jit3A_1613, %eq3A_1614 : i32
          %jit3A_1616 = arith.constant 1 : i32
          %select_n3A_1617 = arith.select %eq3A_1615, %jit3A_1616, %jit3A_1613 : i32
          %rem3A_1618 = arith.remsi %squeeze3A_1612, %select_n3A_1617 : i32
          %ne3A_1619 = arith.constant 0 : i32
          %ne3A_1620 = arith.cmpi ne, %rem3A_1618, %ne3A_1619 : i32
          %lt3A_1621 = arith.constant 0 : i32
          %lt3A_1622 = arith.cmpi slt, %rem3A_1618, %lt3A_1621 : i32
          %lt3A_1623 = arith.constant 0 : i32
          %lt3A_1624 = arith.cmpi slt, %select_n3A_1617, %lt3A_1623 : i32
          %ne3A_1625 = arith.xori %lt3A_1622, %lt3A_1624 : i1
          %and3A_1626 = arith.andi %ne3A_1625, %ne3A_1620 : i1
          %add3A_1627 = arith.addi %rem3A_1618, %select_n3A_1617 : i32
          %select_n3A_1628 = arith.select %and3A_1626, %add3A_1627, %rem3A_1618 : i32
          %swap3A_1629 = arith.constant 0 : i32
          %swap3A_1630 = arith.constant 6 : i32
          %swap3A_1631 = arith.index_cast %swap3A_1629 : i32 to index
          %swap3A_1632 = arith.index_cast %swap3A_1630 : i32 to index
          %swap3A_1633 = memref.load %arg14[%swap3A_1631, %swap3A_1632] : memref<2x8xi32, #tpu.memory_space<smem>>
          memref.store %select_n3A_1628, %arg14[%swap3A_1631, %swap3A_1632] : memref<2x8xi32, #tpu.memory_space<smem>>
          %jit3A_1634 = arith.constant 8 : i32
          %div3A_1635 = arith.divsi %squeeze3A_1612, %jit3A_1634 : i32
          %sign3A_1636 = arith.constant 0 : i32
          %sign3A_1637 = arith.cmpi sgt, %squeeze3A_1612, %sign3A_1636 : i32
          %sign3A_1638 = arith.extui %sign3A_1637 : i1 to i32
          %sign3A_1639 = arith.constant 0 : i32
          %sign3A_1640 = arith.cmpi slt, %squeeze3A_1612, %sign3A_1639 : i32
          %sign3A_1641 = arith.extui %sign3A_1640 : i1 to i32
          %sign3A_1642 = arith.subi %sign3A_1638, %sign3A_1641 : i32
          %sign3A_1643 = arith.constant 0 : i32
          %sign3A_1644 = arith.cmpi sgt, %jit3A_1634, %sign3A_1643 : i32
          %sign3A_1645 = arith.extui %sign3A_1644 : i1 to i32
          %sign3A_1646 = arith.constant 0 : i32
          %sign3A_1647 = arith.cmpi slt, %jit3A_1634, %sign3A_1646 : i32
          %sign3A_1648 = arith.extui %sign3A_1647 : i1 to i32
          %sign3A_1649 = arith.subi %sign3A_1645, %sign3A_1648 : i32
          %ne3A_1650 = arith.cmpi ne, %sign3A_1642, %sign3A_1649 : i32
          %rem3A_1651 = arith.remsi %squeeze3A_1612, %jit3A_1634 : i32
          %ne3A_1652 = arith.constant 0 : i32
          %ne3A_1653 = arith.cmpi ne, %rem3A_1651, %ne3A_1652 : i32
          %and3A_1654 = arith.andi %ne3A_1650, %ne3A_1653 : i1
          %sub3A_1655 = arith.constant 1 : i32
          %sub3A_1656 = arith.subi %div3A_1635, %sub3A_1655 : i32
          %select_n3A_1657 = arith.select %and3A_1654, %sub3A_1656, %div3A_1635 : i32
          %mul3A_1658 = arith.constant 8 : i32
          %mul3A_1659 = arith.muli %select_n3A_1657, %mul3A_1658 : i32
          %multiple_of3A_1660 = tpu.assume_multiple %mul3A_1659, 8 : i32
          %dma_start3A_1661 = arith.constant 48 : i32
          %dma_start3A_1662 = arith.constant 0 : i32
          %dma_start3A_1663 = tpu.memref_slice %arg9[%dma_start3A_1661, %dma_start3A_1662] : memref<64x300xf32, #tpu.memory_space<vmem>> -> memref<8x300xf32, #tpu.memory_space<vmem>>
          %dma_start3A_1664 = arith.constant 0 : i32
          %dma_start3A_1665 = tpu.memref_slice %arg3[%multiple_of3A_1660, %dma_start3A_1664] : memref<100000x300xf32, #tpu.memory_space<hbm>> -> memref<8x300xf32, #tpu.memory_space<hbm>>
          %dma_start3A_1666 = arith.constant 48 : i32
          %dma_start3A_1667 = arith.constant 0 : i32
          %dma_start3A_1668 = tpu.memref_slice %arg9[%dma_start3A_1666, %dma_start3A_1667] : memref<64x300xf32, #tpu.memory_space<vmem>> -> memref<8x300xf32, #tpu.memory_space<vmem>>
          %dma_start3A_1669 = arith.constant 0 : i32
          %dma_start3A_1670 = tpu.memref_slice %arg3[%multiple_of3A_1660, %dma_start3A_1669] : memref<100000x300xf32, #tpu.memory_space<hbm>> -> memref<8x300xf32, #tpu.memory_space<hbm>>
          tpu.enqueue_dma source(%dma_start3A_1670 : memref<8x300xf32, #tpu.memory_space<hbm>>) target(%dma_start3A_1668 : memref<8x300xf32, #tpu.memory_space<vmem>>) target_semaphore(%arg15 : memref<!tpu.dma_semaphore, #tpu.memory_space<semaphore_mem>>)
          %dma_start3A_1671 = arith.constant 48 : i32
          %dma_start3A_1672 = arith.constant 0 : i32
          %dma_start3A_1673 = tpu.memref_slice %arg11[%dma_start3A_1671, %dma_start3A_1672] : memref<64x64xf32, #tpu.memory_space<vmem>> -> memref<8x64xf32, #tpu.memory_space<vmem>>
          %dma_start3A_1674 = arith.constant 0 : i32
          %dma_start3A_1675 = tpu.memref_slice %arg4[%multiple_of3A_1660, %dma_start3A_1674] : memref<100000x64xf32, #tpu.memory_space<hbm>> -> memref<8x64xf32, #tpu.memory_space<hbm>>
          %dma_start3A_1676 = arith.constant 48 : i32
          %dma_start3A_1677 = arith.constant 0 : i32
          %dma_start3A_1678 = tpu.memref_slice %arg11[%dma_start3A_1676, %dma_start3A_1677] : memref<64x64xf32, #tpu.memory_space<vmem>> -> memref<8x64xf32, #tpu.memory_space<vmem>>
          %dma_start3A_1679 = arith.constant 0 : i32
          %dma_start3A_1680 = tpu.memref_slice %arg4[%multiple_of3A_1660, %dma_start3A_1679] : memref<100000x64xf32, #tpu.memory_space<hbm>> -> memref<8x64xf32, #tpu.memory_space<hbm>>
          tpu.enqueue_dma source(%dma_start3A_1680 : memref<8x64xf32, #tpu.memory_space<hbm>>) target(%dma_start3A_1678 : memref<8x64xf32, #tpu.memory_space<vmem>>) target_semaphore(%arg17 : memref<!tpu.dma_semaphore, #tpu.memory_space<semaphore_mem>>)
          %slice3A_1681 = vector.extract_strided_slice %get3A_1190 {offsets = [7], sizes = [1], strides = [1]} : vector<16xi32> to vector<1xi32>
          %squeeze3A_1682 = vector.extract %slice3A_1681[0] : i32 from vector<1xi32>
          %jit3A_1683 = arith.constant 8 : i32
          %eq3A_1684 = arith.constant 0 : i32
          %eq3A_1685 = arith.cmpi eq, %jit3A_1683, %eq3A_1684 : i32
          %jit3A_1686 = arith.constant 1 : i32
          %select_n3A_1687 = arith.select %eq3A_1685, %jit3A_1686, %jit3A_1683 : i32
          %rem3A_1688 = arith.remsi %squeeze3A_1682, %select_n3A_1687 : i32
          %ne3A_1689 = arith.constant 0 : i32
          %ne3A_1690 = arith.cmpi ne, %rem3A_1688, %ne3A_1689 : i32
          %lt3A_1691 = arith.constant 0 : i32
          %lt3A_1692 = arith.cmpi slt, %rem3A_1688, %lt3A_1691 : i32
          %lt3A_1693 = arith.constant 0 : i32
          %lt3A_1694 = arith.cmpi slt, %select_n3A_1687, %lt3A_1693 : i32
          %ne3A_1695 = arith.xori %lt3A_1692, %lt3A_1694 : i1
          %and3A_1696 = arith.andi %ne3A_1695, %ne3A_1690 : i1
          %add3A_1697 = arith.addi %rem3A_1688, %select_n3A_1687 : i32
          %select_n3A_1698 = arith.select %and3A_1696, %add3A_1697, %rem3A_1688 : i32
          %swap3A_1699 = arith.constant 0 : i32
          %swap3A_1700 = arith.constant 7 : i32
          %swap3A_1701 = arith.index_cast %swap3A_1699 : i32 to index
          %swap3A_1702 = arith.index_cast %swap3A_1700 : i32 to index
          %swap3A_1703 = memref.load %arg14[%swap3A_1701, %swap3A_1702] : memref<2x8xi32, #tpu.memory_space<smem>>
          memref.store %select_n3A_1698, %arg14[%swap3A_1701, %swap3A_1702] : memref<2x8xi32, #tpu.memory_space<smem>>
          %jit3A_1704 = arith.constant 8 : i32
          %div3A_1705 = arith.divsi %squeeze3A_1682, %jit3A_1704 : i32
          %sign3A_1706 = arith.constant 0 : i32
          %sign3A_1707 = arith.cmpi sgt, %squeeze3A_1682, %sign3A_1706 : i32
          %sign3A_1708 = arith.extui %sign3A_1707 : i1 to i32
          %sign3A_1709 = arith.constant 0 : i32
          %sign3A_1710 = arith.cmpi slt, %squeeze3A_1682, %sign3A_1709 : i32
          %sign3A_1711 = arith.extui %sign3A_1710 : i1 to i32
          %sign3A_1712 = arith.subi %sign3A_1708, %sign3A_1711 : i32
          %sign3A_1713 = arith.constant 0 : i32
          %sign3A_1714 = arith.cmpi sgt, %jit3A_1704, %sign3A_1713 : i32
          %sign3A_1715 = arith.extui %sign3A_1714 : i1 to i32
          %sign3A_1716 = arith.constant 0 : i32
          %sign3A_1717 = arith.cmpi slt, %jit3A_1704, %sign3A_1716 : i32
          %sign3A_1718 = arith.extui %sign3A_1717 : i1 to i32
          %sign3A_1719 = arith.subi %sign3A_1715, %sign3A_1718 : i32
          %ne3A_1720 = arith.cmpi ne, %sign3A_1712, %sign3A_1719 : i32
          %rem3A_1721 = arith.remsi %squeeze3A_1682, %jit3A_1704 : i32
          %ne3A_1722 = arith.constant 0 : i32
          %ne3A_1723 = arith.cmpi ne, %rem3A_1721, %ne3A_1722 : i32
          %and3A_1724 = arith.andi %ne3A_1720, %ne3A_1723 : i1
          %sub3A_1725 = arith.constant 1 : i32
          %sub3A_1726 = arith.subi %div3A_1705, %sub3A_1725 : i32
          %select_n3A_1727 = arith.select %and3A_1724, %sub3A_1726, %div3A_1705 : i32
          %mul3A_1728 = arith.constant 8 : i32
          %mul3A_1729 = arith.muli %select_n3A_1727, %mul3A_1728 : i32
          %multiple_of3A_1730 = tpu.assume_multiple %mul3A_1729, 8 : i32
          %dma_start3A_1731 = arith.constant 56 : i32
          %dma_start3A_1732 = arith.constant 0 : i32
          %dma_start3A_1733 = tpu.memref_slice %arg9[%dma_start3A_1731, %dma_start3A_1732] : memref<64x300xf32, #tpu.memory_space<vmem>> -> memref<8x300xf32, #tpu.memory_space<vmem>>
          %dma_start3A_1734 = arith.constant 0 : i32
          %dma_start3A_1735 = tpu.memref_slice %arg3[%multiple_of3A_1730, %dma_start3A_1734] : memref<100000x300xf32, #tpu.memory_space<hbm>> -> memref<8x300xf32, #tpu.memory_space<hbm>>
          %dma_start3A_1736 = arith.constant 56 : i32
          %dma_start3A_1737 = arith.constant 0 : i32
          %dma_start3A_1738 = tpu.memref_slice %arg9[%dma_start3A_1736, %dma_start3A_1737] : memref<64x300xf32, #tpu.memory_space<vmem>> -> memref<8x300xf32, #tpu.memory_space<vmem>>
          %dma_start3A_1739 = arith.constant 0 : i32
          %dma_start3A_1740 = tpu.memref_slice %arg3[%multiple_of3A_1730, %dma_start3A_1739] : memref<100000x300xf32, #tpu.memory_space<hbm>> -> memref<8x300xf32, #tpu.memory_space<hbm>>
          tpu.enqueue_dma source(%dma_start3A_1740 : memref<8x300xf32, #tpu.memory_space<hbm>>) target(%dma_start3A_1738 : memref<8x300xf32, #tpu.memory_space<vmem>>) target_semaphore(%arg15 : memref<!tpu.dma_semaphore, #tpu.memory_space<semaphore_mem>>)
          %dma_start3A_1741 = arith.constant 56 : i32
          %dma_start3A_1742 = arith.constant 0 : i32
          %dma_start3A_1743 = tpu.memref_slice %arg11[%dma_start3A_1741, %dma_start3A_1742] : memref<64x64xf32, #tpu.memory_space<vmem>> -> memref<8x64xf32, #tpu.memory_space<vmem>>
          %dma_start3A_1744 = arith.constant 0 : i32
          %dma_start3A_1745 = tpu.memref_slice %arg4[%multiple_of3A_1730, %dma_start3A_1744] : memref<100000x64xf32, #tpu.memory_space<hbm>> -> memref<8x64xf32, #tpu.memory_space<hbm>>
          %dma_start3A_1746 = arith.constant 56 : i32
          %dma_start3A_1747 = arith.constant 0 : i32
          %dma_start3A_1748 = tpu.memref_slice %arg11[%dma_start3A_1746, %dma_start3A_1747] : memref<64x64xf32, #tpu.memory_space<vmem>> -> memref<8x64xf32, #tpu.memory_space<vmem>>
          %dma_start3A_1749 = arith.constant 0 : i32
          %dma_start3A_1750 = tpu.memref_slice %arg4[%multiple_of3A_1730, %dma_start3A_1749] : memref<100000x64xf32, #tpu.memory_space<hbm>> -> memref<8x64xf32, #tpu.memory_space<hbm>>
          tpu.enqueue_dma source(%dma_start3A_1750 : memref<8x64xf32, #tpu.memory_space<hbm>>) target(%dma_start3A_1748 : memref<8x64xf32, #tpu.memory_space<vmem>>) target_semaphore(%arg17 : memref<!tpu.dma_semaphore, #tpu.memory_space<semaphore_mem>>)
        } else {
        }
        %add3A_1178 = arith.constant 1 : i32
        %add3A_1179 = arith.addi %add3A_578, %add3A_1178 : i32
        %scan3A_1180 = arith.constant 0 : i32
        %scan3A_1181 = arith.constant 8 : i32
        %scan3A_1182 = arith.addi %scan3A_1180, %scan3A_1181 : i32
        %scan3A_1183 = arith.constant 1 : i32
        scf.for %scan3A_1185 = %scan3A_1180 to %scan3A_1182 step %scan3A_1183  : i32 {
          %mul3A_1186 = arith.constant 1 : i32
          %mul3A_1187 = arith.muli %scan3A_1185, %mul3A_1186 : i32
          %add3A_1188 = arith.constant 0 : i32
          %add3A_1189 = arith.addi %add3A_1188, %mul3A_1187 : i32
          %mul3A_1190 = arith.constant 8 : i32
          %mul3A_1191 = arith.muli %add3A_1189, %mul3A_1190 : i32
          %get3A_1192 = arith.constant 1 : i32
          %get3A_1193 = arith.index_cast %get3A_1192 : i32 to index
          %get3A_1194 = arith.index_cast %add3A_1189 : i32 to index
          %get3A_1195 = memref.load %arg14[%get3A_1193, %get3A_1194] : memref<2x8xi32, #tpu.memory_space<smem>>
          %add3A_1196 = arith.addi %mul3A_1191, %get3A_1195 : i32
          %jit3A_1197 = arith.constant 8 : i32
          %eq3A_1198 = arith.constant 0 : i32
          %eq3A_1199 = arith.cmpi eq, %jit3A_1197, %eq3A_1198 : i32
          %jit3A_1200 = arith.constant 1 : i32
          %select_n3A_1201 = arith.select %eq3A_1199, %jit3A_1200, %jit3A_1197 : i32
          %rem3A_1202 = arith.remsi %add3A_1179, %select_n3A_1201 : i32
          %ne3A_1203 = arith.constant 0 : i32
          %ne3A_1204 = arith.cmpi ne, %rem3A_1202, %ne3A_1203 : i32
          %lt3A_1205 = arith.constant 0 : i32
          %lt3A_1206 = arith.cmpi slt, %rem3A_1202, %lt3A_1205 : i32
          %lt3A_1207 = arith.constant 0 : i32
          %lt3A_1208 = arith.cmpi slt, %select_n3A_1201, %lt3A_1207 : i32
          %ne3A_1209 = arith.xori %lt3A_1206, %lt3A_1208 : i1
          %and3A_1210 = arith.andi %ne3A_1209, %ne3A_1204 : i1
          %add3A_1211 = arith.addi %rem3A_1202, %select_n3A_1201 : i32
          %select_n3A_1212 = arith.select %and3A_1210, %add3A_1211, %rem3A_1202 : i32
          %mul3A_1213 = arith.constant 8 : i32
          %mul3A_1214 = arith.muli %select_n3A_1212, %mul3A_1213 : i32
          %add3A_1215 = arith.addi %mul3A_1214, %add3A_1189 : i32
          %get3A_1216 = arith.index_cast %add3A_1196 : i32 to index
          %get3A_1217 = arith.constant 0 : index
          %get3A_1218 = tpu.vector_load %arg10[%get3A_1216, %get3A_1217] {strides = array<i32>} : memref<64x300xf32, #tpu.memory_space<vmem>>, vector<16xf32>,
          %swap3A_1219 = arith.index_cast %add3A_1215 : i32 to index
          %swap3A_1220 = arith.constant 0 : index
          %swap3A_1221 = tpu.vector_load %arg13[%swap3A_1219, %swap3A_1220] {strides = array<i32>} : memref<64x396xf32, #tpu.memory_space<vmem>>, vector<16xf32>,
          tpu.vector_store %arg13[%swap3A_1219, %swap3A_1220], %get3A_1218 {strides = array<i32>} : memref<64x396xf32, #tpu.memory_space<vmem>>, vector<16xf32>,
          %get3A_1222 = arith.index_cast %add3A_1196 : i32 to index
          %get3A_1223 = arith.constant 16 : index
          %get3A_1224 = tpu.vector_load %arg10[%get3A_1222, %get3A_1223] {strides = array<i32>} : memref<64x300xf32, #tpu.memory_space<vmem>>, vector<16xf32>,
          %swap3A_1225 = arith.index_cast %add3A_1215 : i32 to index
          %swap3A_1226 = arith.constant 16 : index
          %swap3A_1227 = tpu.vector_load %arg13[%swap3A_1225, %swap3A_1226] {strides = array<i32>} : memref<64x396xf32, #tpu.memory_space<vmem>>, vector<16xf32>,
          tpu.vector_store %arg13[%swap3A_1225, %swap3A_1226], %get3A_1224 {strides = array<i32>} : memref<64x396xf32, #tpu.memory_space<vmem>>, vector<16xf32>,
          %get3A_1228 = arith.index_cast %add3A_1196 : i32 to index
          %get3A_1229 = arith.constant 32 : index
          %get3A_1230 = tpu.vector_load %arg10[%get3A_1228, %get3A_1229] {strides = array<i32>} : memref<64x300xf32, #tpu.memory_space<vmem>>, vector<16xf32>,
          %swap3A_1231 = arith.index_cast %add3A_1215 : i32 to index
          %swap3A_1232 = arith.constant 32 : index
          %swap3A_1233 = tpu.vector_load %arg13[%swap3A_1231, %swap3A_1232] {strides = array<i32>} : memref<64x396xf32, #tpu.memory_space<vmem>>, vector<16xf32>,
          tpu.vector_store %arg13[%swap3A_1231, %swap3A_1232], %get3A_1230 {strides = array<i32>} : memref<64x396xf32, #tpu.memory_space<vmem>>, vector<16xf32>,
          %get3A_1234 = arith.index_cast %add3A_1196 : i32 to index
          %get3A_1235 = arith.constant 48 : index
          %get3A_1236 = tpu.vector_load %arg10[%get3A_1234, %get3A_1235] {strides = array<i32>} : memref<64x300xf32, #tpu.memory_space<vmem>>, vector<16xf32>,
          %swap3A_1237 = arith.index_cast %add3A_1215 : i32 to index
          %swap3A_1238 = arith.constant 48 : index
          %swap3A_1239 = tpu.vector_load %arg13[%swap3A_1237, %swap3A_1238] {strides = array<i32>} : memref<64x396xf32, #tpu.memory_space<vmem>>, vector<16xf32>,
          tpu.vector_store %arg13[%swap3A_1237, %swap3A_1238], %get3A_1236 {strides = array<i32>} : memref<64x396xf32, #tpu.memory_space<vmem>>, vector<16xf32>,
          %get3A_1240 = arith.index_cast %add3A_1196 : i32 to index
          %get3A_1241 = arith.constant 64 : index
          %get3A_1242 = tpu.vector_load %arg10[%get3A_1240, %get3A_1241] {strides = array<i32>} : memref<64x300xf32, #tpu.memory_space<vmem>>, vector<16xf32>,
          %swap3A_1243 = arith.index_cast %add3A_1215 : i32 to index
          %swap3A_1244 = arith.constant 64 : index
          %swap3A_1245 = tpu.vector_load %arg13[%swap3A_1243, %swap3A_1244] {strides = array<i32>} : memref<64x396xf32, #tpu.memory_space<vmem>>, vector<16xf32>,
          tpu.vector_store %arg13[%swap3A_1243, %swap3A_1244], %get3A_1242 {strides = array<i32>} : memref<64x396xf32, #tpu.memory_space<vmem>>, vector<16xf32>,
          %get3A_1246 = arith.index_cast %add3A_1196 : i32 to index
          %get3A_1247 = arith.constant 80 : index
          %get3A_1248 = tpu.vector_load %arg10[%get3A_1246, %get3A_1247] {strides = array<i32>} : memref<64x300xf32, #tpu.memory_space<vmem>>, vector<16xf32>,
          %swap3A_1249 = arith.index_cast %add3A_1215 : i32 to index
          %swap3A_1250 = arith.constant 80 : index
          %swap3A_1251 = tpu.vector_load %arg13[%swap3A_1249, %swap3A_1250] {strides = array<i32>} : memref<64x396xf32, #tpu.memory_space<vmem>>, vector<16xf32>,
          tpu.vector_store %arg13[%swap3A_1249, %swap3A_1250], %get3A_1248 {strides = array<i32>} : memref<64x396xf32, #tpu.memory_space<vmem>>, vector<16xf32>,
          %get3A_1252 = arith.index_cast %add3A_1196 : i32 to index
          %get3A_1253 = arith.constant 96 : index
          %get3A_1254 = tpu.vector_load %arg10[%get3A_1252, %get3A_1253] {strides = array<i32>} : memref<64x300xf32, #tpu.memory_space<vmem>>, vector<16xf32>,
          %swap3A_1255 = arith.index_cast %add3A_1215 : i32 to index
          %swap3A_1256 = arith.constant 96 : index
          %swap3A_1257 = tpu.vector_load %arg13[%swap3A_1255, %swap3A_1256] {strides = array<i32>} : memref<64x396xf32, #tpu.memory_space<vmem>>, vector<16xf32>,
          tpu.vector_store %arg13[%swap3A_1255, %swap3A_1256], %get3A_1254 {strides = array<i32>} : memref<64x396xf32, #tpu.memory_space<vmem>>, vector<16xf32>,
          %get3A_1258 = arith.index_cast %add3A_1196 : i32 to index
          %get3A_1259 = arith.constant 112 : index
          %get3A_1260 = tpu.vector_load %arg10[%get3A_1258, %get3A_1259] {strides = array<i32>} : memref<64x300xf32, #tpu.memory_space<vmem>>, vector<16xf32>,
          %swap3A_1261 = arith.index_cast %add3A_1215 : i32 to index
          %swap3A_1262 = arith.constant 112 : index
          %swap3A_1263 = tpu.vector_load %arg13[%swap3A_1261, %swap3A_1262] {strides = array<i32>} : memref<64x396xf32, #tpu.memory_space<vmem>>, vector<16xf32>,
          tpu.vector_store %arg13[%swap3A_1261, %swap3A_1262], %get3A_1260 {strides = array<i32>} : memref<64x396xf32, #tpu.memory_space<vmem>>, vector<16xf32>,
          %get3A_1264 = arith.index_cast %add3A_1196 : i32 to index
          %get3A_1265 = arith.constant 128 : index
          %get3A_1266 = tpu.vector_load %arg10[%get3A_1264, %get3A_1265] {strides = array<i32>} : memref<64x300xf32, #tpu.memory_space<vmem>>, vector<16xf32>,
          %swap3A_1267 = arith.index_cast %add3A_1215 : i32 to index
          %swap3A_1268 = arith.constant 128 : index
          %swap3A_1269 = tpu.vector_load %arg13[%swap3A_1267, %swap3A_1268] {strides = array<i32>} : memref<64x396xf32, #tpu.memory_space<vmem>>, vector<16xf32>,
          tpu.vector_store %arg13[%swap3A_1267, %swap3A_1268], %get3A_1266 {strides = array<i32>} : memref<64x396xf32, #tpu.memory_space<vmem>>, vector<16xf32>,
          %get3A_1270 = arith.index_cast %add3A_1196 : i32 to index
          %get3A_1271 = arith.constant 144 : index
          %get3A_1272 = tpu.vector_load %arg10[%get3A_1270, %get3A_1271] {strides = array<i32>} : memref<64x300xf32, #tpu.memory_space<vmem>>, vector<16xf32>,
          %swap3A_1273 = arith.index_cast %add3A_1215 : i32 to index
          %swap3A_1274 = arith.constant 144 : index
          %swap3A_1275 = tpu.vector_load %arg13[%swap3A_1273, %swap3A_1274] {strides = array<i32>} : memref<64x396xf32, #tpu.memory_space<vmem>>, vector<16xf32>,
          tpu.vector_store %arg13[%swap3A_1273, %swap3A_1274], %get3A_1272 {strides = array<i32>} : memref<64x396xf32, #tpu.memory_space<vmem>>, vector<16xf32>,
          %get3A_1276 = arith.index_cast %add3A_1196 : i32 to index
          %get3A_1277 = arith.constant 160 : index
          %get3A_1278 = tpu.vector_load %arg10[%get3A_1276, %get3A_1277] {strides = array<i32>} : memref<64x300xf32, #tpu.memory_space<vmem>>, vector<16xf32>,
          %swap3A_1279 = arith.index_cast %add3A_1215 : i32 to index
          %swap3A_1280 = arith.constant 160 : index
          %swap3A_1281 = tpu.vector_load %arg13[%swap3A_1279, %swap3A_1280] {strides = array<i32>} : memref<64x396xf32, #tpu.memory_space<vmem>>, vector<16xf32>,
          tpu.vector_store %arg13[%swap3A_1279, %swap3A_1280], %get3A_1278 {strides = array<i32>} : memref<64x396xf32, #tpu.memory_space<vmem>>, vector<16xf32>,
          %get3A_1282 = arith.index_cast %add3A_1196 : i32 to index
          %get3A_1283 = arith.constant 176 : index
          %get3A_1284 = tpu.vector_load %arg10[%get3A_1282, %get3A_1283] {strides = array<i32>} : memref<64x300xf32, #tpu.memory_space<vmem>>, vector<16xf32>,
          %swap3A_1285 = arith.index_cast %add3A_1215 : i32 to index
          %swap3A_1286 = arith.constant 176 : index
          %swap3A_1287 = tpu.vector_load %arg13[%swap3A_1285, %swap3A_1286] {strides = array<i32>} : memref<64x396xf32, #tpu.memory_space<vmem>>, vector<16xf32>,
          tpu.vector_store %arg13[%swap3A_1285, %swap3A_1286], %get3A_1284 {strides = array<i32>} : memref<64x396xf32, #tpu.memory_space<vmem>>, vector<16xf32>,
          %get3A_1288 = arith.index_cast %add3A_1196 : i32 to index
          %get3A_1289 = arith.constant 192 : index
          %get3A_1290 = tpu.vector_load %arg10[%get3A_1288, %get3A_1289] {strides = array<i32>} : memref<64x300xf32, #tpu.memory_space<vmem>>, vector<16xf32>,
          %swap3A_1291 = arith.index_cast %add3A_1215 : i32 to index
          %swap3A_1292 = arith.constant 192 : index
          %swap3A_1293 = tpu.vector_load %arg13[%swap3A_1291, %swap3A_1292] {strides = array<i32>} : memref<64x396xf32, #tpu.memory_space<vmem>>, vector<16xf32>,
          tpu.vector_store %arg13[%swap3A_1291, %swap3A_1292], %get3A_1290 {strides = array<i32>} : memref<64x396xf32, #tpu.memory_space<vmem>>, vector<16xf32>,
          %get3A_1294 = arith.index_cast %add3A_1196 : i32 to index
          %get3A_1295 = arith.constant 208 : index
          %get3A_1296 = tpu.vector_load %arg10[%get3A_1294, %get3A_1295] {strides = array<i32>} : memref<64x300xf32, #tpu.memory_space<vmem>>, vector<16xf32>,
          %swap3A_1297 = arith.index_cast %add3A_1215 : i32 to index
          %swap3A_1298 = arith.constant 208 : index
          %swap3A_1299 = tpu.vector_load %arg13[%swap3A_1297, %swap3A_1298] {strides = array<i32>} : memref<64x396xf32, #tpu.memory_space<vmem>>, vector<16xf32>,
          tpu.vector_store %arg13[%swap3A_1297, %swap3A_1298], %get3A_1296 {strides = array<i32>} : memref<64x396xf32, #tpu.memory_space<vmem>>, vector<16xf32>,
          %get3A_1300 = arith.index_cast %add3A_1196 : i32 to index
          %get3A_1301 = arith.constant 224 : index
          %get3A_1302 = tpu.vector_load %arg10[%get3A_1300, %get3A_1301] {strides = array<i32>} : memref<64x300xf32, #tpu.memory_space<vmem>>, vector<16xf32>,
          %swap3A_1303 = arith.index_cast %add3A_1215 : i32 to index
          %swap3A_1304 = arith.constant 224 : index
          %swap3A_1305 = tpu.vector_load %arg13[%swap3A_1303, %swap3A_1304] {strides = array<i32>} : memref<64x396xf32, #tpu.memory_space<vmem>>, vector<16xf32>,
          tpu.vector_store %arg13[%swap3A_1303, %swap3A_1304], %get3A_1302 {strides = array<i32>} : memref<64x396xf32, #tpu.memory_space<vmem>>, vector<16xf32>,
          %get3A_1306 = arith.index_cast %add3A_1196 : i32 to index
          %get3A_1307 = arith.constant 240 : index
          %get3A_1308 = tpu.vector_load %arg10[%get3A_1306, %get3A_1307] {strides = array<i32>} : memref<64x300xf32, #tpu.memory_space<vmem>>, vector<16xf32>,
          %swap3A_1309 = arith.index_cast %add3A_1215 : i32 to index
          %swap3A_1310 = arith.constant 240 : index
          %swap3A_1311 = tpu.vector_load %arg13[%swap3A_1309, %swap3A_1310] {strides = array<i32>} : memref<64x396xf32, #tpu.memory_space<vmem>>, vector<16xf32>,
          tpu.vector_store %arg13[%swap3A_1309, %swap3A_1310], %get3A_1308 {strides = array<i32>} : memref<64x396xf32, #tpu.memory_space<vmem>>, vector<16xf32>,
          %get3A_1312 = arith.index_cast %add3A_1196 : i32 to index
          %get3A_1313 = arith.constant 256 : index
          %get3A_1314 = tpu.vector_load %arg10[%get3A_1312, %get3A_1313] {strides = array<i32>} : memref<64x300xf32, #tpu.memory_space<vmem>>, vector<16xf32>,
          %swap3A_1315 = arith.index_cast %add3A_1215 : i32 to index
          %swap3A_1316 = arith.constant 256 : index
          %swap3A_1317 = tpu.vector_load %arg13[%swap3A_1315, %swap3A_1316] {strides = array<i32>} : memref<64x396xf32, #tpu.memory_space<vmem>>, vector<16xf32>,
          tpu.vector_store %arg13[%swap3A_1315, %swap3A_1316], %get3A_1314 {strides = array<i32>} : memref<64x396xf32, #tpu.memory_space<vmem>>, vector<16xf32>,
          %get3A_1318 = arith.index_cast %add3A_1196 : i32 to index
          %get3A_1319 = arith.constant 272 : index
          %get3A_1320 = tpu.vector_load %arg10[%get3A_1318, %get3A_1319] {strides = array<i32>} : memref<64x300xf32, #tpu.memory_space<vmem>>, vector<16xf32>,
          %swap3A_1321 = arith.index_cast %add3A_1215 : i32 to index
          %swap3A_1322 = arith.constant 272 : index
          %swap3A_1323 = tpu.vector_load %arg13[%swap3A_1321, %swap3A_1322] {strides = array<i32>} : memref<64x396xf32, #tpu.memory_space<vmem>>, vector<16xf32>,
          tpu.vector_store %arg13[%swap3A_1321, %swap3A_1322], %get3A_1320 {strides = array<i32>} : memref<64x396xf32, #tpu.memory_space<vmem>>, vector<16xf32>,
          %broadcast_in_dim3A = vector.broadcast %add3A_1215 : i32 to vector<16xi32>
          %broadcast_in_dim3A_1324 = vector.broadcast %add3A_1196 : i32 to vector<16xi32>
          %add3A_1325 = arith.constant 284 : i32
          %add3A_1326 = vector.broadcast %add3A_1325 : i32 to vector<16xi32>
          %add3A_1327 = arith.addi %add3A_1326, %iota3A : vector<16xi32>
          %gather3A = tpu.vector_load_idx %arg10[%broadcast_in_dim3A_1324, %add3A_1327] : memref<64x300xf32, #tpu.memory_space<vmem>>[vector<16xi32>, vector<16xi32>], vector<16xf32>,
          %add3A_1328 = arith.constant 284 : i32
          %add3A_1329 = vector.broadcast %add3A_1328 : i32 to vector<16xi32>
          %add3A_1330 = arith.addi %add3A_1329, %iota3A : vector<16xi32>
          tpu.vector_store_idx %arg13[%broadcast_in_dim3A, %add3A_1330], %gather3A masked %ge3A_4 : memref<64x396xf32, #tpu.memory_space<vmem>>[vector<16xi32>, vector<16xi32>], vector<16xf32>, vector<16xi1>
          %get3A_1331 = arith.index_cast %add3A_1196 : i32 to index
          %get3A_1332 = arith.constant 0 : index
          %get3A_1333 = tpu.vector_load %arg12[%get3A_1331, %get3A_1332] {strides = array<i32>} : memref<64x64xf32, #tpu.memory_space<vmem>>, vector<16xf32>,
          %add3A_1334 = arith.constant 300 : i32
          %add3A_1335 = vector.broadcast %add3A_1334 : i32 to vector<16xi32>
          %add3A_1336 = arith.addi %add3A_1335, %iota3A : vector<16xi32>
          tpu.vector_store_idx %arg13[%broadcast_in_dim3A, %add3A_1336], %get3A_1333 : memref<64x396xf32, #tpu.memory_space<vmem>>[vector<16xi32>, vector<16xi32>], vector<16xf32>,
          %get3A_1337 = arith.index_cast %add3A_1196 : i32 to index
          %get3A_1338 = arith.constant 16 : index
          %get3A_1339 = tpu.vector_load %arg12[%get3A_1337, %get3A_1338] {strides = array<i32>} : memref<64x64xf32, #tpu.memory_space<vmem>>, vector<16xf32>,
          %add3A_1340 = arith.constant 316 : i32
          %add3A_1341 = vector.broadcast %add3A_1340 : i32 to vector<16xi32>
          %add3A_1342 = arith.addi %add3A_1341, %iota3A : vector<16xi32>
          tpu.vector_store_idx %arg13[%broadcast_in_dim3A, %add3A_1342], %get3A_1339 : memref<64x396xf32, #tpu.memory_space<vmem>>[vector<16xi32>, vector<16xi32>], vector<16xf32>,
          %get3A_1343 = arith.index_cast %add3A_1196 : i32 to index
          %get3A_1344 = arith.constant 32 : index
          %get3A_1345 = tpu.vector_load %arg12[%get3A_1343, %get3A_1344] {strides = array<i32>} : memref<64x64xf32, #tpu.memory_space<vmem>>, vector<16xf32>,
          %add3A_1346 = arith.constant 332 : i32
          %add3A_1347 = vector.broadcast %add3A_1346 : i32 to vector<16xi32>
          %add3A_1348 = arith.addi %add3A_1347, %iota3A : vector<16xi32>
          tpu.vector_store_idx %arg13[%broadcast_in_dim3A, %add3A_1348], %get3A_1345 : memref<64x396xf32, #tpu.memory_space<vmem>>[vector<16xi32>, vector<16xi32>], vector<16xf32>,
          %get3A_1349 = arith.index_cast %add3A_1196 : i32 to index
          %get3A_1350 = arith.constant 48 : index
          %get3A_1351 = tpu.vector_load %arg12[%get3A_1349, %get3A_1350] {strides = array<i32>} : memref<64x64xf32, #tpu.memory_space<vmem>>, vector<16xf32>,
          %add3A_1352 = arith.constant 348 : i32
          %add3A_1353 = vector.broadcast %add3A_1352 : i32 to vector<16xi32>
          %add3A_1354 = arith.addi %add3A_1353, %iota3A : vector<16xi32>
          tpu.vector_store_idx %arg13[%broadcast_in_dim3A, %add3A_1354], %get3A_1351 : memref<64x396xf32, #tpu.memory_space<vmem>>[vector<16xi32>, vector<16xi32>], vector<16xf32>,
          %jit3A_1355 = arith.constant 8 : i32
          %eq3A_1356 = arith.constant 0 : i32
          %eq3A_1357 = arith.cmpi eq, %jit3A_1355, %eq3A_1356 : i32
          %jit3A_1358 = arith.constant 1 : i32
          %select_n3A_1359 = arith.select %eq3A_1357, %jit3A_1358, %jit3A_1355 : i32
          %rem3A_1360 = arith.remsi %add3A_1179, %select_n3A_1359 : i32
          %ne3A_1361 = arith.constant 0 : i32
          %ne3A_1362 = arith.cmpi ne, %rem3A_1360, %ne3A_1361 : i32
          %lt3A_1363 = arith.constant 0 : i32
          %lt3A_1364 = arith.cmpi slt, %rem3A_1360, %lt3A_1363 : i32
          %lt3A_1365 = arith.constant 0 : i32
          %lt3A_1366 = arith.cmpi slt, %select_n3A_1359, %lt3A_1365 : i32
          %ne3A_1367 = arith.xori %lt3A_1364, %lt3A_1366 : i1
          %and3A_1368 = arith.andi %ne3A_1367, %ne3A_1362 : i1
          %add3A_1369 = arith.addi %rem3A_1360, %select_n3A_1359 : i32
          %select_n3A_1370 = arith.select %and3A_1368, %add3A_1369, %rem3A_1360 : i32
          %mul3A_1371 = arith.constant 8 : i32
          %mul3A_1372 = arith.muli %select_n3A_1370, %mul3A_1371 : i32
          %add3A_1373 = arith.addi %add3A_562, %mul3A_1372 : i32
          %add3A_1374 = arith.addi %add3A_1373, %add3A_1189 : i32
          %min3A = arith.constant 100 : i32
          %min3A_1375 = arith.minsi %add3A_1374, %min3A : i32
          %broadcast_in_dim3A_1376 = vector.broadcast %min3A_1375 : i32 to vector<16xi32>
          %add3A_1377 = arith.constant 0 : i32
          %add3A_1378 = vector.broadcast %add3A_1377 : i32 to vector<16xi32>
          %add3A_1379 = arith.addi %add3A_1378, %iota3A : vector<16xi32>
          %gather3A_1380 = tpu.vector_load_idx %arg8[%broadcast_in_dim3A_1376, %add3A_1379] : memref<101x32xf32, #tpu.memory_space<vmem>>[vector<16xi32>, vector<16xi32>], vector<16xf32>,
          %add3A_1381 = arith.constant 364 : i32
          %add3A_1382 = vector.broadcast %add3A_1381 : i32 to vector<16xi32>
          %add3A_1383 = arith.addi %add3A_1382, %iota3A : vector<16xi32>
          tpu.vector_store_idx %arg13[%broadcast_in_dim3A, %add3A_1383], %gather3A_1380 : memref<64x396xf32, #tpu.memory_space<vmem>>[vector<16xi32>, vector<16xi32>], vector<16xf32>,
          %add3A_1384 = arith.constant 16 : i32
          %add3A_1385 = vector.broadcast %add3A_1384 : i32 to vector<16xi32>
          %add3A_1386 = arith.addi %add3A_1385, %iota3A : vector<16xi32>
          %gather3A_1387 = tpu.vector_load_idx %arg8[%broadcast_in_dim3A_1376, %add3A_1386] : memref<101x32xf32, #tpu.memory_space<vmem>>[vector<16xi32>, vector<16xi32>], vector<16xf32>,
          %add3A_1388 = arith.constant 380 : i32
          %add3A_1389 = vector.broadcast %add3A_1388 : i32 to vector<16xi32>
          %add3A_1390 = arith.addi %add3A_1389, %iota3A : vector<16xi32>
          tpu.vector_store_idx %arg13[%broadcast_in_dim3A, %add3A_1390], %gather3A_1387 : memref<64x396xf32, #tpu.memory_space<vmem>>[vector<16xi32>, vector<16xi32>], vector<16xf32>,
        }
        %scan3A_1184 = arith.constant 8 : i32
      }
      %scan3A_567 = arith.constant 4 : i32
      %multiple_of3A_568 = tpu.assume_multiple %add3A_562, 8 : i32
      "tpu.region"() ({
        %run_scoped3A = tpu.sem_alloc : memref<!tpu.dma_semaphore, #tpu.memory_space<semaphore_mem>>
        %dma_start3A_569 = arith.constant 0 : i32
        %dma_start3A_570 = tpu.memref_slice %arg6[%multiple_of3A_568, %dma_start3A_569] : memref<16384x396xf32, #tpu.memory_space<hbm>> -> memref<64x396xf32, #tpu.memory_space<hbm>>
        %dma_start3A_571 = arith.constant 0 : i32
        %dma_start3A_572 = tpu.memref_slice %arg6[%multiple_of3A_568, %dma_start3A_571] : memref<16384x396xf32, #tpu.memory_space<hbm>> -> memref<64x396xf32, #tpu.memory_space<hbm>>
        tpu.enqueue_dma source(%arg13 : memref<64x396xf32, #tpu.memory_space<vmem>>) target(%dma_start3A_572 : memref<64x396xf32, #tpu.memory_space<hbm>>) target_semaphore(%run_scoped3A : memref<!tpu.dma_semaphore, #tpu.memory_space<semaphore_mem>>)
        %dma_wait3A = arith.constant 0 : i32
        %dma_wait3A_573 = tpu.memref_slice %arg6[%multiple_of3A_568, %dma_wait3A] : memref<16384x396xf32, #tpu.memory_space<hbm>> -> memref<64x396xf32, #tpu.memory_space<hbm>>
        %dma_wait3A_574 = arith.constant 0 : i32
        %dma_wait3A_575 = tpu.memref_slice %arg6[%multiple_of3A_568, %dma_wait3A_574] : memref<16384x396xf32, #tpu.memory_space<hbm>> -> memref<64x396xf32, #tpu.memory_space<hbm>>
        tpu.wait_dma2 semaphore(%run_scoped3A : memref<!tpu.dma_semaphore, #tpu.memory_space<semaphore_mem>>) src(%arg13 : memref<64x396xf32, #tpu.memory_space<vmem>>) dst(%dma_wait3A_575 : memref<64x396xf32, #tpu.memory_space<hbm>>)
        tpu.yield
      }) : () -> ()
    }
    %scan3A_554 = arith.constant 8 : i32
    return
  }
}

</mosaic_0001>

<sc_bundles>
// kernel: _embed.3.cloned.1.call-start
scs
__scs_entry_jumppad:
0x0: {  	(pc) =	sbr.rel $0x88, $3  }
0x1: {  	(tag) =	ssettag $0x0;
	lr =	simm.s32 $0x1  }
0x2: {  	[smem:$0x3F9D] =	sst lr;
	_ =	strace $0xD0000000  }
0x3: {  	_ = 	snop  }
0x4: {  	_ = 	snop  }
0x5: {  	_ = 	snop  }
0x6: {  	_ = 	snop  }
0x7: {  	_ = 	snop  }
__scs_overlays_trampoline_lowered:
0x8: {  	[smem:$0x3FAC] =	sst s0  }
0x9: {  	[smem:$0x3FAD] =	sst s1  }
0xa: {  	[smem:$0x3FAE] =	sst s2  }
0xb: {  	[smem:$0x3FAF] =	sst s3  }
0xc: {  	[smem:$0x3FB0] =	sst s4  }
0xd: {  	[smem:$0x3FB1] =	sst s5  }
0xe: {  	[smem:$0x3FB2] =	sst s6  }
0xf: {  	[smem:$0x3FB3] =	sst s7  }
0x10: {  	[smem:$0x3FB4] =	sst s8  }
0x11: {  	[smem:$0x3FB5] =	sst s9;
	s0 =	simm.s32 @!p0 $0x0  }
0x12: {  	s1 =	sld [smem:$0x3F9B];
	s0 =	simm.s32 @p0 $0x1  }
0x13: {  	[smem:$0x3FB6] =	sst s0;
	s0 =	simm.s32 @!p1 $0x0  }
0x14: {  	s2 =	sld [smem:$0x3F9A];
	s0 =	simm.s32 @p1 $0x1  }
0x15: {  	[smem:$0x3FB7] =	sst s0;
	s0 =	simm.s32 @!p2 $0x0  }
0x16: {  	s3 =	sld [smem:$0x3FDB];
	s0 =	simm.s32 @p2 $0x1  }
0x17: {  	s4 =	simm.s32 $0x1BF5;
	[smem:$0x3FB9] =	sst s0  }
0x18: {  	s0 =	sld [smem:$0x3F9C];
	_ =	swait.ge [sflag:s4], $0x0  }
0x19: {  	s7 =	sld [smem:$0x3F9D]  }
0x1a: {  	s8 =	sadd.s32 $0xFFFFE003, lr  }
0x1b: {  	s9 =	sadd.s32 $0xFFFFFEF7, lr;
	s5 =	simm.s32 $0xFFFFFFFF;
	p2 =	slt.u32 s8, $0xFFFFF086  }
0x1c: {  	p1 =	slt.u32 s9, $0xF7A;
	s5 =	simm.s32 @!p2 $0x0  }
0x1d: {  	s5 =	simm.s32 @p1 $0x1;
	p0 =	seq.s32 s7, s2  }
0x1e: {  	s7 =	smul.u32 @!p0 $0xF7A, s2;
	p2 =	seq.s32 @!p0 s5, $0x0  }
0x1f: {  	s9 =	smul.u32 $0xF7A, s1;
	s8 =	simm.s32 @!p0 $0x1BF5;
	p2 =	por !p2, p0  }
0x20: {  	[sflag:s8] =	ssyncset.s32 @!p0 $0xFFFFF086;
	s6 =	sadd.s32 @!p0 s3, s7;
	s7 =	simm.s32 @!p0 $0x108  }
0x21: {  	s3 =	sadd.s32 s3, s9;
	s6 =	sadd.s32 @!p0 $0x88, s6;
	s7 =	simm.s32 @p2 $0x1082  }
0x22: {  	[simem:s7], [sflag:s8] =	dma.local @!p0 [hbm:s6], $0xF7A  }
0x23: {  	s9 =	sor.u32 $0xD0000000, s2;
	s6 =	simm.s32 $0x108;
	_ =	swait.ge @!p0 [sflag:s8], $0x0  }
0x24: {  	s3 =	sadd.s32 $0x88, s3;
	s6 =	simm.s32 @!p1 $0x1082;
	[sflag:s4] =	ssyncset.s32 $0xFFFFF086  }
0x25: {  	[simem:s6], [sflag:s4] =	dma.local [hbm:s3], $0xF7A  }
0x26: {  	[smem:$0x3F9D] =	sst s1;
	(tag) =	ssettag s2;
	_ =	strace s9  }
0x27: {  	s1 =	sld [smem:$0x3FAD]  }
0x28: {  	s2 =	sld [smem:$0x3FAE]  }
0x29: {  	s4 =	sld [smem:$0x3FB0]  }
0x2a: {  	p0 =	seq.s32 s5, $0x0;
	s5 =	sld [smem:$0x3FB1]  }
0x2b: {  	s6 =	sld [smem:$0x3FB2]  }
0x2c: {  	s7 =	sld [smem:$0x3FB3]  }
0x2d: {  	s3 =	simm.s32 $0x108;
	s8 =	sld [smem:$0x3FB4]  }
0x2e: {  	s3 =	simm.s32 @!p0 $0x1082;
	s9 =	sld [smem:$0x3FB5]  }
0x2f: {  	lr =	sadd.s32 s0, s3;
	s0 =	sld [smem:$0x3FAC]  }
0x30: {  	s3 =	sld [smem:$0x3FAF]  }
0x31: {  	[smem:$0x3FB8] =	sst s10  }
0x32: {  	s10 =	sld [smem:$0x3FB6];
	_ =	sdelay $0x3  }
0x33: {  	p0 =	seq.s32 s10, $0x1;
	s10 =	sld [smem:$0x3FB8];
	_ =	sdelay $0x3  }
0x34: {  	[smem:$0x3FB8] =	sst s10  }
0x35: {  	s10 =	sld [smem:$0x3FB7];
	_ =	sdelay $0x3  }
0x36: {  	p1 =	seq.s32 s10, $0x1;
	s10 =	sld [smem:$0x3FB8];
	_ =	sdelay $0x3  }
0x37: {  	[smem:$0x3FB8] =	sst s10  }
0x38: {  	s10 =	sld [smem:$0x3FB9]  }
0x39: {  	_ = 	snop;
	(pc) =	sbr.ind lr, $3  }
0x3a: {  	_ = 	snop  }
0x3b: {  	_ = 	snop  }
0x3c: {  	p2 =	seq.s32 s10, $0x1;
	s10 =	sld [smem:$0x3FB8]  }
0x3d: {  	_ =	shalt  }
0x3e: {  	_ =	shalt  }
0x3f: {  	_ =	shalt  }
0x40: {  	_ =	shalt  }
0x41: {  	_ =	shalt  }
0x42: {  	_ =	shalt  }
0x43: {  	_ =	shalt  }
0x44: {  	_ =	shalt  }
0x45: {  	_ =	shalt  }
0x46: {  	_ =	shalt  }
0x47: {  	_ =	shalt  }
0x48: {  	_ =	shalt  }
0x49: {  	_ =	shalt  }
0x4a: {  	_ =	shalt  }
0x4b: {  	_ =	shalt  }
0x4c: {  	_ =	shalt  }
0x4d: {  	_ =	shalt  }
0x4e: {  	_ =	shalt  }
0x4f: {  	_ =	shalt  }
0x50: {  	_ =	shalt  }
0x51: {  	_ =	shalt  }
0x52: {  	_ =	shalt  }
0x53: {  	_ =	shalt  }
0x54: {  	_ =	shalt  }
0x55: {  	_ =	shalt  }
0x56: {  	_ =	shalt  }
0x57: {  	_ =	shalt  }
0x58: {  	_ =	shalt  }
0x59: {  	_ =	shalt  }
0x5a: {  	_ =	shalt  }
0x5b: {  	_ =	shalt  }
0x5c: {  	_ =	shalt  }
0x5d: {  	_ =	shalt  }
0x5e: {  	_ =	shalt  }
0x5f: {  	_ =	shalt  }
0x60: {  	_ =	shalt  }
0x61: {  	_ =	shalt  }
0x62: {  	_ =	shalt  }
0x63: {  	_ =	shalt  }
0x64: {  	_ =	shalt  }
0x65: {  	_ =	shalt  }
0x66: {  	_ =	shalt  }
0x67: {  	_ =	shalt  }
0x68: {  	_ =	shalt  }
0x69: {  	_ =	shalt  }
0x6a: {  	_ =	shalt  }
0x6b: {  	_ =	shalt  }
0x6c: {  	_ =	shalt  }
0x6d: {  	_ =	shalt  }
0x6e: {  	_ =	shalt  }
0x6f: {  	_ =	shalt  }
0x70: {  	_ =	shalt  }
0x71: {  	_ =	shalt  }
0x72: {  	_ =	shalt  }
0x73: {  	_ =	shalt  }
0x74: {  	_ =	shalt  }
0x75: {  	_ =	shalt  }
0x76: {  	_ =	shalt  }
0x77: {  	_ =	shalt  }
0x78: {  	_ =	shalt  }
0x79: {  	_ =	shalt  }
0x7a: {  	_ =	shalt  }
0x7b: {  	_ =	shalt  }
0x7c: {  	_ =	shalt  }
0x7d: {  	_ =	shalt  }
0x7e: {  	_ =	shalt  }
0x7f: {  	_ =	shalt  }
0x80: {  	_ =	shalt  }
0x81: {  	_ =	shalt  }
0x82: {  	_ =	shalt  }
0x83: {  	_ =	shalt  }
0x84: {  	_ =	shalt  }
0x85: {  	_ =	shalt  }
0x86: {  	_ =	shalt  }
0x87: {  	_ =	shalt  }
.Lfunc_end0:
.L_simem_size_0:
called_computation_lowered:
.L_overlay_start_0:
0x88: {  	s2 =	sld [smem:$0x3FD9]  }
0x89: {  	s3 =	sld [smem:$0x3FFE];
	_ =	sdelay $0x1  }
0x8a: {  	s1 =	srdreg.scid  }
0x8b: {  	s0 =	sand.u32 $0x1, s1  }
0x8c: {  	s17 =	sshll.u32 s0, $0xA;
	s2 =	sadd.s32 s3, s2  }
0x8d: {  	s2 =	sadd.s32 s2, s17  }
0x8e: {  	[smem:$0x3FC4] =	sst s2  }
0x8f: {  	_ = 	snop  }
0x90: {  	s2 =	sld [smem:$0x3FC9]  }
0x91: {  	s18 =	sld [smem:$0x3FD0];
	(tm) =	ssettm $0x1  }
0x92: {  	s4 =	sld [smem:$0x3FFB];
	_ =	sdelay $0x3  }
0x93: {  	_ =	strace s4  }
0x94: {  	s4 =	sld [smem:$0x3FFC];
	_ =	sdelay $0x3  }
0x95: {  	_ =	strace s4  }
0x96: {  	s4 =	sld [smem:$0x3FFD];
	_ =	sdelay $0x3  }
0x97: {  	_ =	strace s4  }
0x98: {  	_ =	strace $0x8FFFFFFF  }
0x99: {  	s19 =	sld [smem:$0x3FDB];
	_ =	sdelay $0x1  }
0x9a: {  	s5 =	simm.s32 $_scs_section_size  }
0x9b: {  	s6 =	simm.s32 $_size__tile_overlayer_lowered;
	s7 =	simm.s32 $_tile_overlayer_lowered  }
0x9c: {  	s22 =	simm.s32 $0x1BFF;
	s21 =	sshll.u32 s7, $0x1;
	s4 =	sadd.s32 s5, s19  }
0x9d: {  	s8 =	simm.s32 $0x0;
	s20 =	sshll.u32 s6, $0x1;
	s6 =	sadd.s32 s21, s4  }
0x9e: {  	[timem:s8], [sflag:s22] =	dma.local [hbm:s6], s20  }
0x9f: {  	_ =	swait.ge [sflag:s22], s20  }
0xa0: {  	s5 =	ssub.s32 $0x0, s20;
	[sflag:s22] =	ssyncset.done $0x0  }
0xa1: {  	[sflag:s22] =	ssyncadd.s32 s5;
	_ =	sdelay $0x1  }
0xa2: {  	s23 =	simm.s32 $0x1B8B  }
0xa3: {  	_ =	swait.ge [sflag:s23], $0x1  }
0xa4: {  	[sflag:s23] =	ssyncset.done $0x0  }
0xa5: {  	s25 =	simm.s32 $0x1B8E;
	s24 =	sld [smem:$0x3FFE];
	[sflag:s23] =	ssyncadd.s32 $0xFFFFFFFF  }
0xa6: {  	s26 =	simm.s32 $execute0_lowered;
	[smem:$0x3FD2] =	sst s25  }
0xa7: {  	s6 =	sshll.u32 s26, $0x1;
	_ =	strace $0x80000046;
	[dreg:$0x1] =	wrdreg $0xFFFFFFFF  }
0xa8: {  	s28 =	simm.s32 $_size_execute0_lowered;
	s4 =	sadd.s32 s4, s6;
	[dreg:$0x0] =	wrdreg $0x0  }
0xa9: {  	s6 =	sshll.u32 s28, $0x1;
	[dreg:$0x2] =	wrdreg s4  }
0xaa: {  	[dreg:$0x3] =	wrdreg s6  }
0xab: {  	[dreg:$0x4] =	wrdreg $0xC0  }
0xac: {  	_ =	task [dreg:s8], $0x5FFFF  }
0xad: {  	[dreg:$0x1] =	wrdreg $0xFFFFFFFF  }
0xae: {  	[dreg:$0x0] =	wrdreg $0x60  }
0xaf: {  	[dreg:$0x2] =	wrdreg s2  }
0xb0: {  	[dreg:$0x3] =	wrdreg s24  }
0xb1: {  	[dreg:$0x4] =	wrdreg s18  }
0xb2: {  	[dreg:$0x5] =	wrdreg $0x9  }
0xb3: {  	_ =	task.clear_ibuf [dreg:s8], $0x6FFFF;
	_ =	strace $0x90000046  }
0xb4: {  	s29 =	simm.s32 $0x9;
	_ =	strace $0x80000048  }
0xb5: {  	_ =	swait.ge [sflag:s29], $0x1  }
0xb6: {  	[sflag:s29] =	ssyncadd.s32 $0xFFFFFFFF  }
0xb7: {  	_ =	strace $0x90000048  }
0xb8: {  	_ =	sfence  }
0xb9: {  	s30 =	sld [smem:$0x0];
	_ =	sdelay $0x2  }
0xba: {  	s31 =	sshll.u32 s1, $0xD;
	s1 =	sshrl.u32 s1, $0x2  }
0xbb: {  	s3 =	sand.u32 $0x4000, s31;
	s1 =	sadd.s32 s1, s30  }
0xbc: {  	s0 =	sor.u32 s3, s0;
	s1 =	sshll.u32 s1, $0x11  }
0xbd: {  	s0 =	sor.u32 s1, s0  }
0xbe: {  	s0 =	sadd.s32 $0x8F2B, s0  }
0xbf: {  	[sflag:s0] =	ssyncadd.remote.s32 $0x1  }
0xc0: {  	_ =	sfence.sel $0xFFFF  }
0xc1: {  	[dreg:$0x0] =	wrdreg $0xFFFFFFFF;
	(pc) =	sbr.abs _section_cstart, $3  }
0xc2: {  	[dreg:$0x1] =	wrdreg $0xFFFFFFFF  }
0xc3: {  	_ =	task.clear_ibuf [dreg:s8], $0x2FFFF;
	_ =	strace $0x9FFFFFFF  }
0xc4: {  	(tm) =	ssettm $0x7FFFFFFF  }
0xc5: {  	_ =	shalt  }
tec
execute0_lowered:
.L_overlay_start_1:
0x0: {  	(tag) =	ssettag $0x1  }
0x1: {  	v0 =	vimm.s32 $0xC0B;
	vm0 =	vcmask $0x300  }
0x2: {  	v0 =	vsel vm0, $0x87C, v0;
	vm0 =	vcmask $0x704  }
0x3: {  	v0 =	vsel vm0, $0x87D, v0;
	vm0 =	vcmask $0xB08  }
0x4: {  	s0 =	rddreg [dreg:$0x0];
	v0 =	vsel vm0, $0x87E, v0;
	vm0 =	vcmask $0xF0C  }
0x5: {  	s1 =	rddreg [dreg:$0x1];
	v0 =	vsel vm0, $0x87F, v0;
	vm0 =	vcmask $0x1310  }
0x6: {  	s3 =	simm.s32 $0x0;
	s2 =	srdreg.scid;
	s4 =	stileid.u32;
	v0 =	vsel vm0, $0xC00, v0;
	vm0 =	vcmask $0x1714  }
0x7: {  	s12 =	simm.s32 $0x280;
	s14 =	simm.s32 $0x3680;
	s31 =	simm.s32 $0x3;
	v1 =	vsel vm0, $0xC01, v0;
	vm0 =	vcmask $0x1B18  }
0x8: {  	vm1 =	vcmask $0x2724;
	s22 =	simm.s32 $0x13680;
	s23 =	simm.s32 $0x2;
	s24 =	simm.s32 $0x4;
	v2 =	vsel vm0, $0xC02, v1;
	vm0 =	vcmask $0x1F1C  }
0x9: {  	[smem:$0x7FF] =	sst s3;
	s2 =	sand.u32 $0x1, s2;
	s5 =	sshll.u32 s4, $0xA;
	v0 =	vlaneseq.u32;
	v3 =	vsel vm0, $0xC03, v2;
	vm0 =	vcmask $0x2320  }
0xa: {  	s4 =	sadd.s32 $0x186E00, s1;
	s6 =	sshll.u32 s2, $0x9;
	s2 =	ssub.s32 $0x2, s2;
	v1 =	vadd.s32 $0x1C, v0;
	v8 =	vor.u32 $0x10, v0;
	v3 =	vsel vm0, $0xC04, v3  }
0xb: {  	s8 =	sor.u32 s6, s5;
	s6 =	sadd.s32 $0x400, s1;
	s1 =	sadd.s32 $0x61AC00, s1;
	v2 =	vadd.s32 $0x81C, v0;
	v4 =	vsel vm1, $0xC05, v3;
	vm1 =	vcmask $0x2B28  }
0xc: {  	_ =	strace $0x80000047;
	s25 =	sshrl.u32 s2, $0x1;
	[dreg:$0x5] =	wrdreg s1;
	vm0 =	vcmask $0x3F10;
	v5 =	vsel vm1, $0xC06, v4;
	vm1 =	vcmask $0x2F2C  }
0xd: {  	s7 =	sshrl.u32 s8, $0x3;
	[dreg:$0x4] =	wrdreg s8;
	s29 =	sor.u32 $0x8, s8;
	v3 =	vadd.s32 $0x82C, v0;
	v6 =	vsel vm1, $0xC07, v5;
	vm1 =	vcmask $0x3330  }
0xe: {  	s26 =	ssub.s32 s2, s25;
	s0 =	sadd.s32 s0, s7;
	[dreg:$0x8] =	wrdreg s29;
	v4 =	vadd.s32 $0x83C, v0;
	v7 =	vsel vm1, $0xC08, v6;
	vm1 =	vcmask $0x3734  }
0xf: {  	s30 =	simm.s32 $0x0;
	s28 =	smax.u32 s26, $0x1;
	[dreg:$0x6] =	wrdreg s0;
	v5 =	vadd.s32 $0x84C, v0;
	v9 =	vsel vm1, $0xC09, v7;
	vm1 =	vcmask $0x3B38  }
0x10: {  	s2 =	simm.s32 $0x0;
	[dreg:$0x7] =	wrdreg s28;
	s0 =	simm.s32 $0x9680;
	v6 =	vadd.s32 $0x85C, v0;
	v7 =	vadd.s32 $0x86C, v0;
	v9 =	vsel vm1, $0xC0A, v9  }
.LBB2_1:
0x11: {  	[dreg:$0x9] =	wrdreg s2  }
0x12: {  	s1 =	rddreg [dreg:$0x6];
	s9 =	simm.s32 $0x5  }
0x13: {  	[tilespmem:s3], [sflag:$0x5] =	stream.linear.gather [hbm4b:s1+s3], $0x200, $0x38;
	[tilespmem:$0x1B680] =	vst v63  }
0x14: {  	_ =	swait.ge [sflag:s9], $0x200  }
0x15: {  	[sflag:s9] =	ssyncset.done $0x0  }
0x16: {  	[sflag:s9] =	ssyncadd.s32 $0xFFFFFE00  }
0x17: {  	s10 =	rddreg [dreg:$0x2]  }
0x18: {  	[tilespmem:s12], [sflag:$0x5] =	stream.linear.gather [hbm4b:s10+s3], $0x3280, $0x38;
	[tilespmem:$0x1B680] =	vst v63  }
0x19: {  	_ =	swait.ge [sflag:s9], $0x3280  }
0x1a: {  	[sflag:s9] =	ssyncset.done $0x0  }
0x1b: {  	[sflag:s9] =	ssyncadd.s32 $0xFFFFCD80  }
0x1c: {  	v10 =	vld [tilespmem:$0x0];
	_ =	sdelay $0x4  }
0x1d: {  	(v2sf) =	vpush v10, $0x0;
	_ =	sdelay $0xd  }
0x1e: {  	(v2sf) =	vpush v10, $0x1  }
0x1f: {  	s1 =	spop (v2sf)  }
0x20: {  	s11 =	sshra.s32 s1, $0x1F  }
0x21: {  	s2 =	sshrl.u32 s11, $0x1D  }
0x22: {  	s2 =	sadd.s32 s2, s1  }
0x23: {  	s5 =	sand.u32 $0xFFFFFFF8, s2  }
0x24: {  	p1 =	slt.s32 s1, $0x1;
	p0 =	sne.s32 s1, s5  }
0x25: {  	p0 =	por !p1, !p0  }
0x26: {  	s5 =	simm.s32 $0x1;
	p0 =	por !p0, !p0  }
0x27: {  	s2 =	sshra.s32 s2, $0x3;
	s5 =	simm.s32 @!p0 $0x0  }
0x28: {  	s5 =	ssub.s32 s2, s5  }
0x29: {  	(v2sf) =	vpush v10, $0x2;
	s2 =	smul.u32 $0x180, s5;
	_ =	sdelay $0x1  }
0x2a: {  	s2 =	sadd.s32 s4, s2  }
0x2b: {  	[tilespmem:s14], [sflag:$0x1] =	stream.linear.gather [hbm4b:s2+s3], $0xC00, $0x38;
	[tilespmem:$0x1B680] =	vst v63  }
0x2c: {  	s5 =	sshll.u32 s5, $0x7;
	s2 =	spop (v2sf)  }
0x2d: {  	s5 =	sand.u32 $0x1FFFFF80, s5;
	s7 =	sshra.s32 s2, $0x1F  }
0x2e: {  	s9 =	simm.s32 $0xF680;
	s5 =	sadd.s32 s6, s5;
	s7 =	sshrl.u32 s7, $0x1D  }
0x2f: {  	[tilespmem:s9], [sflag:$0x3] =	stream.linear.gather [hbm4b:s5+s3], $0x400, $0x38;
	[tilespmem:$0x1B680] =	vst v63  }
0x30: {  	s7 =	sadd.s32 s7, s2  }
0x31: {  	s8 =	sand.u32 $0xFFFFFFF8, s7  }
0x32: {  	p6 =	slt.s32 s2, $0x1;
	p5 =	sne.s32 s2, s8  }
0x33: {  	p0 =	por !p6, !p5  }
0x34: {  	(v2sf) =	vpush v10, $0x3;
	s8 =	simm.s32 $0x1;
	p0 =	por !p0, !p0  }
0x35: {  	s7 =	sshra.s32 s7, $0x3;
	s8 =	simm.s32 @!p0 $0x0  }
0x36: {  	s7 =	ssub.s32 s7, s8  }
0x37: {  	s5 =	spop (v2sf);
	s8 =	smul.u32 $0x180, s7  }
0x38: {  	s16 =	sshra.s32 s5, $0x1F  }
0x39: {  	s15 =	simm.s32 $0x4280;
	s13 =	sadd.s32 s4, s8;
	s8 =	sshrl.u32 s16, $0x1D  }
0x3a: {  	[tilespmem:s15], [sflag:$0x1] =	stream.linear.gather [hbm4b:s13+s3], $0xC00, $0x38;
	[tilespmem:$0x1B680] =	vst v63  }
0x3b: {  	s7 =	sshll.u32 s7, $0x7;
	s8 =	sadd.s32 s8, s5  }
0x3c: {  	s10 =	simm.s32 $0xFA80;
	s7 =	sand.u32 $0x1FFFFF80, s7;
	s17 =	sand.u32 $0xFFFFFFF8, s8  }
0x3d: {  	p2 =	slt.s32 s5, $0x1;
	s7 =	sadd.s32 s6, s7;
	p1 =	sne.s32 s5, s17  }
0x3e: {  	[tilespmem:s10], [sflag:$0x3] =	stream.linear.gather [hbm4b:s7+s3], $0x400, $0x38;
	[tilespmem:$0x1B680] =	vst v63  }
0x3f: {  	p0 =	por !p2, !p1  }
0x40: {  	s9 =	simm.s32 $0x1;
	(v2sf) =	vpush v10, $0x4;
	p0 =	por !p0, !p0  }
0x41: {  	s8 =	sshra.s32 s8, $0x3;
	s9 =	simm.s32 @!p0 $0x0  }
0x42: {  	s8 =	ssub.s32 s8, s9  }
0x43: {  	s7 =	spop (v2sf);
	s9 =	smul.u32 $0x180, s8  }
0x44: {  	s20 =	sshra.s32 s7, $0x1F  }
0x45: {  	s19 =	simm.s32 $0x4E80;
	s18 =	sadd.s32 s4, s9;
	s9 =	sshrl.u32 s20, $0x1D  }
0x46: {  	[tilespmem:s19], [sflag:$0x1] =	stream.linear.gather [hbm4b:s18+s3], $0xC00, $0x38;
	[tilespmem:$0x1B680] =	vst v63  }
0x47: {  	s8 =	sshll.u32 s8, $0x7;
	s9 =	sadd.s32 s9, s7  }
0x48: {  	s11 =	simm.s32 $0xFE80;
	s8 =	sand.u32 $0x1FFFFF80, s8;
	s21 =	sand.u32 $0xFFFFFFF8, s9  }
0x49: {  	p4 =	slt.s32 s7, $0x1;
	s8 =	sadd.s32 s6, s8;
	p3 =	sne.s32 s7, s21  }
0x4a: {  	[tilespmem:s11], [sflag:$0x3] =	stream.linear.gather [hbm4b:s8+s3], $0x400, $0x38;
	[tilespmem:$0x1B680] =	vst v63  }
0x4b: {  	p0 =	por !p4, !p3  }
0x4c: {  	s10 =	simm.s32 $0x1;
	p0 =	por !p0, !p0  }
0x4d: {  	(v2sf) =	vpush v10, $0x5;
	s9 =	sshra.s32 s9, $0x3;
	s10 =	simm.s32 @!p0 $0x0  }
0x4e: {  	s9 =	ssub.s32 s9, s10  }
0x4f: {  	s8 =	spop (v2sf);
	s10 =	smul.u32 $0x180, s9  }
0x50: {  	s28 =	sshra.s32 s8, $0x1F  }
0x51: {  	s26 =	simm.s32 $0x5A80;
	s25 =	sadd.s32 s4, s10;
	s10 =	sshrl.u32 s28, $0x1D  }
0x52: {  	[tilespmem:s26], [sflag:$0x1] =	stream.linear.gather [hbm4b:s25+s3], $0xC00, $0x38;
	[tilespmem:$0x1B680] =	vst v63  }
0x53: {  	s9 =	sshll.u32 s9, $0x7;
	s10 =	sadd.s32 s10, s8  }
0x54: {  	s15 =	simm.s32 $0x10280;
	s9 =	sand.u32 $0x1FFFFF80, s9;
	s29 =	sand.u32 $0xFFFFFFF8, s10  }
0x55: {  	p6 =	slt.s32 s8, $0x1;
	s9 =	sadd.s32 s6, s9;
	p5 =	sne.s32 s8, s29  }
0x56: {  	[tilespmem:s15], [sflag:$0x3] =	stream.linear.gather [hbm4b:s9+s3], $0x400, $0x38;
	[tilespmem:$0x1B680] =	vst v63  }
0x57: {  	p0 =	por !p6, !p5  }
0x58: {  	s11 =	simm.s32 $0x1;
	p0 =	por !p0, !p0  }
0x59: {  	s10 =	sshra.s32 s10, $0x3;
	s11 =	simm.s32 @!p0 $0x0  }
0x5a: {  	(v2sf) =	vpush v10, $0x6;
	s10 =	ssub.s32 s10, s11  }
0x5b: {  	s11 =	smul.u32 $0x180, s10  }
0x5c: {  	s9 =	spop (v2sf)  }
0x5d: {  	s13 =	simm.s32 $0x6680;
	s15 =	sshra.s32 s9, $0x1F;
	s11 =	sadd.s32 s4, s11  }
0x5e: {  	[tilespmem:s13], [sflag:$0x1] =	stream.linear.gather [hbm4b:s11+s3], $0xC00, $0x38;
	[tilespmem:$0x1B680] =	vst v63  }
0x5f: {  	s11 =	sshrl.u32 s15, $0x1D  }
0x60: {  	s11 =	sadd.s32 s11, s9  }
0x61: {  	s16 =	sand.u32 $0xFFFFFFF8, s11  }
0x62: {  	p2 =	slt.s32 s9, $0x1;
	p1 =	sne.s32 s9, s16  }
0x63: {  	p0 =	por !p2, !p1  }
0x64: {  	s15 =	simm.s32 $0x1;
	p0 =	por !p0, !p0  }
0x65: {  	s10 =	sshll.u32 s10, $0x7;
	s11 =	sshra.s32 s11, $0x3;
	s15 =	simm.s32 @!p0 $0x0  }
0x66: {  	s10 =	sand.u32 $0x1FFFFF80, s10;
	s11 =	ssub.s32 s11, s15  }
0x67: {  	s10 =	sadd.s32 s6, s10;
	s16 =	simm.s32 $0x10680;
	s15 =	smul.u32 $0x180, s11  }
0x68: {  	[tilespmem:s16], [sflag:$0x3] =	stream.linear.gather [hbm4b:s10+s3], $0x400, $0x38;
	[tilespmem:$0x1B680] =	vst v63  }
0x69: {  	s18 =	simm.s32 $0x7280;
	s17 =	sadd.s32 s4, s15;
	s15 =	spop (v2sf)  }
0x6a: {  	(v2sf) =	vpush v10, $0x7;
	[tilespmem:s18], [sflag:$0x1] =	stream.linear.gather [hbm4b:s17+s3], $0xC00, $0x38;
	[tilespmem:$0x1B680] =	vst v63  }
0x6b: {  	s11 =	sshll.u32 s11, $0x7;
	s19 =	sshra.s32 s15, $0x1F  }
0x6c: {  	s11 =	sand.u32 $0x1FFFFF80, s11;
	s10 =	sshrl.u32 s19, $0x1D  }
0x6d: {  	s11 =	sadd.s32 s6, s11;
	s17 =	simm.s32 $0x10A80;
	s10 =	sadd.s32 s10, s15  }
0x6e: {  	[tilespmem:s17], [sflag:$0x3] =	stream.linear.gather [hbm4b:s11+s3], $0x400, $0x38;
	[tilespmem:$0x1B680] =	vst v63  }
0x6f: {  	s20 =	sand.u32 $0xFFFFFFF8, s10  }
0x70: {  	p4 =	slt.s32 s15, $0x1;
	p3 =	sne.s32 s15, s20  }
0x71: {  	p0 =	por !p4, !p3  }
0x72: {  	s16 =	simm.s32 $0x1;
	p0 =	por !p0, !p0  }
0x73: {  	s10 =	sshra.s32 s10, $0x3;
	s16 =	simm.s32 @!p0 $0x0  }
0x74: {  	s10 =	ssub.s32 s10, s16  }
0x75: {  	s16 =	smul.u32 $0x180, s10  }
0x76: {  	s10 =	sshll.u32 s10, $0x7  }
0x77: {  	s25 =	simm.s32 $0x7E80;
	s10 =	sand.u32 $0x1FFFFF80, s10;
	s21 =	sadd.s32 s4, s16  }
0x78: {  	[tilespmem:s25], [sflag:$0x1] =	stream.linear.gather [hbm4b:s21+s3], $0xC00, $0x38;
	[tilespmem:$0x1B680] =	vst v63  }
0x79: {  	s18 =	simm.s32 $0x10E80;
	s10 =	sadd.s32 s6, s10;
	s11 =	spop (v2sf)  }
0x7a: {  	[tilespmem:s18], [sflag:$0x3] =	stream.linear.gather [hbm4b:s10+s3], $0x400, $0x38;
	[tilespmem:$0x1B680] =	vst v63  }
0x7b: {  	s26 =	sshra.s32 s11, $0x1F  }
0x7c: {  	s16 =	sshrl.u32 s26, $0x1D  }
0x7d: {  	s16 =	sadd.s32 s16, s11  }
0x7e: {  	s28 =	sand.u32 $0xFFFFFFF8, s16  }
0x7f: {  	p6 =	slt.s32 s11, $0x1;
	p5 =	sne.s32 s11, s28  }
0x80: {  	p0 =	por !p6, !p5  }
0x81: {  	s17 =	simm.s32 $0x1;
	p0 =	por !p0, !p0  }
0x82: {  	s16 =	sshra.s32 s16, $0x3;
	s17 =	simm.s32 @!p0 $0x0  }
0x83: {  	s1 =	sand.u32 $0x7, s1;
	s16 =	ssub.s32 s16, s17  }
0x84: {  	[smem:$0x0] =	sst s1;
	s13 =	simm.s32 $0x8A80;
	s17 =	smul.u32 $0x180, s16  }
0x85: {  	s19 =	sand.u32 $0x7, s7;
	s7 =	rddreg [dreg:$0x4];
	s18 =	sand.u32 $0x7, s5  }
0x86: {  	s5 =	rddreg [dreg:$0x8];
	s29 =	sadd.s32 s4, s17;
	s17 =	sand.u32 $0x7, s2  }
0x87: {  	[tilespmem:s13], [sflag:$0x1] =	stream.linear.gather [hbm4b:s29+s3], $0xC00, $0x38;
	[tilespmem:$0x1B680] =	vst v63  }
0x88: {  	s21 =	sshll.u32 s16, $0x7;
	[smem:$0x1] =	sst s17  }
0x89: {  	s20 =	sand.u32 $0x7, s8;
	s2 =	sand.u32 $0x1FFFFF80, s21;
	[smem:$0x2] =	sst s18  }
0x8a: {  	s28 =	simm.s32 $0x11280;
	s2 =	sadd.s32 s6, s2;
	[smem:$0x3] =	sst s19  }
0x8b: {  	[tilespmem:s28], [sflag:$0x3] =	stream.linear.gather [hbm4b:s2+s3], $0x400, $0x38;
	[tilespmem:$0x1B680] =	vst v63  }
0x8c: {  	s25 =	sand.u32 $0x7, s9;
	[smem:$0x4] =	sst s20  }
0x8d: {  	s26 =	sand.u32 $0x7, s15;
	[smem:$0x5] =	sst s25  }
0x8e: {  	s29 =	sand.u32 $0x7, s11;
	[smem:$0x6] =	sst s26  }
0x8f: {  	s8 =	simm.s32 $0x0;
	[smem:$0x7] =	sst s29  }
.LBB2_2:
0x90: {  	s2 =	rddreg [dreg:$0x4]  }
0x91: {  	s1 =	sshll.u32 s8, $0x6;
	[dreg:$0xc] =	wrdreg s8;
	s29 =	sshll.u32 s8, $0x3  }
0x92: {  	s25 =	simm.s32 $0x13A90;
	s26 =	simm.s32 $0x8;
	[dreg:$0xa] =	wrdreg s5  }
0x93: {  	s28 =	simm.s32 $0x14680;
	[dreg:$0xb] =	wrdreg s7;
	s15 =	simm.s32 $0x0  }
0x94: {  	s9 =	simm.s32 $0x0;
	s1 =	sadd.s32 s2, s1;
	[dreg:$0xe] =	wrdreg s29  }
0x95: {  	s2 =	smov.u32 s5;
	[dreg:$0xd] =	wrdreg s1;
	s1 =	smov.u32 s7  }
.LBB2_3:
0x96: {  	s8 =	simm.s32 $0x1  }
0x97: {  	_ =	swait.ge [sflag:s8], $0x6000  }
0x98: {  	s5 =	sshll.u32 s9, $0x1;
	[sflag:s8] =	ssyncset.done $0x0;
	s7 =	rddreg [dreg:$0xe]  }
0x99: {  	s7 =	sadd.s32 s7, s5;
	[sflag:s8] =	ssyncadd.s32 $0xFFFFA000  }
0x9a: {  	_ =	swait.ge [sflag:s31], $0x2000;
	s10 =	sshll.u32 s7, $0x3  }
0x9b: {  	[sflag:s31] =	ssyncset.done $0x0;
	s20 =	sor.u32 $0x8, s10  }
0x9c: {  	[sflag:s31] =	ssyncadd.s32 $0xFFFFE000;
	s5 =	sand.u32 $0x3FFFFFF8, s20  }
0x9d: {  	v10 =	vld [tilespmem:s5+$0x0];
	_ =	sdelay $0x4  }
0x9e: {  	(v2sf) =	vpush v10, $0x0;
	_ =	sdelay $0xd  }
0x9f: {  	(v2sf) =	vpush v10, $0x1  }
0xa0: {  	s5 =	spop (v2sf)  }
0xa1: {  	s21 =	sshra.s32 s5, $0x1F  }
0xa2: {  	s8 =	sshrl.u32 s21, $0x1D  }
0xa3: {  	s8 =	sadd.s32 s8, s5  }
0xa4: {  	s11 =	sand.u32 $0xFFFFFFF8, s8  }
0xa5: {  	p1 =	slt.s32 s5, $0x1;
	p0 =	sne.s32 s5, s11  }
0xa6: {  	p0 =	por !p1, !p0  }
0xa7: {  	s11 =	simm.s32 $0x1;
	p0 =	por !p0, !p0  }
0xa8: {  	s8 =	sshra.s32 s8, $0x3;
	s11 =	simm.s32 @!p0 $0x0  }
0xa9: {  	s11 =	ssub.s32 s8, s11  }
0xaa: {  	(v2sf) =	vpush v10, $0x2;
	s8 =	smul.u32 $0x180, s11;
	_ =	sdelay $0x1  }
0xab: {  	s8 =	sadd.s32 s4, s8  }
0xac: {  	[tilespmem:s0], [sflag:$0x2] =	stream.linear.gather [hbm4b:s8+s30], $0xC00, $0x38;
	[tilespmem:$0x1B680] =	vst v63  }
0xad: {  	s11 =	sshll.u32 s11, $0x7;
	s8 =	spop (v2sf)  }
0xae: {  	s11 =	sand.u32 $0x1FFFFF80, s11;
	s16 =	sshra.s32 s8, $0x1F  }
0xaf: {  	s18 =	simm.s32 $0x11680;
	s11 =	sadd.s32 s6, s11;
	s16 =	sshrl.u32 s16, $0x1D  }
0xb0: {  	[tilespmem:s18], [sflag:$0x4] =	stream.linear.gather [hbm4b:s11+s30], $0x400, $0x38;
	[tilespmem:$0x1B680] =	vst v63  }
0xb1: {  	s16 =	sadd.s32 s16, s8  }
0xb2: {  	s17 =	sand.u32 $0xFFFFFFF8, s16  }
0xb3: {  	p6 =	slt.s32 s8, $0x1;
	p5 =	sne.s32 s8, s17  }
0xb4: {  	p0 =	por !p6, !p5  }
0xb5: {  	(v2sf) =	vpush v10, $0x3;
	s17 =	simm.s32 $0x1;
	p0 =	por !p0, !p0  }
0xb6: {  	s16 =	sshra.s32 s16, $0x3;
	s17 =	simm.s32 @!p0 $0x0  }
0xb7: {  	s16 =	ssub.s32 s16, s17  }
0xb8: {  	s11 =	spop (v2sf);
	s17 =	smul.u32 $0x180, s16  }
0xb9: {  	s18 =	sshra.s32 s11, $0x1F  }
0xba: {  	s13 =	simm.s32 $0xA280;
	s29 =	sadd.s32 s4, s17;
	s17 =	sshrl.u32 s18, $0x1D  }
0xbb: {  	[tilespmem:s13], [sflag:$0x2] =	stream.linear.gather [hbm4b:s29+s30], $0xC00, $0x38;
	[tilespmem:$0x1B680] =	vst v63  }
0xbc: {  	s17 =	sadd.s32 s17, s11  }
0xbd: {  	s16 =	sshll.u32 s16, $0x7;
	s19 =	sand.u32 $0xFFFFFFF8, s17  }
0xbe: {  	p2 =	slt.s32 s11, $0x1;
	s16 =	sand.u32 $0x1FFFFF80, s16;
	p1 =	sne.s32 s11, s19  }
0xbf: {  	s16 =	sadd.s32 s6, s16;
	s19 =	simm.s32 $0x11A80;
	p0 =	por !p2, !p1  }
0xc0: {  	[tilespmem:s19], [sflag:$0x4] =	stream.linear.gather [hbm4b:s16+s30], $0x400, $0x38;
	[tilespmem:$0x1B680] =	vst v63  }
0xc1: {  	s18 =	simm.s32 $0x1;
	p0 =	por !p0, !p0  }
0xc2: {  	(v2sf) =	vpush v10, $0x4;
	s17 =	sshra.s32 s17, $0x3;
	s18 =	simm.s32 @!p0 $0x0  }
0xc3: {  	s17 =	ssub.s32 s17, s18  }
0xc4: {  	s16 =	spop (v2sf);
	s18 =	smul.u32 $0x180, s17  }
0xc5: {  	s29 =	sshra.s32 s16, $0x1F  }
0xc6: {  	s21 =	simm.s32 $0xAE80;
	s20 =	sadd.s32 s4, s18;
	s18 =	sshrl.u32 s29, $0x1D  }
0xc7: {  	[tilespmem:s21], [sflag:$0x2] =	stream.linear.gather [hbm4b:s20+s30], $0xC00, $0x38;
	[tilespmem:$0x1B680] =	vst v63  }
0xc8: {  	s17 =	sshll.u32 s17, $0x7;
	s18 =	sadd.s32 s18, s16  }
0xc9: {  	p4 =	slt.s32 s16, $0x1;
	s17 =	sand.u32 $0x1FFFFF80, s17;
	s13 =	sand.u32 $0xFFFFFFF8, s18  }
0xca: {  	s17 =	sadd.s32 s6, s17;
	s20 =	simm.s32 $0x11E80;
	p3 =	sne.s32 s16, s13  }
0xcb: {  	[tilespmem:s20], [sflag:$0x4] =	stream.linear.gather [hbm4b:s17+s30], $0x400, $0x38;
	[tilespmem:$0x1B680] =	vst v63  }
0xcc: {  	p0 =	por !p4, !p3  }
0xcd: {  	s19 =	simm.s32 $0x1;
	p0 =	por !p0, !p0  }
0xce: {  	s18 =	sshra.s32 s18, $0x3;
	s19 =	simm.s32 @!p0 $0x0  }
0xcf: {  	(v2sf) =	vpush v10, $0x5;
	s18 =	ssub.s32 s18, s19  }
0xd0: {  	s19 =	smul.u32 $0x180, s18  }
0xd1: {  	s17 =	spop (v2sf)  }
0xd2: {  	s20 =	simm.s32 $0xBA80;
	s21 =	sshra.s32 s17, $0x1F;
	s19 =	sadd.s32 s4, s19  }
0xd3: {  	[tilespmem:s20], [sflag:$0x2] =	stream.linear.gather [hbm4b:s19+s30], $0xC00, $0x38;
	[tilespmem:$0x1B680] =	vst v63  }
0xd4: {  	s18 =	sshll.u32 s18, $0x7;
	s19 =	sshrl.u32 s21, $0x1D  }
0xd5: {  	s18 =	sand.u32 $0x1FFFFF80, s18;
	s19 =	sadd.s32 s19, s17  }
0xd6: {  	s18 =	sadd.s32 s6, s18;
	s21 =	simm.s32 $0x12280;
	s29 =	sand.u32 $0xFFFFFFF8, s19  }
0xd7: {  	[tilespmem:s21], [sflag:$0x4] =	stream.linear.gather [hbm4b:s18+s30], $0x400, $0x38;
	[tilespmem:$0x1B680] =	vst v63  }
0xd8: {  	p6 =	slt.s32 s17, $0x1;
	p5 =	sne.s32 s17, s29  }
0xd9: {  	p0 =	por !p6, !p5  }
0xda: {  	s20 =	simm.s32 $0x1;
	p0 =	por !p0, !p0  }
0xdb: {  	s19 =	sshra.s32 s19, $0x3;
	s20 =	simm.s32 @!p0 $0x0  }
0xdc: {  	(v2sf) =	vpush v10, $0x6;
	s19 =	ssub.s32 s19, s20  }
0xdd: {  	s20 =	smul.u32 $0x180, s19  }
0xde: {  	s18 =	spop (v2sf)  }
0xdf: {  	s13 =	simm.s32 $0xC680;
	s21 =	sshra.s32 s18, $0x1F;
	s20 =	sadd.s32 s4, s20  }
0xe0: {  	[tilespmem:s13], [sflag:$0x2] =	stream.linear.gather [hbm4b:s20+s30], $0xC00, $0x38;
	[tilespmem:$0x1B680] =	vst v63  }
0xe1: {  	s20 =	sshrl.u32 s21, $0x1D  }
0xe2: {  	s20 =	sadd.s32 s20, s18  }
0xe3: {  	s29 =	sand.u32 $0xFFFFFFF8, s20  }
0xe4: {  	p2 =	slt.s32 s18, $0x1;
	p1 =	sne.s32 s18, s29  }
0xe5: {  	p0 =	por !p2, !p1  }
0xe6: {  	s21 =	simm.s32 $0x1;
	p0 =	por !p0, !p0  }
0xe7: {  	s19 =	sshll.u32 s19, $0x7;
	s20 =	sshra.s32 s20, $0x3;
	s21 =	simm.s32 @!p0 $0x0  }
0xe8: {  	s19 =	sand.u32 $0x1FFFFF80, s19;
	s20 =	ssub.s32 s20, s21  }
0xe9: {  	s19 =	sadd.s32 s6, s19;
	s29 =	simm.s32 $0x12680;
	s21 =	smul.u32 $0x180, s20  }
0xea: {  	[tilespmem:s29], [sflag:$0x4] =	stream.linear.gather [hbm4b:s19+s30], $0x400, $0x38;
	[tilespmem:$0x1B680] =	vst v63  }
0xeb: {  	s13 =	simm.s32 $0xD280;
	s19 =	sadd.s32 s4, s21;
	s21 =	spop (v2sf);
	(v2sf) =	vpush v10, $0x7  }
0xec: {  	[tilespmem:s13], [sflag:$0x2] =	stream.linear.gather [hbm4b:s19+s30], $0xC00, $0x38;
	[tilespmem:$0x1B680] =	vst v63  }
0xed: {  	s29 =	sshra.s32 s21, $0x1F  }
0xee: {  	s19 =	sshrl.u32 s29, $0x1D  }
0xef: {  	s19 =	sadd.s32 s19, s21  }
0xf0: {  	s13 =	sand.u32 $0xFFFFFFF8, s19  }
0xf1: {  	p4 =	slt.s32 s21, $0x1;
	p3 =	sne.s32 s21, s13  }
0xf2: {  	p0 =	por !p4, !p3  }
0xf3: {  	s29 =	simm.s32 $0x1;
	p0 =	por !p0, !p0  }
0xf4: {  	s20 =	sshll.u32 s20, $0x7;
	s19 =	sshra.s32 s19, $0x3;
	s29 =	simm.s32 @!p0 $0x0  }
0xf5: {  	s20 =	sand.u32 $0x1FFFFF80, s20;
	s19 =	ssub.s32 s19, s29  }
0xf6: {  	s20 =	sadd.s32 s6, s20;
	s13 =	simm.s32 $0x12A80;
	s29 =	smul.u32 $0x180, s19  }
0xf7: {  	[tilespmem:s13], [sflag:$0x4] =	stream.linear.gather [hbm4b:s20+s30], $0x400, $0x38;
	[tilespmem:$0x1B680] =	vst v63  }
0xf8: {  	s13 =	sadd.s32 s4, s29;
	s29 =	simm.s32 $0xDE80  }
0xf9: {  	[tilespmem:s29], [sflag:$0x2] =	stream.linear.gather [hbm4b:s13+s30], $0xC00, $0x38;
	[tilespmem:$0x1B680] =	vst v63  }
0xfa: {  	s5 =	sand.u32 $0x7, s5;
	s20 =	spop (v2sf)  }
0xfb: {  	[smem:$0x80] =	sst s5;
	s13 =	sshra.s32 s20, $0x1F  }
0xfc: {  	p6 =	slt.s32 s20, $0x1;
	s29 =	sshrl.u32 s13, $0x1D;
	s13 =	sand.u32 $0x7, s8  }
0xfd: {  	s8 =	sadd.s32 s29, s20;
	[smem:$0x81] =	sst s13;
	s13 =	sand.u32 $0x7, s11  }
0xfe: {  	s11 =	simm.s32 $0x1;
	s29 =	sand.u32 $0xFFFFFFF8, s8;
	[smem:$0x82] =	sst s13  }
0xff: {  	s13 =	sshll.u32 s19, $0x7;
	p5 =	sne.s32 s20, s29;
	s29 =	sand.u32 $0x7, s16  }
0x100: {  	s16 =	sand.u32 $0x1FFFFF80, s13;
	p0 =	por !p6, !p5;
	[smem:$0x83] =	sst s29  }
0x101: {  	s5 =	sadd.s32 s6, s16;
	s29 =	simm.s32 $0x12E80;
	p0 =	por !p0, !p0  }
0x102: {  	[tilespmem:s29], [sflag:$0x4] =	stream.linear.gather [hbm4b:s5+s30], $0x400, $0x38;
	[tilespmem:$0x1B680] =	vst v63  }
0x103: {  	s17 =	sand.u32 $0x7, s17;
	s8 =	sshra.s32 s8, $0x3;
	s11 =	simm.s32 @!p0 $0x0  }
0x104: {  	[smem:$0x84] =	sst s17;
	s17 =	sand.u32 $0x7, s18;
	s8 =	ssub.s32 s8, s11  }
0x105: {  	s21 =	sand.u32 $0x7, s21;
	[smem:$0x85] =	sst s17;
	s19 =	smul.u32 $0x180, s8  }
0x106: {  	s29 =	sand.u32 $0x7, s20;
	[smem:$0x86] =	sst s21;
	s8 =	sshll.u32 s8, $0x7  }
0x107: {  	s8 =	sand.u32 $0x1FFFFF80, s8;
	s18 =	sadd.s32 s4, s19;
	s19 =	simm.s32 $0xEA80  }
0x108: {  	[tilespmem:s19], [sflag:$0x2] =	stream.linear.gather [hbm4b:s18+s30], $0xC00, $0x38;
	[tilespmem:$0x1B680] =	vst v63  }
0x109: {  	s11 =	simm.s32 $0x13280;
	[smem:$0x87] =	sst s29;
	s8 =	sadd.s32 s6, s8  }
0x10a: {  	[tilespmem:s11], [sflag:$0x4] =	stream.linear.gather [hbm4b:s8+s30], $0x400, $0x38;
	[tilespmem:$0x1B680] =	vst v63  }
0x10b: {  	s5 =	sld [smem:$0x0];
	_ =	sdelay $0x2  }
0x10c: {  	s13 =	sadd.s32 $0x0, s5  }
0x10d: {  	s16 =	sshrl.u32 s13, $0x3  }
0x10e: {  	s11 =	smul.u32 $0x3000, s16  }
0x10f: {  	s5 =	sshll.u32 s5, $0x7  }
0x110: {  	s5 =	sand.u32 $0x380, s5;
	s11 =	sshra.s32 s11, $0x2  }
0x111: {  	s5 =	sor.u32 s5, s11  }
0x112: {  	v10 =	vld [tilespmem:s5+$0x3680];
	_ =	sdelay $0x4  }
0x113: {  	[tilespmem:s25+$0xFFFFFBF0] =	vst v10  }
0x114: {  	v10 =	vld [tilespmem:s5+$0x3690];
	_ =	sdelay $0x4  }
0x115: {  	[tilespmem:s25+$0xFFFFFC00] =	vst v10  }
0x116: {  	v10 =	vld [tilespmem:s5+$0x36A0];
	_ =	sdelay $0x4  }
0x117: {  	[tilespmem:s25+$0xFFFFFC10] =	vst v10  }
0x118: {  	v10 =	vld [tilespmem:s5+$0x36B0];
	_ =	sdelay $0x4  }
0x119: {  	[tilespmem:s25+$0xFFFFFC20] =	vst v10  }
0x11a: {  	v10 =	vld [tilespmem:s5+$0x36C0];
	_ =	sdelay $0x4  }
0x11b: {  	[tilespmem:s25+$0xFFFFFC30] =	vst v10  }
0x11c: {  	v10 =	vld [tilespmem:s5+$0x36D0];
	_ =	sdelay $0x4  }
0x11d: {  	[tilespmem:s25+$0xFFFFFC40] =	vst v10  }
0x11e: {  	v10 =	vld [tilespmem:s5+$0x36E0];
	_ =	sdelay $0x4  }
0x11f: {  	[tilespmem:s25+$0xFFFFFC50] =	vst v10  }
0x120: {  	v10 =	vld [tilespmem:s5+$0x36F0];
	_ =	sdelay $0x4  }
0x121: {  	[tilespmem:s25+$0xFFFFFC60] =	vst v10  }
0x122: {  	v10 =	vld [tilespmem:s5+$0x3A80];
	_ =	sdelay $0x4  }
0x123: {  	[tilespmem:s25+$0xFFFFFFF0] =	vst v10  }
0x124: {  	v10 =	vld [tilespmem:s5+$0x3A90];
	_ =	sdelay $0x4  }
0x125: {  	[tilespmem:s25+$0x0] =	vst v10  }
0x126: {  	v10 =	vld [tilespmem:s5+$0x3AA0];
	_ =	sdelay $0x4  }
0x127: {  	[tilespmem:s25+$0x10] =	vst v10  }
0x128: {  	v10 =	vld [tilespmem:s5+$0x3AB0];
	_ =	sdelay $0x4  }
0x129: {  	[tilespmem:s25+$0x20] =	vst v10  }
0x12a: {  	v10 =	vld [tilespmem:s5+$0x3AC0];
	_ =	sdelay $0x4  }
0x12b: {  	[tilespmem:s25+$0x30] =	vst v10  }
0x12c: {  	v10 =	vld [tilespmem:s5+$0x3AD0];
	_ =	sdelay $0x4  }
0x12d: {  	[tilespmem:s25+$0x40] =	vst v10  }
0x12e: {  	v10 =	vld [tilespmem:s5+$0x3AE0];
	_ =	sdelay $0x4  }
0x12f: {  	[tilespmem:s25+$0x50] =	vst v10  }
0x130: {  	v10 =	vld [tilespmem:s5+$0x3AF0];
	_ =	sdelay $0x4  }
0x131: {  	[tilespmem:s25+$0x60] =	vst v10  }
0x132: {  	v10 =	vld [tilespmem:s5+$0x3E80]  }
0x133: {  	v11 =	vmov s13  }
0x134: {  	v12 =	vshrl.u32 v11, $0x3  }
0x135: {  	v11 =	vshll.u32 v11, $0x7;
	v12 =	vmul.u32 $0xC00, v12  }
0x136: {  	v11 =	vand.u32 $0x380, v11  }
0x137: {  	[tilespmem:s25+$0x3F0] =	vst v10;
	v10 =	vor.u32 v11, v12  }
0x138: {  	v11 =	vld [tilespmem:s5+$0x3E90];
	v10 =	vor.u32 v1, v10  }
0x139: {  	v10 =	vadd.s32 $0x800, v10  }
0x13a: {  	v12 =	vmov s15  }
0x13b: {  	v13 =	vshll.u32 v12, $0x9;
	v12 =	vshll.u32 v12, $0x7  }
0x13c: {  	v13 =	vand.u32 $0x6000, v13;
	v12 =	vand.u32 $0x380, v12  }
0x13d: {  	[tilespmem:s25+$0x400] =	vst v11;
	v11 =	vor.u32 v13, v12  }
0x13e: {  	v10 =	vld.idx.msk [tilespmem:v10+s14+$0x0], $0xffff;
	v12 =	vor.u32 v2, v11;
	_ =	sdelay $0x3  }
0x13f: {  	s17 =	sshll.u32 s13, $0x9  }
0x140: {  	s5 =	sshra.s32 s17, $0x2;
	[tilespmem:v12+s22+$0x0] =	vst.idx.msk vm0, v10  }
0x141: {  	v12 =	vor.u32 v3, v11;
	v10 =	vld [tilespmem:s5+$0xF680];
	_ =	sdelay $0x4  }
0x142: {  	[tilespmem:v12+s22+$0x0] =	vst.idx.msk $0xffff, v10  }
0x143: {  	v12 =	vor.u32 v4, v11;
	v10 =	vld [tilespmem:s5+$0xF690];
	_ =	sdelay $0x4  }
0x144: {  	[tilespmem:v12+s22+$0x0] =	vst.idx.msk $0xffff, v10  }
0x145: {  	v12 =	vor.u32 v5, v11;
	v10 =	vld [tilespmem:s5+$0xF6A0];
	_ =	sdelay $0x3  }
0x146: {  	p0 =	slt.s32 s1, $0x64;
	s8 =	smov.u32 s1  }
0x147: {  	s8 =	simm.s32 @!p0 $0x64;
	[tilespmem:v12+s22+$0x0] =	vst.idx.msk $0xffff, v10  }
0x148: {  	s18 =	sshll.u32 s8, $0x7;
	v12 =	vor.u32 v6, v11;
	v10 =	vld [tilespmem:s5+$0xF6B0]  }
0x149: {  	v13 =	vor.u32 s18, v0;
	_ =	sdelay $0x3  }
0x14a: {  	[tilespmem:v12+s22+$0x0] =	vst.idx.msk $0xffff, v10  }
0x14b: {  	v12 =	vor.u32 v7, v11;
	v10 =	vld.idx.msk [tilespmem:v13+s12+$0x0], $0xffff  }
0x14c: {  	v13 =	vor.u32 s18, v8  }
0x14d: {  	s19 =	sld [smem:$0x1];
	_ =	sdelay $0x2  }
0x14e: {  	s20 =	sadd.s32 $0x8, s19;
	[tilespmem:v12+s22+$0x0] =	vst.idx.msk $0xffff, v10  }
0x14f: {  	s16 =	simm.s32 $0x1;
	s21 =	sshrl.u32 s20, $0x3;
	v12 =	vld.idx.msk [tilespmem:v13+s12+$0x0], $0xffff;
	v13 =	vor.u32 v9, v11  }
0x150: {  	s11 =	sadd.s32 $0x80, s25;
	s5 =	sadd.s32 $0x1, s1;
	v14 =	vmov s20;
	s29 =	smul.u32 $0x3000, s21  }
0x151: {  	s18 =	simm.s32 $0x10;
	s8 =	sshll.u32 s19, $0x7;
	s17 =	sshll.u32 s20, $0x9;
	v10 =	vshrl.u32 v14, $0x3  }
0x152: {  	s19 =	sand.u32 $0x380, s8;
	s8 =	smov.u32 s15;
	v11 =	vshll.u32 v14, $0x7;
	v10 =	vmul.u32 $0xC00, v10;
	s20 =	sshra.s32 s29, $0x2  }
.LBB2_4:
0x153: {  	s20 =	sor.u32 s19, s20  }
0x154: {  	[tilespmem:v13+s22+$0x0] =	vst.idx.msk $0xffff, v12;
	s8 =	sadd.s32 $0x1, s8;
	s19 =	smov.u32 s18;
	s21 =	sadd.s32 $0x8, s18  }
0x155: {  	p0 =	sne.s32 s18, $0x38;
	v12 =	vld [tilespmem:s20+$0x3680];
	_ =	sdelay $0x4  }
0x156: {  	[tilespmem:s11+$0xFFFFFBF0] =	vst v12  }
0x157: {  	v12 =	vld [tilespmem:s20+$0x3690];
	_ =	sdelay $0x4  }
0x158: {  	[tilespmem:s11+$0xFFFFFC00] =	vst v12  }
0x159: {  	v12 =	vld [tilespmem:s20+$0x36A0];
	_ =	sdelay $0x4  }
0x15a: {  	[tilespmem:s11+$0xFFFFFC10] =	vst v12  }
0x15b: {  	v12 =	vld [tilespmem:s20+$0x36B0];
	_ =	sdelay $0x4  }
0x15c: {  	[tilespmem:s11+$0xFFFFFC20] =	vst v12  }
0x15d: {  	v12 =	vld [tilespmem:s20+$0x36C0];
	_ =	sdelay $0x4  }
0x15e: {  	[tilespmem:s11+$0xFFFFFC30] =	vst v12  }
0x15f: {  	v12 =	vld [tilespmem:s20+$0x36D0];
	_ =	sdelay $0x4  }
0x160: {  	[tilespmem:s11+$0xFFFFFC40] =	vst v12  }
0x161: {  	v12 =	vld [tilespmem:s20+$0x36E0];
	_ =	sdelay $0x4  }
0x162: {  	[tilespmem:s11+$0xFFFFFC50] =	vst v12  }
0x163: {  	v12 =	vld [tilespmem:s20+$0x36F0];
	_ =	sdelay $0x4  }
0x164: {  	[tilespmem:s11+$0xFFFFFC60] =	vst v12  }
0x165: {  	v12 =	vld [tilespmem:s20+$0x3A80];
	_ =	sdelay $0x4  }
0x166: {  	[tilespmem:s11+$0xFFFFFFF0] =	vst v12  }
0x167: {  	v12 =	vld [tilespmem:s20+$0x3A90];
	_ =	sdelay $0x4  }
0x168: {  	[tilespmem:s11+$0x0] =	vst v12  }
0x169: {  	v12 =	vld [tilespmem:s20+$0x3AA0];
	_ =	sdelay $0x4  }
0x16a: {  	[tilespmem:s11+$0x10] =	vst v12  }
0x16b: {  	v12 =	vld [tilespmem:s20+$0x3AB0];
	_ =	sdelay $0x4  }
0x16c: {  	[tilespmem:s11+$0x20] =	vst v12  }
0x16d: {  	v12 =	vld [tilespmem:s20+$0x3AC0];
	_ =	sdelay $0x4  }
0x16e: {  	[tilespmem:s11+$0x30] =	vst v12  }
0x16f: {  	v12 =	vld [tilespmem:s20+$0x3AD0];
	_ =	sdelay $0x4  }
0x170: {  	[tilespmem:s11+$0x40] =	vst v12  }
0x171: {  	v12 =	vld [tilespmem:s20+$0x3AE0];
	_ =	sdelay $0x4  }
0x172: {  	[tilespmem:s11+$0x50] =	vst v12  }
0x173: {  	v12 =	vld [tilespmem:s20+$0x3AF0];
	_ =	sdelay $0x4  }
0x174: {  	[tilespmem:s11+$0x60] =	vst v12  }
0x175: {  	v12 =	vld [tilespmem:s20+$0x3E80];
	_ =	sdelay $0x3  }
0x176: {  	v11 =	vand.u32 $0x380, v11  }
0x177: {  	v10 =	vor.u32 v11, v10;
	[tilespmem:s11+$0x3F0] =	vst v12  }
0x178: {  	v10 =	vor.u32 v1, v10;
	v11 =	vld [tilespmem:s20+$0x3E90]  }
0x179: {  	v10 =	vadd.s32 $0x800, v10;
	_ =	sdelay $0x1  }
0x17a: {  	v12 =	vmov s8  }
0x17b: {  	v13 =	vshll.u32 v12, $0x9;
	v12 =	vshll.u32 v12, $0x7  }
0x17c: {  	v12 =	vand.u32 $0x380, v12;
	[tilespmem:s11+$0x400] =	vst v11;
	v11 =	vand.u32 $0x6000, v13  }
0x17d: {  	v10 =	vld.idx.msk [tilespmem:v10+s14+$0x0], $0xffff;
	v11 =	vor.u32 v11, v12  }
0x17e: {  	v12 =	vor.u32 v2, v11;
	_ =	sdelay $0x4  }
0x17f: {  	s17 =	sshra.s32 s17, $0x2;
	[tilespmem:v12+s22+$0x0] =	vst.idx.msk vm0, v10  }
0x180: {  	v12 =	vor.u32 v3, v11;
	v10 =	vld [tilespmem:s17+$0xF680];
	_ =	sdelay $0x4  }
0x181: {  	[tilespmem:v12+s22+$0x0] =	vst.idx.msk $0xffff, v10  }
0x182: {  	v12 =	vor.u32 v4, v11;
	v10 =	vld [tilespmem:s17+$0xF690];
	_ =	sdelay $0x4  }
0x183: {  	[tilespmem:v12+s22+$0x0] =	vst.idx.msk $0xffff, v10  }
0x184: {  	v12 =	vor.u32 v5, v11;
	v10 =	vld [tilespmem:s17+$0xF6A0];
	_ =	sdelay $0x3  }
0x185: {  	p1 =	slt.s32 s5, $0x64;
	s18 =	smov.u32 s5  }
0x186: {  	s18 =	simm.s32 @!p1 $0x64;
	[tilespmem:v12+s22+$0x0] =	vst.idx.msk $0xffff, v10  }
0x187: {  	v12 =	vor.u32 v6, v11;
	v10 =	vld [tilespmem:s17+$0xF6B0];
	s17 =	sshll.u32 s18, $0x7  }
0x188: {  	v13 =	vor.u32 s17, v0;
	_ =	sdelay $0x3  }
0x189: {  	[tilespmem:v12+s22+$0x0] =	vst.idx.msk $0xffff, v10  }
0x18a: {  	v10 =	vld.idx.msk [tilespmem:v13+s12+$0x0], $0xffff  }
0x18b: {  	v12 =	vor.u32 v7, v11  }
0x18c: {  	v13 =	vor.u32 s17, v8;
	_ =	sdelay $0x1  }
0x18d: {  	s16 =	sadd.s32 $0x1, s16  }
0x18e: {  	s17 =	sld [smem:s16+$0x0]  }
0x18f: {  	[tilespmem:v12+s22+$0x0] =	vst.idx.msk $0xffff, v10  }
0x190: {  	v12 =	vld.idx.msk [tilespmem:v13+s12+$0x0], $0xffff  }
.Ltmp0:
0x191: {  	v13 =	vor.u32 v9, v11;
	s18 =	sadd.s32 s17, s19;
	s19 =	sshll.u32 s17, $0x7;
	(pc) =	sbr.rel @p0 .LBB2_4-.Ltmp0, $4  }
0x192: {  	s20 =	sshrl.u32 s18, $0x3;
	v10 =	vmov s18;
	s17 =	sshll.u32 s18, $0x9  }
0x193: {  	s18 =	smul.u32 $0x3000, s20;
	v14 =	vshrl.u32 v10, $0x3;
	v11 =	vshll.u32 v10, $0x7  }
0x194: {  	s5 =	sadd.s32 $0x1, s5;
	s11 =	sadd.s32 $0x80, s11;
	v10 =	vmul.u32 $0xC00, v14  }
0x195: {  	s19 =	sand.u32 $0x380, s19;
	s20 =	sshra.s32 s18, $0x2;
	s18 =	smov.u32 s21  }
0x196: {  	_ =	sdelay $0x3  }
0x197: {  	s16 =	sor.u32 s19, s20;
	[tilespmem:v13+s22+$0x0] =	vst.idx.msk $0xffff, v12  }
0x198: {  	v12 =	vld [tilespmem:s16+$0x3680];
	_ =	sdelay $0x4  }
0x199: {  	[tilespmem:s11+$0xFFFFFBF0] =	vst v12  }
0x19a: {  	v12 =	vld [tilespmem:s16+$0x3690];
	_ =	sdelay $0x4  }
0x19b: {  	[tilespmem:s11+$0xFFFFFC00] =	vst v12  }
0x19c: {  	v12 =	vld [tilespmem:s16+$0x36A0];
	_ =	sdelay $0x4  }
0x19d: {  	[tilespmem:s11+$0xFFFFFC10] =	vst v12  }
0x19e: {  	v12 =	vld [tilespmem:s16+$0x36B0];
	_ =	sdelay $0x4  }
0x19f: {  	[tilespmem:s11+$0xFFFFFC20] =	vst v12  }
0x1a0: {  	v12 =	vld [tilespmem:s16+$0x36C0];
	_ =	sdelay $0x4  }
0x1a1: {  	[tilespmem:s11+$0xFFFFFC30] =	vst v12  }
0x1a2: {  	v12 =	vld [tilespmem:s16+$0x36D0];
	_ =	sdelay $0x4  }
0x1a3: {  	[tilespmem:s11+$0xFFFFFC40] =	vst v12  }
0x1a4: {  	v12 =	vld [tilespmem:s16+$0x36E0];
	_ =	sdelay $0x4  }
0x1a5: {  	[tilespmem:s11+$0xFFFFFC50] =	vst v12  }
0x1a6: {  	v12 =	vld [tilespmem:s16+$0x36F0];
	_ =	sdelay $0x4  }
0x1a7: {  	[tilespmem:s11+$0xFFFFFC60] =	vst v12  }
0x1a8: {  	v12 =	vld [tilespmem:s16+$0x3A80];
	_ =	sdelay $0x4  }
0x1a9: {  	[tilespmem:s11+$0xFFFFFFF0] =	vst v12  }
0x1aa: {  	v12 =	vld [tilespmem:s16+$0x3A90];
	_ =	sdelay $0x4  }
0x1ab: {  	[tilespmem:s11+$0x0] =	vst v12  }
0x1ac: {  	v12 =	vld [tilespmem:s16+$0x3AA0];
	_ =	sdelay $0x4  }
0x1ad: {  	[tilespmem:s11+$0x10] =	vst v12  }
0x1ae: {  	v12 =	vld [tilespmem:s16+$0x3AB0];
	_ =	sdelay $0x4  }
0x1af: {  	[tilespmem:s11+$0x20] =	vst v12  }
0x1b0: {  	v12 =	vld [tilespmem:s16+$0x3AC0];
	_ =	sdelay $0x4  }
0x1b1: {  	[tilespmem:s11+$0x30] =	vst v12  }
0x1b2: {  	v12 =	vld [tilespmem:s16+$0x3AD0];
	_ =	sdelay $0x4  }
0x1b3: {  	[tilespmem:s11+$0x40] =	vst v12  }
0x1b4: {  	v12 =	vld [tilespmem:s16+$0x3AE0];
	_ =	sdelay $0x4  }
0x1b5: {  	[tilespmem:s11+$0x50] =	vst v12  }
0x1b6: {  	v12 =	vld [tilespmem:s16+$0x3AF0];
	_ =	sdelay $0x4  }
0x1b7: {  	[tilespmem:s11+$0x60] =	vst v12  }
0x1b8: {  	v12 =	vld [tilespmem:s16+$0x3E80];
	_ =	sdelay $0x3  }
0x1b9: {  	v11 =	vand.u32 $0x380, v11  }
0x1ba: {  	v10 =	vor.u32 v11, v10;
	[tilespmem:s11+$0x3F0] =	vst v12  }
0x1bb: {  	v10 =	vor.u32 v1, v10;
	v11 =	vld [tilespmem:s16+$0x3E90]  }
0x1bc: {  	s8 =	sadd.s32 $0x1, s8;
	v10 =	vadd.s32 $0x800, v10  }
0x1bd: {  	v55 =	vmov s8  }
0x1be: {  	v56 =	vshll.u32 v55, $0x9;
	v12 =	vshll.u32 v55, $0x7  }
0x1bf: {  	v13 =	vand.u32 $0x6000, v56;
	v12 =	vand.u32 $0x380, v12  }
0x1c0: {  	[tilespmem:s11+$0x400] =	vst v11;
	v11 =	vor.u32 v13, v12  }
0x1c1: {  	v10 =	vld.idx.msk [tilespmem:v10+s14+$0x0], $0xffff;
	v12 =	vor.u32 v2, v11;
	_ =	sdelay $0x4  }
0x1c2: {  	s29 =	sshra.s32 s17, $0x2;
	[tilespmem:v12+s22+$0x0] =	vst.idx.msk vm0, v10  }
0x1c3: {  	v57 =	vor.u32 v3, v11;
	v10 =	vld [tilespmem:s29+$0xF680];
	_ =	sdelay $0x4  }
0x1c4: {  	[tilespmem:v57+s22+$0x0] =	vst.idx.msk $0xffff, v10  }
0x1c5: {  	v58 =	vor.u32 v4, v11;
	v10 =	vld [tilespmem:s29+$0xF690];
	_ =	sdelay $0x4  }
0x1c6: {  	[tilespmem:v58+s22+$0x0] =	vst.idx.msk $0xffff, v10  }
0x1c7: {  	v59 =	vor.u32 v5, v11;
	v10 =	vld [tilespmem:s29+$0xF6A0];
	_ =	sdelay $0x3  }
0x1c8: {  	p0 =	slt.s32 s5, $0x64  }
0x1c9: {  	s5 =	simm.s32 @!p0 $0x64;
	[tilespmem:v59+s22+$0x0] =	vst.idx.msk $0xffff, v10  }
0x1ca: {  	s5 =	sshll.u32 s5, $0x7;
	v60 =	vor.u32 v6, v11;
	v10 =	vld [tilespmem:s29+$0xF6B0]  }
0x1cb: {  	v61 =	vor.u32 s5, v0;
	_ =	sdelay $0x3  }
0x1cc: {  	[tilespmem:v60+s22+$0x0] =	vst.idx.msk $0xffff, v10  }
0x1cd: {  	v62 =	vor.u32 v7, v11;
	v10 =	vld.idx.msk [tilespmem:v61+s12+$0x0], $0xffff  }
0x1ce: {  	v63 =	vor.u32 s5, v8;
	_ =	sdelay $0x3  }
0x1cf: {  	[tilespmem:v62+s22+$0x0] =	vst.idx.msk $0xffff, v10  }
0x1d0: {  	v11 =	vor.u32 v9, v11;
	v10 =	vld.idx.msk [tilespmem:v63+s12+$0x0], $0xffff;
	_ =	sdelay $0x4  }
0x1d1: {  	[tilespmem:v11+s22+$0x0] =	vst.idx.msk $0xffff, v10  }
0x1d2: {  	p0 =	sgt.u32 s7, $0x3D;
	_ =	swait.ge [sflag:s23], $0x6000  }
.Ltmp1:
0x1d3: {  	[sflag:s23] =	ssyncset.done $0x0;
	(pc) =	sbr.rel @p0 .LBB2_7-.Ltmp1, $4  }
0x1d4: {  	[sflag:s23] =	ssyncadd.s32 $0xFFFFA000  }
0x1d5: {  	_ =	swait.ge [sflag:s24], $0x2000  }
0x1d6: {  	[sflag:s24] =	ssyncset.done $0x0  }
0x1d7: {  	[sflag:s24] =	ssyncadd.s32 $0xFFFFE000  }
0x1d8: {  	s5 =	sand.u32 $0x3FFFFFF8, s10  }
0x1d9: {  	v10 =	vld [tilespmem:s5+$0x10];
	_ =	sdelay $0x4  }
0x1da: {  	(v2sf) =	vpush v10, $0x0;
	_ =	sdelay $0xd  }
0x1db: {  	(v2sf) =	vpush v10, $0x1  }
0x1dc: {  	s5 =	spop (v2sf)  }
0x1dd: {  	s7 =	sshra.s32 s5, $0x1F  }
0x1de: {  	s7 =	sshrl.u32 s7, $0x1D  }
0x1df: {  	s7 =	sadd.s32 s7, s5  }
0x1e0: {  	s8 =	sand.u32 $0xFFFFFFF8, s7  }
0x1e1: {  	p1 =	slt.s32 s5, $0x1;
	p0 =	sne.s32 s5, s8  }
0x1e2: {  	p0 =	por !p1, !p0  }
0x1e3: {  	s8 =	simm.s32 $0x1;
	p0 =	por !p0, !p0  }
0x1e4: {  	s7 =	sshra.s32 s7, $0x3;
	s8 =	simm.s32 @!p0 $0x0  }
0x1e5: {  	s8 =	ssub.s32 s7, s8  }
0x1e6: {  	(v2sf) =	vpush v10, $0x2;
	s7 =	smul.u32 $0x180, s8;
	_ =	sdelay $0x1  }
0x1e7: {  	s7 =	sadd.s32 s4, s7  }
0x1e8: {  	[tilespmem:s14], [sflag:$0x1] =	stream.linear.gather [hbm4b:s7+s3], $0xC00, $0x38;
	[tilespmem:$0x1B680] =	vst v63  }
0x1e9: {  	s8 =	sshll.u32 s8, $0x7;
	s7 =	spop (v2sf)  }
0x1ea: {  	s8 =	sand.u32 $0x1FFFFF80, s8;
	s13 =	sshra.s32 s7, $0x1F  }
0x1eb: {  	s16 =	simm.s32 $0xF680;
	s8 =	sadd.s32 s6, s8;
	s10 =	sshrl.u32 s13, $0x1D  }
0x1ec: {  	[tilespmem:s16], [sflag:$0x3] =	stream.linear.gather [hbm4b:s8+s3], $0x400, $0x38;
	[tilespmem:$0x1B680] =	vst v63  }
0x1ed: {  	s10 =	sadd.s32 s10, s7  }
0x1ee: {  	s11 =	sand.u32 $0xFFFFFFF8, s10  }
0x1ef: {  	p6 =	slt.s32 s7, $0x1;
	p5 =	sne.s32 s7, s11  }
0x1f0: {  	p0 =	por !p6, !p5  }
0x1f1: {  	(v2sf) =	vpush v10, $0x3;
	s11 =	simm.s32 $0x1;
	p0 =	por !p0, !p0  }
0x1f2: {  	s10 =	sshra.s32 s10, $0x3;
	s11 =	simm.s32 @!p0 $0x0  }
0x1f3: {  	s10 =	ssub.s32 s10, s11  }
0x1f4: {  	s8 =	spop (v2sf);
	s11 =	smul.u32 $0x180, s10  }
0x1f5: {  	s18 =	sshra.s32 s8, $0x1F  }
0x1f6: {  	s17 =	simm.s32 $0x4280;
	s16 =	sadd.s32 s4, s11;
	s11 =	sshrl.u32 s18, $0x1D  }
0x1f7: {  	[tilespmem:s17], [sflag:$0x1] =	stream.linear.gather [hbm4b:s16+s3], $0xC00, $0x38;
	[tilespmem:$0x1B680] =	vst v63  }
0x1f8: {  	s10 =	sshll.u32 s10, $0x7;
	s11 =	sadd.s32 s11, s8  }
0x1f9: {  	p2 =	slt.s32 s8, $0x1;
	s10 =	sand.u32 $0x1FFFFF80, s10;
	s19 =	sand.u32 $0xFFFFFFF8, s11  }
0x1fa: {  	s10 =	sadd.s32 s6, s10;
	s17 =	simm.s32 $0xFA80;
	p1 =	sne.s32 s8, s19  }
0x1fb: {  	[tilespmem:s17], [sflag:$0x3] =	stream.linear.gather [hbm4b:s10+s3], $0x400, $0x38;
	[tilespmem:$0x1B680] =	vst v63  }
0x1fc: {  	p0 =	por !p2, !p1  }
0x1fd: {  	s16 =	simm.s32 $0x1;
	p0 =	por !p0, !p0  }
0x1fe: {  	(v2sf) =	vpush v10, $0x4;
	s11 =	sshra.s32 s11, $0x3;
	s16 =	simm.s32 @!p0 $0x0  }
0x1ff: {  	s11 =	ssub.s32 s11, s16  }
0x200: {  	s10 =	spop (v2sf);
	s16 =	smul.u32 $0x180, s11  }
0x201: {  	s29 =	sshra.s32 s10, $0x1F  }
0x202: {  	s21 =	simm.s32 $0x4E80;
	s20 =	sadd.s32 s4, s16;
	s16 =	sshrl.u32 s29, $0x1D  }
0x203: {  	[tilespmem:s21], [sflag:$0x1] =	stream.linear.gather [hbm4b:s20+s3], $0xC00, $0x38;
	[tilespmem:$0x1B680] =	vst v63  }
0x204: {  	s11 =	sshll.u32 s11, $0x7;
	s16 =	sadd.s32 s16, s10  }
0x205: {  	s18 =	simm.s32 $0xFE80;
	s11 =	sand.u32 $0x1FFFFF80, s11;
	s13 =	sand.u32 $0xFFFFFFF8, s16  }
0x206: {  	p4 =	slt.s32 s10, $0x1;
	s11 =	sadd.s32 s6, s11;
	p3 =	sne.s32 s10, s13  }
0x207: {  	[tilespmem:s18], [sflag:$0x3] =	stream.linear.gather [hbm4b:s11+s3], $0x400, $0x38;
	[tilespmem:$0x1B680] =	vst v63  }
0x208: {  	p0 =	por !p4, !p3  }
0x209: {  	s17 =	simm.s32 $0x1;
	p0 =	por !p0, !p0  }
0x20a: {  	s16 =	sshra.s32 s16, $0x3;
	s17 =	simm.s32 @!p0 $0x0  }
0x20b: {  	(v2sf) =	vpush v10, $0x5;
	s16 =	ssub.s32 s16, s17  }
0x20c: {  	s17 =	smul.u32 $0x180, s16  }
0x20d: {  	s11 =	spop (v2sf)  }
0x20e: {  	s18 =	simm.s32 $0x5A80;
	s19 =	sshra.s32 s11, $0x1F;
	s17 =	sadd.s32 s4, s17  }
0x20f: {  	[tilespmem:s18], [sflag:$0x1] =	stream.linear.gather [hbm4b:s17+s3], $0xC00, $0x38;
	[tilespmem:$0x1B680] =	vst v63  }
0x210: {  	s16 =	sshll.u32 s16, $0x7;
	s17 =	sshrl.u32 s19, $0x1D  }
0x211: {  	s16 =	sand.u32 $0x1FFFFF80, s16;
	s17 =	sadd.s32 s17, s11  }
0x212: {  	s16 =	sadd.s32 s6, s16;
	s19 =	simm.s32 $0x10280;
	s20 =	sand.u32 $0xFFFFFFF8, s17  }
0x213: {  	[tilespmem:s19], [sflag:$0x3] =	stream.linear.gather [hbm4b:s16+s3], $0x400, $0x38;
	[tilespmem:$0x1B680] =	vst v63  }
0x214: {  	p6 =	slt.s32 s11, $0x1;
	p5 =	sne.s32 s11, s20  }
0x215: {  	p0 =	por !p6, !p5  }
0x216: {  	s18 =	simm.s32 $0x1;
	p0 =	por !p0, !p0  }
0x217: {  	s17 =	sshra.s32 s17, $0x3;
	s18 =	simm.s32 @!p0 $0x0  }
0x218: {  	(v2sf) =	vpush v10, $0x6;
	s17 =	ssub.s32 s17, s18  }
0x219: {  	s18 =	smul.u32 $0x180, s17  }
0x21a: {  	s16 =	spop (v2sf)  }
0x21b: {  	s21 =	simm.s32 $0x6680;
	s29 =	sshra.s32 s16, $0x1F;
	s18 =	sadd.s32 s4, s18  }
0x21c: {  	[tilespmem:s21], [sflag:$0x1] =	stream.linear.gather [hbm4b:s18+s3], $0xC00, $0x38;
	[tilespmem:$0x1B680] =	vst v63  }
0x21d: {  	s18 =	sshrl.u32 s29, $0x1D  }
0x21e: {  	s18 =	sadd.s32 s18, s16  }
0x21f: {  	s13 =	sand.u32 $0xFFFFFFF8, s18  }
0x220: {  	p2 =	slt.s32 s16, $0x1;
	p1 =	sne.s32 s16, s13  }
0x221: {  	p0 =	por !p2, !p1  }
0x222: {  	s19 =	simm.s32 $0x1;
	p0 =	por !p0, !p0  }
0x223: {  	s17 =	sshll.u32 s17, $0x7;
	s18 =	sshra.s32 s18, $0x3;
	s19 =	simm.s32 @!p0 $0x0  }
0x224: {  	s17 =	sand.u32 $0x1FFFFF80, s17;
	s18 =	ssub.s32 s18, s19  }
0x225: {  	s20 =	simm.s32 $0x10680;
	s17 =	sadd.s32 s6, s17;
	s19 =	smul.u32 $0x180, s18  }
0x226: {  	[tilespmem:s20], [sflag:$0x3] =	stream.linear.gather [hbm4b:s17+s3], $0x400, $0x38;
	[tilespmem:$0x1B680] =	vst v63  }
0x227: {  	s21 =	simm.s32 $0x7280;
	s20 =	sadd.s32 s4, s19;
	s19 =	spop (v2sf);
	(v2sf) =	vpush v10, $0x7  }
0x228: {  	[tilespmem:s21], [sflag:$0x1] =	stream.linear.gather [hbm4b:s20+s3], $0xC00, $0x38;
	[tilespmem:$0x1B680] =	vst v63  }
0x229: {  	s29 =	sshra.s32 s19, $0x1F  }
0x22a: {  	s17 =	sshrl.u32 s29, $0x1D  }
0x22b: {  	s17 =	sadd.s32 s17, s19  }
0x22c: {  	s13 =	sand.u32 $0xFFFFFFF8, s17  }
0x22d: {  	p4 =	slt.s32 s19, $0x1;
	p3 =	sne.s32 s19, s13  }
0x22e: {  	p0 =	por !p4, !p3  }
0x22f: {  	s20 =	simm.s32 $0x1;
	p0 =	por !p0, !p0  }
0x230: {  	s18 =	sshll.u32 s18, $0x7;
	s17 =	sshra.s32 s17, $0x3;
	s20 =	simm.s32 @!p0 $0x0  }
0x231: {  	s18 =	sand.u32 $0x1FFFFF80, s18;
	s17 =	ssub.s32 s17, s20  }
0x232: {  	s18 =	sadd.s32 s6, s18;
	s21 =	simm.s32 $0x10A80;
	s20 =	smul.u32 $0x180, s17  }
0x233: {  	[tilespmem:s21], [sflag:$0x3] =	stream.linear.gather [hbm4b:s18+s3], $0x400, $0x38;
	[tilespmem:$0x1B680] =	vst v63  }
0x234: {  	s21 =	simm.s32 $0x7E80;
	s20 =	sadd.s32 s4, s20  }
0x235: {  	[tilespmem:s21], [sflag:$0x1] =	stream.linear.gather [hbm4b:s20+s3], $0xC00, $0x38;
	[tilespmem:$0x1B680] =	vst v63  }
0x236: {  	s18 =	spop (v2sf)  }
0x237: {  	s17 =	sshll.u32 s17, $0x7;
	s29 =	sshra.s32 s18, $0x1F  }
0x238: {  	s5 =	sand.u32 $0x7, s5;
	s17 =	sand.u32 $0x1FFFFF80, s17;
	s20 =	sshrl.u32 s29, $0x1D  }
0x239: {  	s17 =	sadd.s32 s6, s17;
	s29 =	simm.s32 $0x10E80;
	s20 =	sadd.s32 s20, s18  }
0x23a: {  	[tilespmem:s29], [sflag:$0x3] =	stream.linear.gather [hbm4b:s17+s3], $0x400, $0x38;
	[tilespmem:$0x1B680] =	vst v63  }
0x23b: {  	[smem:$0x0] =	sst s5;
	s13 =	sand.u32 $0xFFFFFFF8, s20  }
0x23c: {  	s7 =	sand.u32 $0x7, s7;
	p6 =	slt.s32 s18, $0x1;
	p5 =	sne.s32 s18, s13  }
0x23d: {  	[smem:$0x1] =	sst s7;
	s8 =	sand.u32 $0x7, s8;
	p0 =	por !p6, !p5  }
0x23e: {  	[smem:$0x2] =	sst s8;
	s21 =	simm.s32 $0x1;
	p0 =	por !p0, !p0  }
0x23f: {  	s10 =	sand.u32 $0x7, s10;
	s20 =	sshra.s32 s20, $0x3;
	s21 =	simm.s32 @!p0 $0x0  }
0x240: {  	[smem:$0x3] =	sst s10;
	s11 =	sand.u32 $0x7, s11;
	s20 =	ssub.s32 s20, s21  }
0x241: {  	[smem:$0x4] =	sst s11;
	s17 =	sand.u32 $0x7, s16;
	s21 =	smul.u32 $0x180, s20  }
0x242: {  	s29 =	simm.s32 $0x8A80;
	[smem:$0x5] =	sst s17  }
0x243: {  	s13 =	sshll.u32 s20, $0x7;
	s20 =	sand.u32 $0x7, s19;
	s21 =	sadd.s32 s4, s21  }
0x244: {  	[tilespmem:s29], [sflag:$0x1] =	stream.linear.gather [hbm4b:s21+s3], $0xC00, $0x38;
	[tilespmem:$0x1B680] =	vst v63  }
0x245: {  	s7 =	sand.u32 $0x1FFFFF80, s13;
	[smem:$0x6] =	sst s20;
	s29 =	sand.u32 $0x7, s18  }
0x246: {  	s7 =	sadd.s32 s6, s7;
	s21 =	simm.s32 $0x11280;
	[smem:$0x7] =	sst s29  }
0x247: {  	[tilespmem:s21], [sflag:$0x3] =	stream.linear.gather [hbm4b:s7+s3], $0x400, $0x38;
	[tilespmem:$0x1B680] =	vst v63  }
.LBB2_7:
0x248: {  	s5 =	sld [smem:$0x80];
	_ =	sdelay $0x2  }
0x249: {  	s7 =	sadd.s32 $0x0, s5  }
0x24a: {  	s8 =	sshrl.u32 s7, $0x3  }
0x24b: {  	s8 =	smul.u32 $0x3000, s8  }
0x24c: {  	s5 =	sshll.u32 s5, $0x7  }
0x24d: {  	s5 =	sand.u32 $0x380, s5;
	s8 =	sshra.s32 s8, $0x2  }
0x24e: {  	s5 =	sor.u32 s5, s8  }
0x24f: {  	v10 =	vld [tilespmem:s5+$0x9680];
	_ =	sdelay $0x4  }
0x250: {  	[tilespmem:s28+$0x0] =	vst v10  }
0x251: {  	v10 =	vld [tilespmem:s5+$0x9690];
	_ =	sdelay $0x4  }
0x252: {  	[tilespmem:s28+$0x10] =	vst v10  }
0x253: {  	v10 =	vld [tilespmem:s5+$0x96A0];
	_ =	sdelay $0x4  }
0x254: {  	[tilespmem:s28+$0x20] =	vst v10  }
0x255: {  	v10 =	vld [tilespmem:s5+$0x96B0];
	_ =	sdelay $0x4  }
0x256: {  	[tilespmem:s28+$0x30] =	vst v10  }
0x257: {  	v10 =	vld [tilespmem:s5+$0x96C0];
	_ =	sdelay $0x4  }
0x258: {  	[tilespmem:s28+$0x40] =	vst v10  }
0x259: {  	v10 =	vld [tilespmem:s5+$0x96D0];
	_ =	sdelay $0x4  }
0x25a: {  	[tilespmem:s28+$0x50] =	vst v10  }
0x25b: {  	v10 =	vld [tilespmem:s5+$0x96E0];
	_ =	sdelay $0x4  }
0x25c: {  	[tilespmem:s28+$0x60] =	vst v10  }
0x25d: {  	v10 =	vld [tilespmem:s5+$0x96F0];
	_ =	sdelay $0x4  }
0x25e: {  	[tilespmem:s28+$0x70] =	vst v10  }
0x25f: {  	v10 =	vld [tilespmem:s5+$0x9A80];
	_ =	sdelay $0x4  }
0x260: {  	[tilespmem:s28+$0x400] =	vst v10  }
0x261: {  	v10 =	vld [tilespmem:s5+$0x9A90];
	_ =	sdelay $0x4  }
0x262: {  	[tilespmem:s28+$0x410] =	vst v10  }
0x263: {  	v10 =	vld [tilespmem:s5+$0x9AA0];
	_ =	sdelay $0x4  }
0x264: {  	[tilespmem:s28+$0x420] =	vst v10  }
0x265: {  	v10 =	vld [tilespmem:s5+$0x9AB0];
	_ =	sdelay $0x4  }
0x266: {  	[tilespmem:s28+$0x430] =	vst v10  }
0x267: {  	v10 =	vld [tilespmem:s5+$0x9AC0];
	_ =	sdelay $0x4  }
0x268: {  	[tilespmem:s28+$0x440] =	vst v10  }
0x269: {  	v10 =	vld [tilespmem:s5+$0x9AD0];
	_ =	sdelay $0x4  }
0x26a: {  	[tilespmem:s28+$0x450] =	vst v10  }
0x26b: {  	v10 =	vld [tilespmem:s5+$0x9AE0];
	_ =	sdelay $0x4  }
0x26c: {  	[tilespmem:s28+$0x460] =	vst v10  }
0x26d: {  	v10 =	vld [tilespmem:s5+$0x9AF0];
	_ =	sdelay $0x4  }
0x26e: {  	[tilespmem:s28+$0x470] =	vst v10  }
0x26f: {  	v10 =	vld [tilespmem:s5+$0x9E80]  }
0x270: {  	v11 =	vmov s7  }
0x271: {  	v12 =	vshrl.u32 v11, $0x3  }
0x272: {  	v11 =	vshll.u32 v11, $0x7;
	v12 =	vmul.u32 $0xC00, v12  }
0x273: {  	v11 =	vand.u32 $0x380, v11  }
0x274: {  	[tilespmem:s28+$0x800] =	vst v10;
	v10 =	vor.u32 v11, v12  }
0x275: {  	v11 =	vld [tilespmem:s5+$0x9E90];
	v10 =	vor.u32 v1, v10  }
0x276: {  	v10 =	vadd.s32 $0x800, v10  }
0x277: {  	v12 =	vmov s26  }
0x278: {  	v13 =	vshll.u32 v12, $0x9;
	v12 =	vshll.u32 v12, $0x7  }
0x279: {  	v13 =	vand.u32 $0x7000, v13;
	v12 =	vand.u32 $0x380, v12  }
0x27a: {  	[tilespmem:s28+$0x810] =	vst v11;
	v11 =	vor.u32 v13, v12  }
0x27b: {  	v10 =	vld.idx.msk [tilespmem:v10+s0+$0x0], $0xffff;
	v12 =	vor.u32 v2, v11;
	_ =	sdelay $0x3  }
0x27c: {  	s18 =	sshll.u32 s7, $0x9  }
0x27d: {  	s5 =	sshra.s32 s18, $0x2;
	[tilespmem:v12+s22+$0x0] =	vst.idx.msk vm0, v10  }
0x27e: {  	v12 =	vor.u32 v3, v11;
	v10 =	vld [tilespmem:s5+$0x11680];
	_ =	sdelay $0x4  }
0x27f: {  	[tilespmem:v12+s22+$0x0] =	vst.idx.msk $0xffff, v10  }
0x280: {  	v12 =	vor.u32 v4, v11;
	v10 =	vld [tilespmem:s5+$0x11690];
	_ =	sdelay $0x4  }
0x281: {  	[tilespmem:v12+s22+$0x0] =	vst.idx.msk $0xffff, v10  }
0x282: {  	v12 =	vor.u32 v5, v11;
	v10 =	vld [tilespmem:s5+$0x116A0];
	_ =	sdelay $0x3  }
0x283: {  	p0 =	slt.s32 s2, $0x64;
	s7 =	smov.u32 s2  }
0x284: {  	s7 =	simm.s32 @!p0 $0x64;
	[tilespmem:v12+s22+$0x0] =	vst.idx.msk $0xffff, v10  }
0x285: {  	s19 =	sshll.u32 s7, $0x7;
	v12 =	vor.u32 v6, v11;
	v10 =	vld [tilespmem:s5+$0x116B0]  }
0x286: {  	v13 =	vor.u32 s19, v0;
	_ =	sdelay $0x3  }
0x287: {  	[tilespmem:v12+s22+$0x0] =	vst.idx.msk $0xffff, v10  }
0x288: {  	v12 =	vor.u32 v7, v11;
	v10 =	vld.idx.msk [tilespmem:v13+s12+$0x0], $0xffff  }
0x289: {  	v13 =	vor.u32 s19, v8  }
0x28a: {  	s20 =	sld [smem:$0x81];
	_ =	sdelay $0x2  }
0x28b: {  	s21 =	sadd.s32 $0x8, s20;
	[tilespmem:v12+s22+$0x0] =	vst.idx.msk $0xffff, v10  }
0x28c: {  	s10 =	simm.s32 $0x81;
	s29 =	sshrl.u32 s21, $0x3;
	v12 =	vld.idx.msk [tilespmem:v13+s12+$0x0], $0xffff;
	v13 =	vor.u32 v9, v11  }
0x28d: {  	s7 =	sadd.s32 $0x80, s28;
	s5 =	sadd.s32 $0x1, s2;
	v14 =	vmov s21;
	s8 =	smul.u32 $0x3000, s29  }
0x28e: {  	s19 =	simm.s32 $0x10;
	s16 =	sshll.u32 s20, $0x7;
	s11 =	sshll.u32 s21, $0x9;
	v10 =	vshrl.u32 v14, $0x3  }
0x28f: {  	s17 =	sand.u32 $0x380, s16;
	v11 =	vshll.u32 v14, $0x7;
	v10 =	vmul.u32 $0xC00, v10;
	s18 =	sshra.s32 s8, $0x2;
	s8 =	smov.u32 s26  }
.LBB2_8:
0x290: {  	s18 =	sor.u32 s17, s18  }
0x291: {  	[tilespmem:v13+s22+$0x0] =	vst.idx.msk $0xffff, v12;
	s8 =	sadd.s32 $0x1, s8;
	s17 =	smov.u32 s19;
	s16 =	sadd.s32 $0x8, s19  }
0x292: {  	p0 =	sne.s32 s19, $0x38;
	v12 =	vld [tilespmem:s18+$0x9680];
	_ =	sdelay $0x4  }
0x293: {  	[tilespmem:s7+$0x0] =	vst v12  }
0x294: {  	v12 =	vld [tilespmem:s18+$0x9690];
	_ =	sdelay $0x4  }
0x295: {  	[tilespmem:s7+$0x10] =	vst v12  }
0x296: {  	v12 =	vld [tilespmem:s18+$0x96A0];
	_ =	sdelay $0x4  }
0x297: {  	[tilespmem:s7+$0x20] =	vst v12  }
0x298: {  	v12 =	vld [tilespmem:s18+$0x96B0];
	_ =	sdelay $0x4  }
0x299: {  	[tilespmem:s7+$0x30] =	vst v12  }
0x29a: {  	v12 =	vld [tilespmem:s18+$0x96C0];
	_ =	sdelay $0x4  }
0x29b: {  	[tilespmem:s7+$0x40] =	vst v12  }
0x29c: {  	v12 =	vld [tilespmem:s18+$0x96D0];
	_ =	sdelay $0x4  }
0x29d: {  	[tilespmem:s7+$0x50] =	vst v12  }
0x29e: {  	v12 =	vld [tilespmem:s18+$0x96E0];
	_ =	sdelay $0x4  }
0x29f: {  	[tilespmem:s7+$0x60] =	vst v12  }
0x2a0: {  	v12 =	vld [tilespmem:s18+$0x96F0];
	_ =	sdelay $0x4  }
0x2a1: {  	[tilespmem:s7+$0x70] =	vst v12  }
0x2a2: {  	v12 =	vld [tilespmem:s18+$0x9A80];
	_ =	sdelay $0x4  }
0x2a3: {  	[tilespmem:s7+$0x400] =	vst v12  }
0x2a4: {  	v12 =	vld [tilespmem:s18+$0x9A90];
	_ =	sdelay $0x4  }
0x2a5: {  	[tilespmem:s7+$0x410] =	vst v12  }
0x2a6: {  	v12 =	vld [tilespmem:s18+$0x9AA0];
	_ =	sdelay $0x4  }
0x2a7: {  	[tilespmem:s7+$0x420] =	vst v12  }
0x2a8: {  	v12 =	vld [tilespmem:s18+$0x9AB0];
	_ =	sdelay $0x4  }
0x2a9: {  	[tilespmem:s7+$0x430] =	vst v12  }
0x2aa: {  	v12 =	vld [tilespmem:s18+$0x9AC0];
	_ =	sdelay $0x4  }
0x2ab: {  	[tilespmem:s7+$0x440] =	vst v12  }
0x2ac: {  	v12 =	vld [tilespmem:s18+$0x9AD0];
	_ =	sdelay $0x4  }
0x2ad: {  	[tilespmem:s7+$0x450] =	vst v12  }
0x2ae: {  	v12 =	vld [tilespmem:s18+$0x9AE0];
	_ =	sdelay $0x4  }
0x2af: {  	[tilespmem:s7+$0x460] =	vst v12  }
0x2b0: {  	v12 =	vld [tilespmem:s18+$0x9AF0];
	_ =	sdelay $0x4  }
0x2b1: {  	[tilespmem:s7+$0x470] =	vst v12  }
0x2b2: {  	v12 =	vld [tilespmem:s18+$0x9E80];
	_ =	sdelay $0x3  }
0x2b3: {  	v11 =	vand.u32 $0x380, v11  }
0x2b4: {  	v10 =	vor.u32 v11, v10;
	[tilespmem:s7+$0x800] =	vst v12  }
0x2b5: {  	v10 =	vor.u32 v1, v10;
	v11 =	vld [tilespmem:s18+$0x9E90]  }
0x2b6: {  	v10 =	vadd.s32 $0x800, v10;
	_ =	sdelay $0x1  }
0x2b7: {  	v12 =	vmov s8  }
0x2b8: {  	v13 =	vshll.u32 v12, $0x9;
	v12 =	vshll.u32 v12, $0x7  }
0x2b9: {  	v12 =	vand.u32 $0x380, v12;
	[tilespmem:s7+$0x810] =	vst v11;
	v11 =	vand.u32 $0x7000, v13  }
0x2ba: {  	v10 =	vld.idx.msk [tilespmem:v10+s0+$0x0], $0xffff;
	v11 =	vor.u32 v11, v12  }
0x2bb: {  	v12 =	vor.u32 v2, v11;
	_ =	sdelay $0x4  }
0x2bc: {  	s11 =	sshra.s32 s11, $0x2;
	[tilespmem:v12+s22+$0x0] =	vst.idx.msk vm0, v10  }
0x2bd: {  	v12 =	vor.u32 v3, v11;
	v10 =	vld [tilespmem:s11+$0x11680];
	_ =	sdelay $0x4  }
0x2be: {  	[tilespmem:v12+s22+$0x0] =	vst.idx.msk $0xffff, v10  }
0x2bf: {  	v12 =	vor.u32 v4, v11;
	v10 =	vld [tilespmem:s11+$0x11690];
	_ =	sdelay $0x4  }
0x2c0: {  	[tilespmem:v12+s22+$0x0] =	vst.idx.msk $0xffff, v10  }
0x2c1: {  	v12 =	vor.u32 v5, v11;
	v10 =	vld [tilespmem:s11+$0x116A0];
	_ =	sdelay $0x3  }
0x2c2: {  	p1 =	slt.s32 s5, $0x64;
	s18 =	smov.u32 s5  }
0x2c3: {  	s18 =	simm.s32 @!p1 $0x64;
	[tilespmem:v12+s22+$0x0] =	vst.idx.msk $0xffff, v10  }
0x2c4: {  	v12 =	vor.u32 v6, v11;
	v10 =	vld [tilespmem:s11+$0x116B0];
	s11 =	sshll.u32 s18, $0x7  }
0x2c5: {  	v13 =	vor.u32 s11, v0;
	_ =	sdelay $0x3  }
0x2c6: {  	[tilespmem:v12+s22+$0x0] =	vst.idx.msk $0xffff, v10  }
0x2c7: {  	v10 =	vld.idx.msk [tilespmem:v13+s12+$0x0], $0xffff  }
0x2c8: {  	v12 =	vor.u32 v7, v11  }
0x2c9: {  	v13 =	vor.u32 s11, v8;
	_ =	sdelay $0x1  }
0x2ca: {  	s10 =	sadd.s32 $0x1, s10  }
0x2cb: {  	s11 =	sld [smem:s10+$0x0]  }
0x2cc: {  	[tilespmem:v12+s22+$0x0] =	vst.idx.msk $0xffff, v10  }
0x2cd: {  	v12 =	vld.idx.msk [tilespmem:v13+s12+$0x0], $0xffff  }
.Ltmp2:
0x2ce: {  	v13 =	vor.u32 v9, v11;
	s17 =	sadd.s32 s11, s17;
	s18 =	sshll.u32 s11, $0x7;
	(pc) =	sbr.rel @p0 .LBB2_8-.Ltmp2, $4  }
0x2cf: {  	s19 =	sshrl.u32 s17, $0x3;
	v10 =	vmov s17;
	s11 =	sshll.u32 s17, $0x9  }
0x2d0: {  	s19 =	smul.u32 $0x3000, s19;
	v14 =	vshrl.u32 v10, $0x3;
	v11 =	vshll.u32 v10, $0x7  }
0x2d1: {  	s5 =	sadd.s32 $0x1, s5;
	s7 =	sadd.s32 $0x80, s7;
	v10 =	vmul.u32 $0xC00, v14  }
0x2d2: {  	s17 =	sand.u32 $0x380, s18;
	s18 =	sshra.s32 s19, $0x2;
	s19 =	smov.u32 s16  }
0x2d3: {  	_ =	sdelay $0x3  }
0x2d4: {  	s10 =	sor.u32 s17, s18;
	[tilespmem:v13+s22+$0x0] =	vst.idx.msk $0xffff, v12  }
0x2d5: {  	v12 =	vld [tilespmem:s10+$0x9680];
	_ =	sdelay $0x4  }
0x2d6: {  	[tilespmem:s7+$0x0] =	vst v12  }
0x2d7: {  	v12 =	vld [tilespmem:s10+$0x9690];
	_ =	sdelay $0x4  }
0x2d8: {  	[tilespmem:s7+$0x10] =	vst v12  }
0x2d9: {  	v12 =	vld [tilespmem:s10+$0x96A0];
	_ =	sdelay $0x4  }
0x2da: {  	[tilespmem:s7+$0x20] =	vst v12  }
0x2db: {  	v12 =	vld [tilespmem:s10+$0x96B0];
	_ =	sdelay $0x4  }
0x2dc: {  	[tilespmem:s7+$0x30] =	vst v12  }
0x2dd: {  	v12 =	vld [tilespmem:s10+$0x96C0];
	_ =	sdelay $0x4  }
0x2de: {  	[tilespmem:s7+$0x40] =	vst v12  }
0x2df: {  	v12 =	vld [tilespmem:s10+$0x96D0];
	_ =	sdelay $0x4  }
0x2e0: {  	[tilespmem:s7+$0x50] =	vst v12  }
0x2e1: {  	v12 =	vld [tilespmem:s10+$0x96E0];
	_ =	sdelay $0x4  }
0x2e2: {  	[tilespmem:s7+$0x60] =	vst v12  }
0x2e3: {  	v12 =	vld [tilespmem:s10+$0x96F0];
	_ =	sdelay $0x4  }
0x2e4: {  	[tilespmem:s7+$0x70] =	vst v12  }
0x2e5: {  	v12 =	vld [tilespmem:s10+$0x9A80];
	_ =	sdelay $0x4  }
0x2e6: {  	[tilespmem:s7+$0x400] =	vst v12  }
0x2e7: {  	v12 =	vld [tilespmem:s10+$0x9A90];
	_ =	sdelay $0x4  }
0x2e8: {  	[tilespmem:s7+$0x410] =	vst v12  }
0x2e9: {  	v12 =	vld [tilespmem:s10+$0x9AA0];
	_ =	sdelay $0x4  }
0x2ea: {  	[tilespmem:s7+$0x420] =	vst v12  }
0x2eb: {  	v12 =	vld [tilespmem:s10+$0x9AB0];
	_ =	sdelay $0x4  }
0x2ec: {  	[tilespmem:s7+$0x430] =	vst v12  }
0x2ed: {  	v12 =	vld [tilespmem:s10+$0x9AC0];
	_ =	sdelay $0x4  }
0x2ee: {  	[tilespmem:s7+$0x440] =	vst v12  }
0x2ef: {  	v12 =	vld [tilespmem:s10+$0x9AD0];
	_ =	sdelay $0x4  }
0x2f0: {  	[tilespmem:s7+$0x450] =	vst v12  }
0x2f1: {  	v12 =	vld [tilespmem:s10+$0x9AE0];
	_ =	sdelay $0x4  }
0x2f2: {  	[tilespmem:s7+$0x460] =	vst v12  }
0x2f3: {  	v12 =	vld [tilespmem:s10+$0x9AF0];
	_ =	sdelay $0x4  }
0x2f4: {  	[tilespmem:s7+$0x470] =	vst v12  }
0x2f5: {  	v12 =	vld [tilespmem:s10+$0x9E80];
	_ =	sdelay $0x3  }
0x2f6: {  	v11 =	vand.u32 $0x380, v11  }
0x2f7: {  	v10 =	vor.u32 v11, v10;
	[tilespmem:s7+$0x800] =	vst v12  }
0x2f8: {  	v10 =	vor.u32 v1, v10;
	v11 =	vld [tilespmem:s10+$0x9E90]  }
0x2f9: {  	s8 =	sadd.s32 $0x1, s8;
	v10 =	vadd.s32 $0x800, v10  }
0x2fa: {  	v55 =	vmov s8  }
0x2fb: {  	v56 =	vshll.u32 v55, $0x9;
	v12 =	vshll.u32 v55, $0x7  }
0x2fc: {  	v13 =	vand.u32 $0x7000, v56;
	v12 =	vand.u32 $0x380, v12  }
0x2fd: {  	[tilespmem:s7+$0x810] =	vst v11;
	v11 =	vor.u32 v13, v12  }
0x2fe: {  	v10 =	vld.idx.msk [tilespmem:v10+s0+$0x0], $0xffff;
	v12 =	vor.u32 v2, v11;
	_ =	sdelay $0x4  }
0x2ff: {  	s29 =	sshra.s32 s11, $0x2;
	[tilespmem:v12+s22+$0x0] =	vst.idx.msk vm0, v10  }
0x300: {  	v57 =	vor.u32 v3, v11;
	v10 =	vld [tilespmem:s29+$0x11680];
	_ =	sdelay $0x4  }
0x301: {  	[tilespmem:v57+s22+$0x0] =	vst.idx.msk $0xffff, v10  }
0x302: {  	v58 =	vor.u32 v4, v11;
	v10 =	vld [tilespmem:s29+$0x11690];
	_ =	sdelay $0x4  }
0x303: {  	[tilespmem:v58+s22+$0x0] =	vst.idx.msk $0xffff, v10  }
0x304: {  	v59 =	vor.u32 v5, v11;
	v10 =	vld [tilespmem:s29+$0x116A0];
	_ =	sdelay $0x3  }
0x305: {  	p0 =	slt.s32 s5, $0x64  }
0x306: {  	s5 =	simm.s32 @!p0 $0x64;
	[tilespmem:v59+s22+$0x0] =	vst.idx.msk $0xffff, v10  }
0x307: {  	s5 =	sshll.u32 s5, $0x7;
	v60 =	vor.u32 v6, v11;
	v10 =	vld [tilespmem:s29+$0x116B0]  }
0x308: {  	v61 =	vor.u32 s5, v0;
	_ =	sdelay $0x3  }
0x309: {  	[tilespmem:v60+s22+$0x0] =	vst.idx.msk $0xffff, v10  }
0x30a: {  	v62 =	vor.u32 v7, v11;
	v10 =	vld.idx.msk [tilespmem:v61+s12+$0x0], $0xffff  }
0x30b: {  	v63 =	vor.u32 s5, v8;
	_ =	sdelay $0x3  }
0x30c: {  	s9 =	sadd.s32 $0x1, s9;
	[tilespmem:v62+s22+$0x0] =	vst.idx.msk $0xffff, v10  }
0x30d: {  	p0 =	sne.s32 s9, $0x4;
	v11 =	vor.u32 v9, v11;
	v10 =	vld.idx.msk [tilespmem:v63+s12+$0x0], $0xffff  }
.Ltmp3:
0x30e: {  	_ = 	snop;
	(pc) =	sbr.rel @p0 .LBB2_3-.Ltmp3, $3  }
0x30f: {  	_ =	sdelay $0x1  }
0x310: {  	s15 =	sadd.s32 $0x10, s15;
	s1 =	sadd.s32 $0x10, s1;
	s25 =	sadd.s32 $0x2000, s25  }
0x311: {  	s26 =	sadd.s32 $0x10, s26;
	s2 =	sadd.s32 $0x10, s2;
	s28 =	sadd.s32 $0x2000, s28;
	[tilespmem:v11+s22+$0x0] =	vst.idx.msk $0xffff, v10  }
0x312: {  	s1 =	rddreg [dreg:$0xd]  }
0x313: {  	s2 =	rddreg [dreg:$0x5];
	s1 =	sshll.u32 s1, $0x6  }
0x314: {  	s29 =	simm.s32 $0x5;
	s1 =	sadd.s32 s2, s1  }
0x315: {  	[hbm4b:s1+s3] =	stream.linear.scatter [tilespmem:s22], [sflag:$0x5], $0x8000, $0x38;
	[tilespmem:$0x1B680] =	vst v63  }
0x316: {  	_ =	swait.ge [sflag:s29], $0x8000  }
0x317: {  	s8 =	rddreg [dreg:$0xc]  }
0x318: {  	s8 =	sadd.s32 $0x1, s8  }
0x319: {  	p0 =	sne.s32 s8, $0x8  }
.Ltmp4:
0x31a: {  	_ = 	snop;
	(pc) =	sbr.rel @p0 .LBB2_2-.Ltmp4, $4  }
0x31b: {  	_ = 	snop  }
0x31c: {  	s7 =	rddreg [dreg:$0xb]  }
0x31d: {  	[sflag:s29] =	ssyncset.done $0x0;
	s5 =	rddreg [dreg:$0xa]  }
0x31e: {  	[sflag:s29] =	ssyncadd.s32 $0xFFFF8000;
	s7 =	sadd.s32 $0x40, s7;
	s5 =	sadd.s32 $0x40, s5  }
0x31f: {  	s2 =	rddreg [dreg:$0x9]  }
0x320: {  	s1 =	rddreg [dreg:$0x7];
	s2 =	sadd.s32 $0x1, s2  }
0x321: {  	p0 =	sne.s32 s2, s1  }
.Ltmp5:
0x322: {  	_ = 	snop;
	(pc) =	sbr.rel @p0 .LBB2_1-.Ltmp5, $1  }
0x323: {  	_ =	sdelay $0x3  }
0x324: {  	_ =	sfence.sel $0x180000  }
0x325: {  	[bflag:$0x0] =	sbarrier.arrive $0xFFFF  }
0x326: {  	_ =	strace $0x90000047  }
0x327: {  	s0 =	stileid.u32;
	[bflag:$0x2] =	sbarrier.arrive $0xFFFF  }
0x328: {  	p0 =	sne.s32 s0, $0x0;
	s0 =	rddreg [dreg:$0x3]  }
0x329: {  	s0 =	sadd.s32 @!p0 $0x100000, s0  }
0x32a: {  	[sflag:s0] =	ssyncadd.tile.s32 @!p0 $0x1;
	_ =	shalt  }
.Lfunc_end2:
_tile_overlayer_lowered:
.L_overlay_start_2:
0x32b: {  	(tag) =	ssettag $0x2  }
0x32c: {  	s0 =	rddreg [dreg:$0x0];
	s2 =	stileid.u32  }
0x32d: {  	s1 =	rddreg [dreg:$0x1];
	p0 =	sne.s32 s2, $0x0  }
0x32e: {  	s3 =	rddreg [dreg:$0x2];
	[bflag:$0x3] =	sbarrier.arrive $0xFFFF;
	s2 =	simm.s32 @!p0 $0x1C05  }
0x32f: {  	[timem:s3], [sflag:s2] =	dma.local @!p0 [hbm:s0], s1  }
0x330: {  	s0 =	simm.s32 @!p0 $0x5  }
0x331: {  	_ =	swait.ge @!p0 [sflag:s0], s1  }
0x332: {  	s1 =	ssub.s32 @!p0 $0x0, s1;
	[sflag:s0] =	ssyncset.done @!p0 $0x0  }
0x333: {  	[sflag:s0] =	ssyncadd.s32 @!p0 s1  }
0x334: {  	[bflag:$0x3] =	sbarrier.arrive $0xFFFF  }
0x335: {  	_ =	shalt  }

</sc_bundles>
